<compile_context>
chip_gen: v7x
topology: tpu7x:2x2x1
jax: 0.10.2.dev20260603
libtpu: 0.0.44.dev20260713+nightly
codegen_flags: <defaults>
</compile_context>

<pallas_src>
import dataclasses
import functools

import jax
import jax.numpy as jnp
from jax import lax
from jax.experimental import pallas as pl
from jax.experimental.pallas import tpu as pltpu
from jax.experimental.pallas import tpu_sc as plsc

_B, _NN, _LB, _TRAJ = 64, 10000, 8, 64
_NP = 10240
_RPB = _NP // 128


def _tc_a(x, fc1_W, fc1_b, emb_stop, Wl, Wr):

    def body(fb_ref, x_ref, fw_ref, emb_ref, wl_ref, wr_ref,
             o_ref, phi_ref):
        w = fw_ref[0, :]
        fb = fb_ref[0]
        for r in range(8):
            row = jnp.sum(x_ref[r] * w[:, None], axis=0) + fb
            o_ref[pl.ds(r * _NP, _NN)] = row

        @pl.when(pl.program_id(0) == 0)
        def _():
            embT = emb_ref[...]
            phi_ref[pl.ds(0, _NN)] = jnp.sum(
                embT * wl_ref[0, 36:48][:, None], axis=0)
            phi_ref[pl.ds(_NP, _NN)] = jnp.sum(
                embT * wr_ref[0, 36:48][:, None], axis=0)

    return pl.pallas_call(
        body,
        grid=(8,),
        in_specs=[
            pl.BlockSpec(memory_space=pltpu.SMEM),
            pl.BlockSpec((8, _LB, _NN), lambda i: (i, 0, 0)),
            pl.BlockSpec((1, _LB), lambda i: (0, 0)),
            pl.BlockSpec((12, _NN), lambda i: (0, 0)),
            pl.BlockSpec((1, 50), lambda i: (0, 0)),
            pl.BlockSpec((1, 50), lambda i: (0, 0)),
        ],
        out_specs=[
            pl.BlockSpec((8 * _NP,), lambda i: (i,)),
            pl.BlockSpec((2 * _NP,), lambda i: (0,)),
        ],
        out_shape=[
            jax.ShapeDtypeStruct((_B * _NP,), jnp.float32),
            jax.ShapeDtypeStruct((2 * _NP,), jnp.float32),
        ],
    )(fc1_b, x, fc1_W, emb_stop.T, Wl, Wr)


def _sc_kernel(stops, out_flat, phi_flat, x_dist, pack, x_week, x_feat_flat,
               emb_week_flat):
    mesh = plsc.VectorSubcoreMesh(core_axis_name="c", subcore_axis_name="s")
    cp = pltpu.CompilerParams(use_tc_tiling_on_sc=False)
    if "needs_layout_passes" in pltpu.CompilerParams.__dataclass_fields__:
        cp = dataclasses.replace(cp, needs_layout_passes=False)

    @functools.partial(
        pl.kernel,
        mesh=mesh,
        out_type=jax.ShapeDtypeStruct((_B * _NP,), jnp.float32),
        scratch_types=[
            pltpu.VMEM((_TRAJ,), jnp.int32),
            pltpu.VMEM((_TRAJ,), jnp.int32),
            pltpu.VMEM((_TRAJ,), jnp.int32),
            pltpu.VMEM((_TRAJ,), jnp.float32),
            pltpu.VMEM((_TRAJ,), jnp.float32),
            pltpu.VMEM((_TRAJ,), jnp.float32),
            pltpu.VMEM((_TRAJ,), jnp.float32),
            pltpu.VMEM((_NN,), jnp.float32),
            pltpu.VMEM((_NN,), jnp.float32),
            pltpu.VMEM((_NN,), jnp.float32),
            pltpu.VMEM((_NN,), jnp.float32),
            pltpu.VMEM((144,), jnp.float32),
            pltpu.VMEM((64,), jnp.int32),
            pltpu.VMEM((128,), jnp.float32),
            pltpu.VMEM((240,), jnp.float32),
            pltpu.SemaphoreType.DMA,
            pltpu.SemaphoreType.DMA,
        ],
        compiler_params=cp,
    )
    def sck(stops_hbm, oflat_hbm, phi_hbm, xd_hbm, pack_hbm, xw_hbm, xf_hbm,
            ew_hbm, sage_hbm,
            sb, oidx, pidx, osrc_v, phl_v, phr_v, xd_v,
            aggl0, cntl0, aggl1, cntl1, packb, xwbuf, xfbuf, ewbuf,
            sem_g, sem_out):
        wid = lax.axis_index("s") * 2 + lax.axis_index("c")
        pltpu.sync_copy(pack_hbm, packb)
        pltpu.sync_copy(xw_hbm, xwbuf)
        pltpu.sync_copy(xf_hbm, xfbuf)
        pltpu.sync_copy(ew_hbm, ewbuf)
        iota = lax.iota(jnp.int32, 16)
        p0 = packb[pl.ds(0, 16)]
        wl48 = jnp.sum(jnp.where(iota == 0, p0, 0.0))
        wl49 = jnp.sum(jnp.where(iota == 1, p0, 0.0))
        blv = jnp.sum(jnp.where(iota == 2, p0, 0.0))
        ones16 = jnp.ones((16,), jnp.float32)
        masks = [(iota == j) for j in range(16)]
        wlA = packb[pl.ds(16, 16)]
        wlB = packb[pl.ds(32, 16)]
        wlC = packb[pl.ds(48, 16)]
        wrA = packb[pl.ds(80, 16)]
        wrB = packb[pl.ds(96, 16)]
        wrC = packb[pl.ds(112, 16)]

        out_copies = []
        for r, (aggl, cntl) in enumerate(((aggl0, cntl0), (aggl1, cntl1))):
            b = wid * 2 + r
            bv = jnp.full((16,), 0, jnp.int32) + b
            pltpu.sync_copy(stops_hbm.at[b], sb)
            boff = b * _NP
            for u in range(4):
                sbu = sb[pl.ds(u * 16, 16)]
                oidx[pl.ds(u * 16, 16)] = sbu + boff
                pidx[pl.ds(u * 16, 16)] = sbu + _NP
            cps = [
                pltpu.async_copy(oflat_hbm.at[oidx], osrc_v, sem_g),
                pltpu.async_copy(phi_hbm.at[sb], phl_v, sem_g),
                pltpu.async_copy(phi_hbm.at[pidx], phr_v, sem_g),
                pltpu.async_copy(xd_hbm.at[sb], xd_v, sem_g),
            ]

            @pl.loop(0, _NN, step=400)
            def _(i):
                z = jnp.zeros((16,), jnp.float32)
                for u in range(25):
                    aggl[pl.ds(i + u * 16, 16)] = z
                    cntl[pl.ds(i + u * 16, 16)] = z

            for c in cps:
                c.wait()

            phl = jnp.zeros((16,), jnp.float32)
            phr = jnp.zeros((16,), jnp.float32)
            for u in range(4):
                phl = phl + phl_v[pl.ds(u * 16, 16)]
                phr = phr + phr_v[pl.ds(u * 16, 16)]
            wv = plsc.load_gather(xwbuf, [bv]) * 34
            ew0 = plsc.load_gather(ewbuf, [wv + iota])
            ew1 = plsc.load_gather(ewbuf, [wv + (iota + 16)])
            ew2 = plsc.load_gather(
                ewbuf, [jnp.minimum(wv + (iota + 32), 237)])
            xfg = plsc.load_gather(
                xfbuf, [jnp.clip(iota + (2 * b - 2), 0, 127)])
            chunk2 = jnp.where(iota < 2, ew2,
                               jnp.where(iota < 4, xfg, 0.0))
            cl = jnp.sum(ew0 * wlA + ew1 * wlB + chunk2 * wlC + phl)
            crbl = blv + jnp.sum(ew0 * wrA + ew1 * wrB + chunk2 * wrC + phr)

            for c in range(4):
                toff = c * 16
                v = (osrc_v[pl.ds(toff, 16)] * wl48
                     + xd_v[pl.ds(toff, 16)] * wl49)
                valid = (iota + toff) < (_TRAJ - 1)
                dstv = plsc.load_gather(
                    sb, [jnp.minimum(iota + (toff + 1), _TRAJ - 1)])
                for j in range(16):
                    m = valid & masks[j]
                    plsc.addupdate_scatter(aggl, [dstv], v, mask=m)
                    plsc.addupdate_scatter(cntl, [dstv], ones16, mask=m)

            @pl.loop(0, _NN, step=80)
            def _(i):
                for u in range(5):
                    sl = pl.ds(i + u * 16, 16)
                    cn = cntl[sl]
                    mean = aggl[sl] / jnp.maximum(cn, 1.0)
                    aggl[sl] = (mean + jnp.where(cn >= 0.5, cl, 0.0)
                                + crbl)

            out_copies.append(pltpu.async_copy(
                aggl, sage_hbm.at[pl.ds(boff, _NN)], sem_out))

        for c in out_copies:
            c.wait()

    return sck(stops, out_flat, phi_flat, x_dist, pack, x_week, x_feat_flat,
               emb_week_flat)


def _tc_b(out2, sage2, xd2, Wr):

    def body(out_ref, sage_ref, xd_ref, wr_ref, o_ref):
        wr = wr_ref[0, :]
        wr48 = wr[48:49]
        wr49 = wr[49:50]
        rowi = lax.broadcasted_iota(jnp.int32, (_RPB, 128), 0)
        lanei = lax.broadcasted_iota(jnp.int32, (_RPB, 128), 1)
        vmask = (rowi * 128 + lanei) < _NN
        xdw = xd_ref[...] * wr49
        gs = []
        for r in range(8):
            sl = pl.ds(r * _RPB, _RPB)
            g = sage_ref[sl, :] + out_ref[sl, :] * wr48 + xdw
            gs.append(jnp.where(vmask, g, -1e30))
        gms = [jnp.max(g) for g in gs]
        es = [jnp.exp(g - gm) for g, gm in zip(gs, gms)]
        lses = [gm + jnp.log(jnp.sum(e)) for gm, e in zip(gms, es)]
        for r in range(8):
            o_ref[pl.ds(r * _RPB, _RPB), :] = gs[r] - lses[r]

    return pl.pallas_call(
        body,
        grid=(8,),
        in_specs=[
            pl.BlockSpec((8 * _RPB, 128), lambda i: (i, 0)),
            pl.BlockSpec((8 * _RPB, 128), lambda i: (i, 0)),
            pl.BlockSpec((_RPB, 128), lambda i: (0, 0)),
            pl.BlockSpec((1, 50), lambda i: (0, 0)),
        ],
        out_specs=pl.BlockSpec((8 * _RPB, 128), lambda i: (i, 0)),
        out_shape=jax.ShapeDtypeStruct((_B * _RPB, 128), jnp.float32),
    )(out2, sage2, xd2, Wr)


def kernel(stops, x, x_dist, x_features, x_week, x_mask, emb_week, emb_stop,
           fc1_W, fc1_b, Wl, bl, Wr):
    f32 = jnp.float32
    stops32 = stops.astype(jnp.int32)
    x_week32 = x_week.astype(jnp.int32)
    z12 = jnp.zeros((12,), f32)
    pack = jnp.concatenate([
        Wl[0, 48:50], bl, jnp.zeros((13,), f32),
        Wl[0, 0:16], Wl[0, 16:32], Wl[0, 32:36], z12, jnp.zeros((16,), f32),
        Wr[0, 0:16], Wr[0, 16:32], Wr[0, 32:36], z12, jnp.zeros((16,), f32),
    ])
    xf_flat = x_features.reshape(-1).astype(f32)
    ew_flat = jnp.concatenate([emb_week.reshape(-1), jnp.zeros((2,), f32)])
    xd2 = jnp.concatenate(
        [x_dist, jnp.zeros((_NP - _NN,), f32)]).reshape(_RPB, 128)

    out_flat, phi_flat = _tc_a(x, fc1_W, fc1_b, emb_stop, Wl, Wr)
    sage_flat = _sc_kernel(stops32, out_flat, phi_flat, x_dist, pack,
                           x_week32, xf_flat, ew_flat)
    logp = _tc_b(out_flat.reshape(_B * _RPB, 128),
                 sage_flat.reshape(_B * _RPB, 128), xd2, Wr)
    logp = logp.reshape(_B, _NP)[:, :_NN]
    return jnp.where(x_mask.astype(bool), jnp.float32(-1e8), logp)

# --- scband reference (transcript-rebuilt; emitter-appended) ---
"""Pipeline reference for scband-gnnattention-13709535608836 (READ-ONLY COPY).

The authoritative reference and input builder live on the scoring server;
editing this copy changes nothing except your own understanding.
"""

import jax, jax.numpy as jnp
import numpy as np

B, NNODES, LOOKBACK, TRAJ = 64, 10000, 8, 64
NWEEK, EMB, STOP_EMB, NFEAT = 7, 34, 12, 2
IN_GNN = EMB + NFEAT + STOP_EMB + 2  # = 50, matches SAGEConv(50, 1)


def setup_inputs(seed: int = 0):
    key = jax.random.key(seed)
    ks = jax.random.split(key, 12)
    return {
        "stops": jax.random.randint(ks[0], (B, TRAJ), 0, NNODES),
        "x": jax.random.normal(ks[1], (B, LOOKBACK, NNODES), dtype=jnp.float32),
        "x_dist": jax.random.uniform(ks[2], (NNODES,), dtype=jnp.float32),
        "x_features": jax.random.normal(ks[3], (B, NFEAT), dtype=jnp.float32),
        "x_week": jax.random.randint(ks[4], (B,), 0, NWEEK),
        "x_mask": jax.random.randint(ks[5], (B, NNODES), 0, 2).astype(jnp.int32),
        # learned parameters
        "emb_week": jax.random.normal(ks[6], (NWEEK, EMB), dtype=jnp.float32) * 0.1,
        "emb_stop": jax.random.normal(ks[7], (NNODES, STOP_EMB), dtype=jnp.float32) * 0.1,
        "fc1_W": jax.random.normal(ks[8], (1, LOOKBACK), dtype=jnp.float32) * 0.3,
        "fc1_b": jnp.zeros((1,), dtype=jnp.float32),
        "Wl": jax.random.normal(ks[9], (1, IN_GNN), dtype=jnp.float32) * 0.14,
        "bl": jnp.zeros((1,), dtype=jnp.float32),
        "Wr": jax.random.normal(ks[10], (1, IN_GNN), dtype=jnp.float32) * 0.14,
    }


def reference(stops, x, x_dist, x_features, x_week, x_mask, emb_week, emb_stop, fc1_W, fc1_b, Wl, bl, Wr):
    Bn, nnodes = x_mask.shape
    # sum of stop embeddings per trajectory  (torch: stack of stop_embeddings(s).sum(0))
    x_embed = emb_stop[stops].sum(axis=1)                          # [B, STOP_EMB]
    # fc1 over lookback dim: x [B, L, N] -> transpose -> [B, N, L] -> Linear(L,1)
    out = jnp.einsum('bln,ol->bno', x, fc1_W) + fc1_b              # [B, N, 1]
    x_emb = emb_week[x_week]                                       # [B, EMB]
    xf = jnp.concatenate([x_emb, x_features], axis=1)              # [B, EMB+NFEAT]
    feats = jnp.concatenate([
        jnp.broadcast_to(xf[:, None, :], (Bn, nnodes, xf.shape[1])),
        jnp.broadcast_to(x_embed[:, None, :], (Bn, nnodes, x_embed.shape[1])),
        out,
        jnp.broadcast_to(x_dist[None, :, None], (Bn, nnodes, 1)),
    ], axis=-1).reshape(Bn * nnodes, -1)                           # [B*N, 50]
    # batched trajectory edges (PyG Batch: node offsets of i*nnodes per graph)
    offs = (jnp.arange(Bn, dtype=stops.dtype) * nnodes)[:, None]
    src = (stops[:, :-1] + offs).reshape(-1)
    dst = (stops[:, 1:] + offs).reshape(-1)
    Ntot = Bn * nnodes
    # SAGEConv(mean aggr): out = lin_l(mean_{j->i} x_j) + lin_r(x_i); lin_r has no bias
    agg = jax.ops.segment_sum(feats[src], dst, num_segments=Ntot)
    cnt = jax.ops.segment_sum(jnp.ones((src.shape[0],), feats.dtype), dst, num_segments=Ntot)
    mean = agg / jnp.maximum(cnt, 1.0)[:, None]
    g = (mean @ Wl.T + bl + feats @ Wr.T).reshape(Bn, nnodes)
    logp = jax.nn.log_softmax(g, axis=1)
    return jnp.where(x_mask.astype(bool), jnp.float32(-1e8), logp)

if __name__ == "__main__":
    import jax
    _d = setup_inputs()
    print(jax.jit(kernel)(*tuple(_d.values())))

</pallas_src>

<mosaic_0001>
#map = affine_map<(d0, d1) -> (0, 0)>
#map1 = affine_map<(d0, d1) -> (0)>
module attributes {stable_mosaic.version = 14 : i64} {
  func.func @sck(%arg0: i32, %arg1: i32, %arg2: memref<64x64xi32, #tpu.memory_space<hbm>>, %arg3: memref<655360xf32, #tpu.memory_space<hbm>>, %arg4: memref<20480xf32, #tpu.memory_space<hbm>>, %arg5: memref<10000xf32, #tpu.memory_space<hbm>>, %arg6: memref<144xf32, #tpu.memory_space<hbm>>, %arg7: memref<64xi32, #tpu.memory_space<hbm>>, %arg8: memref<128xf32, #tpu.memory_space<hbm>>, %arg9: memref<240xf32, #tpu.memory_space<hbm>>, %arg10: memref<655360xf32, #tpu.memory_space<hbm>>, %arg11: memref<64xi32, #tpu.memory_space<vmem>>, %arg12: memref<64xi32, #tpu.memory_space<vmem>>, %arg13: memref<64xi32, #tpu.memory_space<vmem>>, %arg14: memref<64xf32, #tpu.memory_space<vmem>>, %arg15: memref<64xf32, #tpu.memory_space<vmem>>, %arg16: memref<64xf32, #tpu.memory_space<vmem>>, %arg17: memref<64xf32, #tpu.memory_space<vmem>>, %arg18: memref<10000xf32, #tpu.memory_space<vmem>>, %arg19: memref<10000xf32, #tpu.memory_space<vmem>>, %arg20: memref<10000xf32, #tpu.memory_space<vmem>>, %arg21: memref<10000xf32, #tpu.memory_space<vmem>>, %arg22: memref<144xf32, #tpu.memory_space<vmem>>, %arg23: memref<64xi32, #tpu.memory_space<vmem>>, %arg24: memref<128xf32, #tpu.memory_space<vmem>>, %arg25: memref<240xf32, #tpu.memory_space<vmem>>, %arg26: memref<!tpu.dma_semaphore, #tpu.memory_space<semaphore_mem>>, %arg27: memref<!tpu.dma_semaphore, #tpu.memory_space<semaphore_mem>>) attributes {dimension_semantics = [#tpu.dimension_semantics<core_parallel>, #tpu.dimension_semantics<subcore_parallel>], iteration_bounds = array<i64: 2, 16>, scalar_prefetch = 0 : i64, scratch_operands = 17 : i64, tpu.core_type = #tpu.core_type<sc_vector_subcore>, window_params = [{transform_indices = #map}, {transform_indices = #map1}, {transform_indices = #map1}, {transform_indices = #map1}, {transform_indices = #map1}, {transform_indices = #map1}, {transform_indices = #map1}, {transform_indices = #map1}, {transform_indices = #map1}]} {
    %mul3A = arith.constant 2 : i32
    %mul3A_0 = arith.muli %arg1, %mul3A : i32
    %add3A = arith.addi %mul3A_0, %arg0 : i32
    "tpu.region"() ({
      %run_scoped3A = tpu.sem_alloc : memref<!tpu.dma_semaphore, #tpu.memory_space<semaphore_mem>>
      tpu.enqueue_dma source(%arg6 : memref<144xf32, #tpu.memory_space<hbm>>) target(%arg22 : memref<144xf32, #tpu.memory_space<vmem>>) target_semaphore(%run_scoped3A : memref<!tpu.dma_semaphore, #tpu.memory_space<semaphore_mem>>)
      tpu.wait_dma2 semaphore(%run_scoped3A : memref<!tpu.dma_semaphore, #tpu.memory_space<semaphore_mem>>) src(%arg6 : memref<144xf32, #tpu.memory_space<hbm>>) dst(%arg22 : memref<144xf32, #tpu.memory_space<vmem>>)
      tpu.yield
    }) : () -> ()
    "tpu.region"() ({
      %run_scoped3A = tpu.sem_alloc : memref<!tpu.dma_semaphore, #tpu.memory_space<semaphore_mem>>
      tpu.enqueue_dma source(%arg7 : memref<64xi32, #tpu.memory_space<hbm>>) target(%arg23 : memref<64xi32, #tpu.memory_space<vmem>>) target_semaphore(%run_scoped3A : memref<!tpu.dma_semaphore, #tpu.memory_space<semaphore_mem>>)
      tpu.wait_dma2 semaphore(%run_scoped3A : memref<!tpu.dma_semaphore, #tpu.memory_space<semaphore_mem>>) src(%arg7 : memref<64xi32, #tpu.memory_space<hbm>>) dst(%arg23 : memref<64xi32, #tpu.memory_space<vmem>>)
      tpu.yield
    }) : () -> ()
    "tpu.region"() ({
      %run_scoped3A = tpu.sem_alloc : memref<!tpu.dma_semaphore, #tpu.memory_space<semaphore_mem>>
      tpu.enqueue_dma source(%arg8 : memref<128xf32, #tpu.memory_space<hbm>>) target(%arg24 : memref<128xf32, #tpu.memory_space<vmem>>) target_semaphore(%run_scoped3A : memref<!tpu.dma_semaphore, #tpu.memory_space<semaphore_mem>>)
      tpu.wait_dma2 semaphore(%run_scoped3A : memref<!tpu.dma_semaphore, #tpu.memory_space<semaphore_mem>>) src(%arg8 : memref<128xf32, #tpu.memory_space<hbm>>) dst(%arg24 : memref<128xf32, #tpu.memory_space<vmem>>)
      tpu.yield
    }) : () -> ()
    "tpu.region"() ({
      %run_scoped3A = tpu.sem_alloc : memref<!tpu.dma_semaphore, #tpu.memory_space<semaphore_mem>>
      tpu.enqueue_dma source(%arg9 : memref<240xf32, #tpu.memory_space<hbm>>) target(%arg25 : memref<240xf32, #tpu.memory_space<vmem>>) target_semaphore(%run_scoped3A : memref<!tpu.dma_semaphore, #tpu.memory_space<semaphore_mem>>)
      tpu.wait_dma2 semaphore(%run_scoped3A : memref<!tpu.dma_semaphore, #tpu.memory_space<semaphore_mem>>) src(%arg9 : memref<240xf32, #tpu.memory_space<hbm>>) dst(%arg25 : memref<240xf32, #tpu.memory_space<vmem>>)
      tpu.yield
    }) : () -> ()
    %iota3A = tpu.iota {dimensions = array<i32: 0>} : vector<16xi32>
    %get3A = arith.constant 0 : index
    %get3A_1 = tpu.vector_load %arg22[%get3A] {strides = array<i32>} : memref<144xf32, #tpu.memory_space<vmem>>, vector<16xf32>,
    %eq3A = arith.constant 0 : i32
    %eq3A_2 = vector.broadcast %eq3A : i32 to vector<16xi32>
    %eq3A_3 = arith.cmpi eq, %iota3A, %eq3A_2 : vector<16xi32>
    %jit3A = arith.constant 0.000000e+00 : f32
    %broadcast_in_dim3A = vector.broadcast %jit3A : f32 to vector<16xf32>
    %select_n3A = arith.select %eq3A_3, %get3A_1, %broadcast_in_dim3A : vector<16xi1>, vector<16xf32>
    %reduce_sum3A = arith.constant true
    %reduce_sum3A_4 = vector.broadcast %reduce_sum3A : i1 to vector<16xi1>
    %reduce_sum3A_5 = tpu.scan <sum>, %select_n3A masked %reduce_sum3A_4 : vector<16xf32>, vector<16xi1> -> vector<16xf32>
    %reduce_sum3A_6 = vector.extract %reduce_sum3A_5[15] : f32 from vector<16xf32>
    %eq3A_7 = arith.constant 1 : i32
    %eq3A_8 = vector.broadcast %eq3A_7 : i32 to vector<16xi32>
    %eq3A_9 = arith.cmpi eq, %iota3A, %eq3A_8 : vector<16xi32>
    %jit3A_10 = arith.constant 0.000000e+00 : f32
    %broadcast_in_dim3A_11 = vector.broadcast %jit3A_10 : f32 to vector<16xf32>
    %select_n3A_12 = arith.select %eq3A_9, %get3A_1, %broadcast_in_dim3A_11 : vector<16xi1>, vector<16xf32>
    %reduce_sum3A_13 = arith.constant true
    %reduce_sum3A_14 = vector.broadcast %reduce_sum3A_13 : i1 to vector<16xi1>
    %reduce_sum3A_15 = tpu.scan <sum>, %select_n3A_12 masked %reduce_sum3A_14 : vector<16xf32>, vector<16xi1> -> vector<16xf32>
    %reduce_sum3A_16 = vector.extract %reduce_sum3A_15[15] : f32 from vector<16xf32>
    %eq3A_17 = arith.constant 2 : i32
    %eq3A_18 = vector.broadcast %eq3A_17 : i32 to vector<16xi32>
    %eq3A_19 = arith.cmpi eq, %iota3A, %eq3A_18 : vector<16xi32>
    %jit3A_20 = arith.constant 0.000000e+00 : f32
    %broadcast_in_dim3A_21 = vector.broadcast %jit3A_20 : f32 to vector<16xf32>
    %select_n3A_22 = arith.select %eq3A_19, %get3A_1, %broadcast_in_dim3A_21 : vector<16xi1>, vector<16xf32>
    %reduce_sum3A_23 = arith.constant true
    %reduce_sum3A_24 = vector.broadcast %reduce_sum3A_23 : i1 to vector<16xi1>
    %reduce_sum3A_25 = tpu.scan <sum>, %select_n3A_22 masked %reduce_sum3A_24 : vector<16xf32>, vector<16xi1> -> vector<16xf32>
    %reduce_sum3A_26 = vector.extract %reduce_sum3A_25[15] : f32 from vector<16xf32>
    %broadcast_in_dim3A_27 = arith.constant 1.000000e+00 : f32
    %broadcast_in_dim3A_28 = vector.broadcast %broadcast_in_dim3A_27 : f32 to vector<16xf32>
    %eq3A_29 = arith.constant 0 : i32
    %eq3A_30 = vector.broadcast %eq3A_29 : i32 to vector<16xi32>
    %eq3A_31 = arith.cmpi eq, %iota3A, %eq3A_30 : vector<16xi32>
    %eq3A_32 = arith.constant 1 : i32
    %eq3A_33 = vector.broadcast %eq3A_32 : i32 to vector<16xi32>
    %eq3A_34 = arith.cmpi eq, %iota3A, %eq3A_33 : vector<16xi32>
    %eq3A_35 = arith.constant 2 : i32
    %eq3A_36 = vector.broadcast %eq3A_35 : i32 to vector<16xi32>
    %eq3A_37 = arith.cmpi eq, %iota3A, %eq3A_36 : vector<16xi32>
    %eq3A_38 = arith.constant 3 : i32
    %eq3A_39 = vector.broadcast %eq3A_38 : i32 to vector<16xi32>
    %eq3A_40 = arith.cmpi eq, %iota3A, %eq3A_39 : vector<16xi32>
    %eq3A_41 = arith.constant 4 : i32
    %eq3A_42 = vector.broadcast %eq3A_41 : i32 to vector<16xi32>
    %eq3A_43 = arith.cmpi eq, %iota3A, %eq3A_42 : vector<16xi32>
    %eq3A_44 = arith.constant 5 : i32
    %eq3A_45 = vector.broadcast %eq3A_44 : i32 to vector<16xi32>
    %eq3A_46 = arith.cmpi eq, %iota3A, %eq3A_45 : vector<16xi32>
    %eq3A_47 = arith.constant 6 : i32
    %eq3A_48 = vector.broadcast %eq3A_47 : i32 to vector<16xi32>
    %eq3A_49 = arith.cmpi eq, %iota3A, %eq3A_48 : vector<16xi32>
    %eq3A_50 = arith.constant 7 : i32
    %eq3A_51 = vector.broadcast %eq3A_50 : i32 to vector<16xi32>
    %eq3A_52 = arith.cmpi eq, %iota3A, %eq3A_51 : vector<16xi32>
    %eq3A_53 = arith.constant 8 : i32
    %eq3A_54 = vector.broadcast %eq3A_53 : i32 to vector<16xi32>
    %eq3A_55 = arith.cmpi eq, %iota3A, %eq3A_54 : vector<16xi32>
    %eq3A_56 = arith.constant 9 : i32
    %eq3A_57 = vector.broadcast %eq3A_56 : i32 to vector<16xi32>
    %eq3A_58 = arith.cmpi eq, %iota3A, %eq3A_57 : vector<16xi32>
    %eq3A_59 = arith.constant 10 : i32
    %eq3A_60 = vector.broadcast %eq3A_59 : i32 to vector<16xi32>
    %eq3A_61 = arith.cmpi eq, %iota3A, %eq3A_60 : vector<16xi32>
    %eq3A_62 = arith.constant 11 : i32
    %eq3A_63 = vector.broadcast %eq3A_62 : i32 to vector<16xi32>
    %eq3A_64 = arith.cmpi eq, %iota3A, %eq3A_63 : vector<16xi32>
    %eq3A_65 = arith.constant 12 : i32
    %eq3A_66 = vector.broadcast %eq3A_65 : i32 to vector<16xi32>
    %eq3A_67 = arith.cmpi eq, %iota3A, %eq3A_66 : vector<16xi32>
    %eq3A_68 = arith.constant 13 : i32
    %eq3A_69 = vector.broadcast %eq3A_68 : i32 to vector<16xi32>
    %eq3A_70 = arith.cmpi eq, %iota3A, %eq3A_69 : vector<16xi32>
    %eq3A_71 = arith.constant 14 : i32
    %eq3A_72 = vector.broadcast %eq3A_71 : i32 to vector<16xi32>
    %eq3A_73 = arith.cmpi eq, %iota3A, %eq3A_72 : vector<16xi32>
    %eq3A_74 = arith.constant 15 : i32
    %eq3A_75 = vector.broadcast %eq3A_74 : i32 to vector<16xi32>
    %eq3A_76 = arith.cmpi eq, %iota3A, %eq3A_75 : vector<16xi32>
    %get3A_77 = arith.constant 16 : index
    %get3A_78 = tpu.vector_load %arg22[%get3A_77] {strides = array<i32>} : memref<144xf32, #tpu.memory_space<vmem>>, vector<16xf32>,
    %get3A_79 = arith.constant 32 : index
    %get3A_80 = tpu.vector_load %arg22[%get3A_79] {strides = array<i32>} : memref<144xf32, #tpu.memory_space<vmem>>, vector<16xf32>,
    %get3A_81 = arith.constant 48 : index
    %get3A_82 = tpu.vector_load %arg22[%get3A_81] {strides = array<i32>} : memref<144xf32, #tpu.memory_space<vmem>>, vector<16xf32>,
    %get3A_83 = arith.constant 80 : index
    %get3A_84 = tpu.vector_load %arg22[%get3A_83] {strides = array<i32>} : memref<144xf32, #tpu.memory_space<vmem>>, vector<16xf32>,
    %get3A_85 = arith.constant 96 : index
    %get3A_86 = tpu.vector_load %arg22[%get3A_85] {strides = array<i32>} : memref<144xf32, #tpu.memory_space<vmem>>, vector<16xf32>,
    %get3A_87 = arith.constant 112 : index
    %get3A_88 = tpu.vector_load %arg22[%get3A_87] {strides = array<i32>} : memref<144xf32, #tpu.memory_space<vmem>>, vector<16xf32>,
    %mul3A_89 = arith.constant 2 : i32
    %mul3A_90 = arith.muli %add3A, %mul3A_89 : i32
    %add3A_91 = arith.constant 0 : i32
    %add3A_92 = arith.addi %mul3A_90, %add3A_91 : i32
    %broadcast_in_dim3A_93 = arith.constant 0 : i32
    %broadcast_in_dim3A_94 = vector.broadcast %broadcast_in_dim3A_93 : i32 to vector<16xi32>
    %add3A_95 = vector.broadcast %add3A_92 : i32 to vector<16xi32>
    %add3A_96 = arith.addi %broadcast_in_dim3A_94, %add3A_95 : vector<16xi32>
    "tpu.region"() ({
      %run_scoped3A = tpu.sem_alloc : memref<!tpu.dma_semaphore, #tpu.memory_space<semaphore_mem>>
      %dma_start3A_733 = arith.constant 0 : i32
      %dma_start3A_734 = tpu.memref_slice %arg2[%add3A_92, %dma_start3A_733] : memref<64x64xi32, #tpu.memory_space<hbm>> -> memref<1x64xi32, #tpu.memory_space<hbm>>
      %dma_start3A_735 = tpu.memref_squeeze %dma_start3A_734 : memref<1x64xi32, #tpu.memory_space<hbm>> -> memref<64xi32, #tpu.memory_space<hbm>>
      %dma_start3A_736 = arith.constant 0 : i32
      %dma_start3A_737 = tpu.memref_slice %arg2[%add3A_92, %dma_start3A_736] : memref<64x64xi32, #tpu.memory_space<hbm>> -> memref<1x64xi32, #tpu.memory_space<hbm>>
      %dma_start3A_738 = tpu.memref_squeeze %dma_start3A_737 : memref<1x64xi32, #tpu.memory_space<hbm>> -> memref<64xi32, #tpu.memory_space<hbm>>
      tpu.enqueue_dma source(%dma_start3A_738 : memref<64xi32, #tpu.memory_space<hbm>>) target(%arg11 : memref<64xi32, #tpu.memory_space<vmem>>) target_semaphore(%run_scoped3A : memref<!tpu.dma_semaphore, #tpu.memory_space<semaphore_mem>>)
      %dma_wait3A_739 = arith.constant 0 : i32
      %dma_wait3A_740 = tpu.memref_slice %arg2[%add3A_92, %dma_wait3A_739] : memref<64x64xi32, #tpu.memory_space<hbm>> -> memref<1x64xi32, #tpu.memory_space<hbm>>
      %dma_wait3A_741 = tpu.memref_squeeze %dma_wait3A_740 : memref<1x64xi32, #tpu.memory_space<hbm>> -> memref<64xi32, #tpu.memory_space<hbm>>
      %dma_wait3A_742 = arith.constant 0 : i32
      %dma_wait3A_743 = tpu.memref_slice %arg2[%add3A_92, %dma_wait3A_742] : memref<64x64xi32, #tpu.memory_space<hbm>> -> memref<1x64xi32, #tpu.memory_space<hbm>>
      %dma_wait3A_744 = tpu.memref_squeeze %dma_wait3A_743 : memref<1x64xi32, #tpu.memory_space<hbm>> -> memref<64xi32, #tpu.memory_space<hbm>>
      tpu.wait_dma2 semaphore(%run_scoped3A : memref<!tpu.dma_semaphore, #tpu.memory_space<semaphore_mem>>) src(%dma_wait3A_744 : memref<64xi32, #tpu.memory_space<hbm>>) dst(%arg11 : memref<64xi32, #tpu.memory_space<vmem>>)
      tpu.yield
    }) : () -> ()
    %mul3A_97 = arith.constant 10240 : i32
    %mul3A_98 = arith.muli %add3A_92, %mul3A_97 : i32
    %get3A_99 = arith.constant 0 : index
    %get3A_100 = tpu.vector_load %arg11[%get3A_99] {strides = array<i32>} : memref<64xi32, #tpu.memory_space<vmem>>, vector<16xi32>,
    %add3A_101 = vector.broadcast %mul3A_98 : i32 to vector<16xi32>
    %add3A_102 = arith.addi %get3A_100, %add3A_101 : vector<16xi32>
    %swap3A = arith.constant 0 : index
    %swap3A_103 = tpu.vector_load %arg12[%swap3A] {strides = array<i32>} : memref<64xi32, #tpu.memory_space<vmem>>, vector<16xi32>,
    tpu.vector_store %arg12[%swap3A], %add3A_102 {strides = array<i32>} : memref<64xi32, #tpu.memory_space<vmem>>, vector<16xi32>,
    %add3A_104 = arith.constant 10240 : i32
    %add3A_105 = vector.broadcast %add3A_104 : i32 to vector<16xi32>
    %add3A_106 = arith.addi %get3A_100, %add3A_105 : vector<16xi32>
    %swap3A_107 = arith.constant 0 : index
    %swap3A_108 = tpu.vector_load %arg13[%swap3A_107] {strides = array<i32>} : memref<64xi32, #tpu.memory_space<vmem>>, vector<16xi32>,
    tpu.vector_store %arg13[%swap3A_107], %add3A_106 {strides = array<i32>} : memref<64xi32, #tpu.memory_space<vmem>>, vector<16xi32>,
    %get3A_109 = arith.constant 16 : index
    %get3A_110 = tpu.vector_load %arg11[%get3A_109] {strides = array<i32>} : memref<64xi32, #tpu.memory_space<vmem>>, vector<16xi32>,
    %add3A_111 = vector.broadcast %mul3A_98 : i32 to vector<16xi32>
    %add3A_112 = arith.addi %get3A_110, %add3A_111 : vector<16xi32>
    %swap3A_113 = arith.constant 16 : index
    %swap3A_114 = tpu.vector_load %arg12[%swap3A_113] {strides = array<i32>} : memref<64xi32, #tpu.memory_space<vmem>>, vector<16xi32>,
    tpu.vector_store %arg12[%swap3A_113], %add3A_112 {strides = array<i32>} : memref<64xi32, #tpu.memory_space<vmem>>, vector<16xi32>,
    %add3A_115 = arith.constant 10240 : i32
    %add3A_116 = vector.broadcast %add3A_115 : i32 to vector<16xi32>
    %add3A_117 = arith.addi %get3A_110, %add3A_116 : vector<16xi32>
    %swap3A_118 = arith.constant 16 : index
    %swap3A_119 = tpu.vector_load %arg13[%swap3A_118] {strides = array<i32>} : memref<64xi32, #tpu.memory_space<vmem>>, vector<16xi32>,
    tpu.vector_store %arg13[%swap3A_118], %add3A_117 {strides = array<i32>} : memref<64xi32, #tpu.memory_space<vmem>>, vector<16xi32>,
    %get3A_120 = arith.constant 32 : index
    %get3A_121 = tpu.vector_load %arg11[%get3A_120] {strides = array<i32>} : memref<64xi32, #tpu.memory_space<vmem>>, vector<16xi32>,
    %add3A_122 = vector.broadcast %mul3A_98 : i32 to vector<16xi32>
    %add3A_123 = arith.addi %get3A_121, %add3A_122 : vector<16xi32>
    %swap3A_124 = arith.constant 32 : index
    %swap3A_125 = tpu.vector_load %arg12[%swap3A_124] {strides = array<i32>} : memref<64xi32, #tpu.memory_space<vmem>>, vector<16xi32>,
    tpu.vector_store %arg12[%swap3A_124], %add3A_123 {strides = array<i32>} : memref<64xi32, #tpu.memory_space<vmem>>, vector<16xi32>,
    %add3A_126 = arith.constant 10240 : i32
    %add3A_127 = vector.broadcast %add3A_126 : i32 to vector<16xi32>
    %add3A_128 = arith.addi %get3A_121, %add3A_127 : vector<16xi32>
    %swap3A_129 = arith.constant 32 : index
    %swap3A_130 = tpu.vector_load %arg13[%swap3A_129] {strides = array<i32>} : memref<64xi32, #tpu.memory_space<vmem>>, vector<16xi32>,
    tpu.vector_store %arg13[%swap3A_129], %add3A_128 {strides = array<i32>} : memref<64xi32, #tpu.memory_space<vmem>>, vector<16xi32>,
    %get3A_131 = arith.constant 48 : index
    %get3A_132 = tpu.vector_load %arg11[%get3A_131] {strides = array<i32>} : memref<64xi32, #tpu.memory_space<vmem>>, vector<16xi32>,
    %add3A_133 = vector.broadcast %mul3A_98 : i32 to vector<16xi32>
    %add3A_134 = arith.addi %get3A_132, %add3A_133 : vector<16xi32>
    %swap3A_135 = arith.constant 48 : index
    %swap3A_136 = tpu.vector_load %arg12[%swap3A_135] {strides = array<i32>} : memref<64xi32, #tpu.memory_space<vmem>>, vector<16xi32>,
    tpu.vector_store %arg12[%swap3A_135], %add3A_134 {strides = array<i32>} : memref<64xi32, #tpu.memory_space<vmem>>, vector<16xi32>,
    %add3A_137 = arith.constant 10240 : i32
    %add3A_138 = vector.broadcast %add3A_137 : i32 to vector<16xi32>
    %add3A_139 = arith.addi %get3A_132, %add3A_138 : vector<16xi32>
    %swap3A_140 = arith.constant 48 : index
    %swap3A_141 = tpu.vector_load %arg13[%swap3A_140] {strides = array<i32>} : memref<64xi32, #tpu.memory_space<vmem>>, vector<16xi32>,
    tpu.vector_store %arg13[%swap3A_140], %add3A_139 {strides = array<i32>} : memref<64xi32, #tpu.memory_space<vmem>>, vector<16xi32>,
    %dma_start3A = arith.constant 0 : i32
    %dma_start3A_142 = tpu.memref_slice %arg3[%dma_start3A] : memref<655360xf32, #tpu.memory_space<hbm>> -> memref<655360xf32, #tpu.memory_space<hbm>>
    tpu.enqueue_indirect_dma source(%dma_start3A_142 : memref<655360xf32, #tpu.memory_space<hbm>>) target(%arg14 : memref<64xf32, #tpu.memory_space<vmem>>) offsets(%arg12 : memref<64xi32, #tpu.memory_space<vmem>>) semaphore(%arg26 : memref<!tpu.dma_semaphore, #tpu.memory_space<semaphore_mem>>)
    %dma_start3A_143 = arith.constant 0 : i32
    %dma_start3A_144 = tpu.memref_slice %arg4[%dma_start3A_143] : memref<20480xf32, #tpu.memory_space<hbm>> -> memref<20480xf32, #tpu.memory_space<hbm>>
    tpu.enqueue_indirect_dma source(%dma_start3A_144 : memref<20480xf32, #tpu.memory_space<hbm>>) target(%arg15 : memref<64xf32, #tpu.memory_space<vmem>>) offsets(%arg11 : memref<64xi32, #tpu.memory_space<vmem>>) semaphore(%arg26 : memref<!tpu.dma_semaphore, #tpu.memory_space<semaphore_mem>>)
    %dma_start3A_145 = arith.constant 0 : i32
    %dma_start3A_146 = tpu.memref_slice %arg4[%dma_start3A_145] : memref<20480xf32, #tpu.memory_space<hbm>> -> memref<20480xf32, #tpu.memory_space<hbm>>
    tpu.enqueue_indirect_dma source(%dma_start3A_146 : memref<20480xf32, #tpu.memory_space<hbm>>) target(%arg16 : memref<64xf32, #tpu.memory_space<vmem>>) offsets(%arg13 : memref<64xi32, #tpu.memory_space<vmem>>) semaphore(%arg26 : memref<!tpu.dma_semaphore, #tpu.memory_space<semaphore_mem>>)
    %dma_start3A_147 = arith.constant 0 : i32
    %dma_start3A_148 = tpu.memref_slice %arg5[%dma_start3A_147] : memref<10000xf32, #tpu.memory_space<hbm>> -> memref<10000xf32, #tpu.memory_space<hbm>>
    tpu.enqueue_indirect_dma source(%dma_start3A_148 : memref<10000xf32, #tpu.memory_space<hbm>>) target(%arg17 : memref<64xf32, #tpu.memory_space<vmem>>) offsets(%arg11 : memref<64xi32, #tpu.memory_space<vmem>>) semaphore(%arg26 : memref<!tpu.dma_semaphore, #tpu.memory_space<semaphore_mem>>)
    %scan3A = arith.constant 0 : i32
    %scan3A_149 = arith.constant 25 : i32
    %scan3A_150 = arith.addi %scan3A, %scan3A_149 : i32
    %scan3A_151 = arith.constant 1 : i32
    scf.for %scan3A_733 = %scan3A to %scan3A_150 step %scan3A_151  : i32 {
      %mul3A_734 = arith.constant 400 : i32
      %mul3A_735 = arith.muli %scan3A_733, %mul3A_734 : i32
      %add3A_736 = arith.constant 0 : i32
      %add3A_737 = arith.addi %add3A_736, %mul3A_735 : i32
      %broadcast_in_dim3A_738 = arith.constant 0.000000e+00 : f32
      %broadcast_in_dim3A_739 = vector.broadcast %broadcast_in_dim3A_738 : f32 to vector<16xf32>
      %add3A_740 = arith.constant 0 : i32
      %add3A_741 = arith.addi %add3A_737, %add3A_740 : i32
      %swap3A_742 = arith.index_cast %add3A_741 : i32 to index
      %swap3A_743 = tpu.vector_load %arg18[%swap3A_742] {strides = array<i32>} : memref<10000xf32, #tpu.memory_space<vmem>>, vector<16xf32>,
      tpu.vector_store %arg18[%swap3A_742], %broadcast_in_dim3A_739 {strides = array<i32>} : memref<10000xf32, #tpu.memory_space<vmem>>, vector<16xf32>,
      %add3A_744 = arith.constant 0 : i32
      %add3A_745 = arith.addi %add3A_737, %add3A_744 : i32
      %swap3A_746 = arith.index_cast %add3A_745 : i32 to index
      %swap3A_747 = tpu.vector_load %arg19[%swap3A_746] {strides = array<i32>} : memref<10000xf32, #tpu.memory_space<vmem>>, vector<16xf32>,
      tpu.vector_store %arg19[%swap3A_746], %broadcast_in_dim3A_739 {strides = array<i32>} : memref<10000xf32, #tpu.memory_space<vmem>>, vector<16xf32>,
      %add3A_748 = arith.constant 16 : i32
      %add3A_749 = arith.addi %add3A_737, %add3A_748 : i32
      %swap3A_750 = arith.index_cast %add3A_749 : i32 to index
      %swap3A_751 = tpu.vector_load %arg18[%swap3A_750] {strides = array<i32>} : memref<10000xf32, #tpu.memory_space<vmem>>, vector<16xf32>,
      tpu.vector_store %arg18[%swap3A_750], %broadcast_in_dim3A_739 {strides = array<i32>} : memref<10000xf32, #tpu.memory_space<vmem>>, vector<16xf32>,
      %add3A_752 = arith.constant 16 : i32
      %add3A_753 = arith.addi %add3A_737, %add3A_752 : i32
      %swap3A_754 = arith.index_cast %add3A_753 : i32 to index
      %swap3A_755 = tpu.vector_load %arg19[%swap3A_754] {strides = array<i32>} : memref<10000xf32, #tpu.memory_space<vmem>>, vector<16xf32>,
      tpu.vector_store %arg19[%swap3A_754], %broadcast_in_dim3A_739 {strides = array<i32>} : memref<10000xf32, #tpu.memory_space<vmem>>, vector<16xf32>,
      %add3A_756 = arith.constant 32 : i32
      %add3A_757 = arith.addi %add3A_737, %add3A_756 : i32
      %swap3A_758 = arith.index_cast %add3A_757 : i32 to index
      %swap3A_759 = tpu.vector_load %arg18[%swap3A_758] {strides = array<i32>} : memref<10000xf32, #tpu.memory_space<vmem>>, vector<16xf32>,
      tpu.vector_store %arg18[%swap3A_758], %broadcast_in_dim3A_739 {strides = array<i32>} : memref<10000xf32, #tpu.memory_space<vmem>>, vector<16xf32>,
      %add3A_760 = arith.constant 32 : i32
      %add3A_761 = arith.addi %add3A_737, %add3A_760 : i32
      %swap3A_762 = arith.index_cast %add3A_761 : i32 to index
      %swap3A_763 = tpu.vector_load %arg19[%swap3A_762] {strides = array<i32>} : memref<10000xf32, #tpu.memory_space<vmem>>, vector<16xf32>,
      tpu.vector_store %arg19[%swap3A_762], %broadcast_in_dim3A_739 {strides = array<i32>} : memref<10000xf32, #tpu.memory_space<vmem>>, vector<16xf32>,
      %add3A_764 = arith.constant 48 : i32
      %add3A_765 = arith.addi %add3A_737, %add3A_764 : i32
      %swap3A_766 = arith.index_cast %add3A_765 : i32 to index
      %swap3A_767 = tpu.vector_load %arg18[%swap3A_766] {strides = array<i32>} : memref<10000xf32, #tpu.memory_space<vmem>>, vector<16xf32>,
      tpu.vector_store %arg18[%swap3A_766], %broadcast_in_dim3A_739 {strides = array<i32>} : memref<10000xf32, #tpu.memory_space<vmem>>, vector<16xf32>,
      %add3A_768 = arith.constant 48 : i32
      %add3A_769 = arith.addi %add3A_737, %add3A_768 : i32
      %swap3A_770 = arith.index_cast %add3A_769 : i32 to index
      %swap3A_771 = tpu.vector_load %arg19[%swap3A_770] {strides = array<i32>} : memref<10000xf32, #tpu.memory_space<vmem>>, vector<16xf32>,
      tpu.vector_store %arg19[%swap3A_770], %broadcast_in_dim3A_739 {strides = array<i32>} : memref<10000xf32, #tpu.memory_space<vmem>>, vector<16xf32>,
      %add3A_772 = arith.constant 64 : i32
      %add3A_773 = arith.addi %add3A_737, %add3A_772 : i32
      %swap3A_774 = arith.index_cast %add3A_773 : i32 to index
      %swap3A_775 = tpu.vector_load %arg18[%swap3A_774] {strides = array<i32>} : memref<10000xf32, #tpu.memory_space<vmem>>, vector<16xf32>,
      tpu.vector_store %arg18[%swap3A_774], %broadcast_in_dim3A_739 {strides = array<i32>} : memref<10000xf32, #tpu.memory_space<vmem>>, vector<16xf32>,
      %add3A_776 = arith.constant 64 : i32
      %add3A_777 = arith.addi %add3A_737, %add3A_776 : i32
      %swap3A_778 = arith.index_cast %add3A_777 : i32 to index
      %swap3A_779 = tpu.vector_load %arg19[%swap3A_778] {strides = array<i32>} : memref<10000xf32, #tpu.memory_space<vmem>>, vector<16xf32>,
      tpu.vector_store %arg19[%swap3A_778], %broadcast_in_dim3A_739 {strides = array<i32>} : memref<10000xf32, #tpu.memory_space<vmem>>, vector<16xf32>,
      %add3A_780 = arith.constant 80 : i32
      %add3A_781 = arith.addi %add3A_737, %add3A_780 : i32
      %swap3A_782 = arith.index_cast %add3A_781 : i32 to index
      %swap3A_783 = tpu.vector_load %arg18[%swap3A_782] {strides = array<i32>} : memref<10000xf32, #tpu.memory_space<vmem>>, vector<16xf32>,
      tpu.vector_store %arg18[%swap3A_782], %broadcast_in_dim3A_739 {strides = array<i32>} : memref<10000xf32, #tpu.memory_space<vmem>>, vector<16xf32>,
      %add3A_784 = arith.constant 80 : i32
      %add3A_785 = arith.addi %add3A_737, %add3A_784 : i32
      %swap3A_786 = arith.index_cast %add3A_785 : i32 to index
      %swap3A_787 = tpu.vector_load %arg19[%swap3A_786] {strides = array<i32>} : memref<10000xf32, #tpu.memory_space<vmem>>, vector<16xf32>,
      tpu.vector_store %arg19[%swap3A_786], %broadcast_in_dim3A_739 {strides = array<i32>} : memref<10000xf32, #tpu.memory_space<vmem>>, vector<16xf32>,
      %add3A_788 = arith.constant 96 : i32
      %add3A_789 = arith.addi %add3A_737, %add3A_788 : i32
      %swap3A_790 = arith.index_cast %add3A_789 : i32 to index
      %swap3A_791 = tpu.vector_load %arg18[%swap3A_790] {strides = array<i32>} : memref<10000xf32, #tpu.memory_space<vmem>>, vector<16xf32>,
      tpu.vector_store %arg18[%swap3A_790], %broadcast_in_dim3A_739 {strides = array<i32>} : memref<10000xf32, #tpu.memory_space<vmem>>, vector<16xf32>,
      %add3A_792 = arith.constant 96 : i32
      %add3A_793 = arith.addi %add3A_737, %add3A_792 : i32
      %swap3A_794 = arith.index_cast %add3A_793 : i32 to index
      %swap3A_795 = tpu.vector_load %arg19[%swap3A_794] {strides = array<i32>} : memref<10000xf32, #tpu.memory_space<vmem>>, vector<16xf32>,
      tpu.vector_store %arg19[%swap3A_794], %broadcast_in_dim3A_739 {strides = array<i32>} : memref<10000xf32, #tpu.memory_space<vmem>>, vector<16xf32>,
      %add3A_796 = arith.constant 112 : i32
      %add3A_797 = arith.addi %add3A_737, %add3A_796 : i32
      %swap3A_798 = arith.index_cast %add3A_797 : i32 to index
      %swap3A_799 = tpu.vector_load %arg18[%swap3A_798] {strides = array<i32>} : memref<10000xf32, #tpu.memory_space<vmem>>, vector<16xf32>,
      tpu.vector_store %arg18[%swap3A_798], %broadcast_in_dim3A_739 {strides = array<i32>} : memref<10000xf32, #tpu.memory_space<vmem>>, vector<16xf32>,
      %add3A_800 = arith.constant 112 : i32
      %add3A_801 = arith.addi %add3A_737, %add3A_800 : i32
      %swap3A_802 = arith.index_cast %add3A_801 : i32 to index
      %swap3A_803 = tpu.vector_load %arg19[%swap3A_802] {strides = array<i32>} : memref<10000xf32, #tpu.memory_space<vmem>>, vector<16xf32>,
      tpu.vector_store %arg19[%swap3A_802], %broadcast_in_dim3A_739 {strides = array<i32>} : memref<10000xf32, #tpu.memory_space<vmem>>, vector<16xf32>,
      %add3A_804 = arith.constant 128 : i32
      %add3A_805 = arith.addi %add3A_737, %add3A_804 : i32
      %swap3A_806 = arith.index_cast %add3A_805 : i32 to index
      %swap3A_807 = tpu.vector_load %arg18[%swap3A_806] {strides = array<i32>} : memref<10000xf32, #tpu.memory_space<vmem>>, vector<16xf32>,
      tpu.vector_store %arg18[%swap3A_806], %broadcast_in_dim3A_739 {strides = array<i32>} : memref<10000xf32, #tpu.memory_space<vmem>>, vector<16xf32>,
      %add3A_808 = arith.constant 128 : i32
      %add3A_809 = arith.addi %add3A_737, %add3A_808 : i32
      %swap3A_810 = arith.index_cast %add3A_809 : i32 to index
      %swap3A_811 = tpu.vector_load %arg19[%swap3A_810] {strides = array<i32>} : memref<10000xf32, #tpu.memory_space<vmem>>, vector<16xf32>,
      tpu.vector_store %arg19[%swap3A_810], %broadcast_in_dim3A_739 {strides = array<i32>} : memref<10000xf32, #tpu.memory_space<vmem>>, vector<16xf32>,
      %add3A_812 = arith.constant 144 : i32
      %add3A_813 = arith.addi %add3A_737, %add3A_812 : i32
      %swap3A_814 = arith.index_cast %add3A_813 : i32 to index
      %swap3A_815 = tpu.vector_load %arg18[%swap3A_814] {strides = array<i32>} : memref<10000xf32, #tpu.memory_space<vmem>>, vector<16xf32>,
      tpu.vector_store %arg18[%swap3A_814], %broadcast_in_dim3A_739 {strides = array<i32>} : memref<10000xf32, #tpu.memory_space<vmem>>, vector<16xf32>,
      %add3A_816 = arith.constant 144 : i32
      %add3A_817 = arith.addi %add3A_737, %add3A_816 : i32
      %swap3A_818 = arith.index_cast %add3A_817 : i32 to index
      %swap3A_819 = tpu.vector_load %arg19[%swap3A_818] {strides = array<i32>} : memref<10000xf32, #tpu.memory_space<vmem>>, vector<16xf32>,
      tpu.vector_store %arg19[%swap3A_818], %broadcast_in_dim3A_739 {strides = array<i32>} : memref<10000xf32, #tpu.memory_space<vmem>>, vector<16xf32>,
      %add3A_820 = arith.constant 160 : i32
      %add3A_821 = arith.addi %add3A_737, %add3A_820 : i32
      %swap3A_822 = arith.index_cast %add3A_821 : i32 to index
      %swap3A_823 = tpu.vector_load %arg18[%swap3A_822] {strides = array<i32>} : memref<10000xf32, #tpu.memory_space<vmem>>, vector<16xf32>,
      tpu.vector_store %arg18[%swap3A_822], %broadcast_in_dim3A_739 {strides = array<i32>} : memref<10000xf32, #tpu.memory_space<vmem>>, vector<16xf32>,
      %add3A_824 = arith.constant 160 : i32
      %add3A_825 = arith.addi %add3A_737, %add3A_824 : i32
      %swap3A_826 = arith.index_cast %add3A_825 : i32 to index
      %swap3A_827 = tpu.vector_load %arg19[%swap3A_826] {strides = array<i32>} : memref<10000xf32, #tpu.memory_space<vmem>>, vector<16xf32>,
      tpu.vector_store %arg19[%swap3A_826], %broadcast_in_dim3A_739 {strides = array<i32>} : memref<10000xf32, #tpu.memory_space<vmem>>, vector<16xf32>,
      %add3A_828 = arith.constant 176 : i32
      %add3A_829 = arith.addi %add3A_737, %add3A_828 : i32
      %swap3A_830 = arith.index_cast %add3A_829 : i32 to index
      %swap3A_831 = tpu.vector_load %arg18[%swap3A_830] {strides = array<i32>} : memref<10000xf32, #tpu.memory_space<vmem>>, vector<16xf32>,
      tpu.vector_store %arg18[%swap3A_830], %broadcast_in_dim3A_739 {strides = array<i32>} : memref<10000xf32, #tpu.memory_space<vmem>>, vector<16xf32>,
      %add3A_832 = arith.constant 176 : i32
      %add3A_833 = arith.addi %add3A_737, %add3A_832 : i32
      %swap3A_834 = arith.index_cast %add3A_833 : i32 to index
      %swap3A_835 = tpu.vector_load %arg19[%swap3A_834] {strides = array<i32>} : memref<10000xf32, #tpu.memory_space<vmem>>, vector<16xf32>,
      tpu.vector_store %arg19[%swap3A_834], %broadcast_in_dim3A_739 {strides = array<i32>} : memref<10000xf32, #tpu.memory_space<vmem>>, vector<16xf32>,
      %add3A_836 = arith.constant 192 : i32
      %add3A_837 = arith.addi %add3A_737, %add3A_836 : i32
      %swap3A_838 = arith.index_cast %add3A_837 : i32 to index
      %swap3A_839 = tpu.vector_load %arg18[%swap3A_838] {strides = array<i32>} : memref<10000xf32, #tpu.memory_space<vmem>>, vector<16xf32>,
      tpu.vector_store %arg18[%swap3A_838], %broadcast_in_dim3A_739 {strides = array<i32>} : memref<10000xf32, #tpu.memory_space<vmem>>, vector<16xf32>,
      %add3A_840 = arith.constant 192 : i32
      %add3A_841 = arith.addi %add3A_737, %add3A_840 : i32
      %swap3A_842 = arith.index_cast %add3A_841 : i32 to index
      %swap3A_843 = tpu.vector_load %arg19[%swap3A_842] {strides = array<i32>} : memref<10000xf32, #tpu.memory_space<vmem>>, vector<16xf32>,
      tpu.vector_store %arg19[%swap3A_842], %broadcast_in_dim3A_739 {strides = array<i32>} : memref<10000xf32, #tpu.memory_space<vmem>>, vector<16xf32>,
      %add3A_844 = arith.constant 208 : i32
      %add3A_845 = arith.addi %add3A_737, %add3A_844 : i32
      %swap3A_846 = arith.index_cast %add3A_845 : i32 to index
      %swap3A_847 = tpu.vector_load %arg18[%swap3A_846] {strides = array<i32>} : memref<10000xf32, #tpu.memory_space<vmem>>, vector<16xf32>,
      tpu.vector_store %arg18[%swap3A_846], %broadcast_in_dim3A_739 {strides = array<i32>} : memref<10000xf32, #tpu.memory_space<vmem>>, vector<16xf32>,
      %add3A_848 = arith.constant 208 : i32
      %add3A_849 = arith.addi %add3A_737, %add3A_848 : i32
      %swap3A_850 = arith.index_cast %add3A_849 : i32 to index
      %swap3A_851 = tpu.vector_load %arg19[%swap3A_850] {strides = array<i32>} : memref<10000xf32, #tpu.memory_space<vmem>>, vector<16xf32>,
      tpu.vector_store %arg19[%swap3A_850], %broadcast_in_dim3A_739 {strides = array<i32>} : memref<10000xf32, #tpu.memory_space<vmem>>, vector<16xf32>,
      %add3A_852 = arith.constant 224 : i32
      %add3A_853 = arith.addi %add3A_737, %add3A_852 : i32
      %swap3A_854 = arith.index_cast %add3A_853 : i32 to index
      %swap3A_855 = tpu.vector_load %arg18[%swap3A_854] {strides = array<i32>} : memref<10000xf32, #tpu.memory_space<vmem>>, vector<16xf32>,
      tpu.vector_store %arg18[%swap3A_854], %broadcast_in_dim3A_739 {strides = array<i32>} : memref<10000xf32, #tpu.memory_space<vmem>>, vector<16xf32>,
      %add3A_856 = arith.constant 224 : i32
      %add3A_857 = arith.addi %add3A_737, %add3A_856 : i32
      %swap3A_858 = arith.index_cast %add3A_857 : i32 to index
      %swap3A_859 = tpu.vector_load %arg19[%swap3A_858] {strides = array<i32>} : memref<10000xf32, #tpu.memory_space<vmem>>, vector<16xf32>,
      tpu.vector_store %arg19[%swap3A_858], %broadcast_in_dim3A_739 {strides = array<i32>} : memref<10000xf32, #tpu.memory_space<vmem>>, vector<16xf32>,
      %add3A_860 = arith.constant 240 : i32
      %add3A_861 = arith.addi %add3A_737, %add3A_860 : i32
      %swap3A_862 = arith.index_cast %add3A_861 : i32 to index
      %swap3A_863 = tpu.vector_load %arg18[%swap3A_862] {strides = array<i32>} : memref<10000xf32, #tpu.memory_space<vmem>>, vector<16xf32>,
      tpu.vector_store %arg18[%swap3A_862], %broadcast_in_dim3A_739 {strides = array<i32>} : memref<10000xf32, #tpu.memory_space<vmem>>, vector<16xf32>,
      %add3A_864 = arith.constant 240 : i32
      %add3A_865 = arith.addi %add3A_737, %add3A_864 : i32
      %swap3A_866 = arith.index_cast %add3A_865 : i32 to index
      %swap3A_867 = tpu.vector_load %arg19[%swap3A_866] {strides = array<i32>} : memref<10000xf32, #tpu.memory_space<vmem>>, vector<16xf32>,
      tpu.vector_store %arg19[%swap3A_866], %broadcast_in_dim3A_739 {strides = array<i32>} : memref<10000xf32, #tpu.memory_space<vmem>>, vector<16xf32>,
      %add3A_868 = arith.constant 256 : i32
      %add3A_869 = arith.addi %add3A_737, %add3A_868 : i32
      %swap3A_870 = arith.index_cast %add3A_869 : i32 to index
      %swap3A_871 = tpu.vector_load %arg18[%swap3A_870] {strides = array<i32>} : memref<10000xf32, #tpu.memory_space<vmem>>, vector<16xf32>,
      tpu.vector_store %arg18[%swap3A_870], %broadcast_in_dim3A_739 {strides = array<i32>} : memref<10000xf32, #tpu.memory_space<vmem>>, vector<16xf32>,
      %add3A_872 = arith.constant 256 : i32
      %add3A_873 = arith.addi %add3A_737, %add3A_872 : i32
      %swap3A_874 = arith.index_cast %add3A_873 : i32 to index
      %swap3A_875 = tpu.vector_load %arg19[%swap3A_874] {strides = array<i32>} : memref<10000xf32, #tpu.memory_space<vmem>>, vector<16xf32>,
      tpu.vector_store %arg19[%swap3A_874], %broadcast_in_dim3A_739 {strides = array<i32>} : memref<10000xf32, #tpu.memory_space<vmem>>, vector<16xf32>,
      %add3A_876 = arith.constant 272 : i32
      %add3A_877 = arith.addi %add3A_737, %add3A_876 : i32
      %swap3A_878 = arith.index_cast %add3A_877 : i32 to index
      %swap3A_879 = tpu.vector_load %arg18[%swap3A_878] {strides = array<i32>} : memref<10000xf32, #tpu.memory_space<vmem>>, vector<16xf32>,
      tpu.vector_store %arg18[%swap3A_878], %broadcast_in_dim3A_739 {strides = array<i32>} : memref<10000xf32, #tpu.memory_space<vmem>>, vector<16xf32>,
      %add3A_880 = arith.constant 272 : i32
      %add3A_881 = arith.addi %add3A_737, %add3A_880 : i32
      %swap3A_882 = arith.index_cast %add3A_881 : i32 to index
      %swap3A_883 = tpu.vector_load %arg19[%swap3A_882] {strides = array<i32>} : memref<10000xf32, #tpu.memory_space<vmem>>, vector<16xf32>,
      tpu.vector_store %arg19[%swap3A_882], %broadcast_in_dim3A_739 {strides = array<i32>} : memref<10000xf32, #tpu.memory_space<vmem>>, vector<16xf32>,
      %add3A_884 = arith.constant 288 : i32
      %add3A_885 = arith.addi %add3A_737, %add3A_884 : i32
      %swap3A_886 = arith.index_cast %add3A_885 : i32 to index
      %swap3A_887 = tpu.vector_load %arg18[%swap3A_886] {strides = array<i32>} : memref<10000xf32, #tpu.memory_space<vmem>>, vector<16xf32>,
      tpu.vector_store %arg18[%swap3A_886], %broadcast_in_dim3A_739 {strides = array<i32>} : memref<10000xf32, #tpu.memory_space<vmem>>, vector<16xf32>,
      %add3A_888 = arith.constant 288 : i32
      %add3A_889 = arith.addi %add3A_737, %add3A_888 : i32
      %swap3A_890 = arith.index_cast %add3A_889 : i32 to index
      %swap3A_891 = tpu.vector_load %arg19[%swap3A_890] {strides = array<i32>} : memref<10000xf32, #tpu.memory_space<vmem>>, vector<16xf32>,
      tpu.vector_store %arg19[%swap3A_890], %broadcast_in_dim3A_739 {strides = array<i32>} : memref<10000xf32, #tpu.memory_space<vmem>>, vector<16xf32>,
      %add3A_892 = arith.constant 304 : i32
      %add3A_893 = arith.addi %add3A_737, %add3A_892 : i32
      %swap3A_894 = arith.index_cast %add3A_893 : i32 to index
      %swap3A_895 = tpu.vector_load %arg18[%swap3A_894] {strides = array<i32>} : memref<10000xf32, #tpu.memory_space<vmem>>, vector<16xf32>,
      tpu.vector_store %arg18[%swap3A_894], %broadcast_in_dim3A_739 {strides = array<i32>} : memref<10000xf32, #tpu.memory_space<vmem>>, vector<16xf32>,
      %add3A_896 = arith.constant 304 : i32
      %add3A_897 = arith.addi %add3A_737, %add3A_896 : i32
      %swap3A_898 = arith.index_cast %add3A_897 : i32 to index
      %swap3A_899 = tpu.vector_load %arg19[%swap3A_898] {strides = array<i32>} : memref<10000xf32, #tpu.memory_space<vmem>>, vector<16xf32>,
      tpu.vector_store %arg19[%swap3A_898], %broadcast_in_dim3A_739 {strides = array<i32>} : memref<10000xf32, #tpu.memory_space<vmem>>, vector<16xf32>,
      %add3A_900 = arith.constant 320 : i32
      %add3A_901 = arith.addi %add3A_737, %add3A_900 : i32
      %swap3A_902 = arith.index_cast %add3A_901 : i32 to index
      %swap3A_903 = tpu.vector_load %arg18[%swap3A_902] {strides = array<i32>} : memref<10000xf32, #tpu.memory_space<vmem>>, vector<16xf32>,
      tpu.vector_store %arg18[%swap3A_902], %broadcast_in_dim3A_739 {strides = array<i32>} : memref<10000xf32, #tpu.memory_space<vmem>>, vector<16xf32>,
      %add3A_904 = arith.constant 320 : i32
      %add3A_905 = arith.addi %add3A_737, %add3A_904 : i32
      %swap3A_906 = arith.index_cast %add3A_905 : i32 to index
      %swap3A_907 = tpu.vector_load %arg19[%swap3A_906] {strides = array<i32>} : memref<10000xf32, #tpu.memory_space<vmem>>, vector<16xf32>,
      tpu.vector_store %arg19[%swap3A_906], %broadcast_in_dim3A_739 {strides = array<i32>} : memref<10000xf32, #tpu.memory_space<vmem>>, vector<16xf32>,
      %add3A_908 = arith.constant 336 : i32
      %add3A_909 = arith.addi %add3A_737, %add3A_908 : i32
      %swap3A_910 = arith.index_cast %add3A_909 : i32 to index
      %swap3A_911 = tpu.vector_load %arg18[%swap3A_910] {strides = array<i32>} : memref<10000xf32, #tpu.memory_space<vmem>>, vector<16xf32>,
      tpu.vector_store %arg18[%swap3A_910], %broadcast_in_dim3A_739 {strides = array<i32>} : memref<10000xf32, #tpu.memory_space<vmem>>, vector<16xf32>,
      %add3A_912 = arith.constant 336 : i32
      %add3A_913 = arith.addi %add3A_737, %add3A_912 : i32
      %swap3A_914 = arith.index_cast %add3A_913 : i32 to index
      %swap3A_915 = tpu.vector_load %arg19[%swap3A_914] {strides = array<i32>} : memref<10000xf32, #tpu.memory_space<vmem>>, vector<16xf32>,
      tpu.vector_store %arg19[%swap3A_914], %broadcast_in_dim3A_739 {strides = array<i32>} : memref<10000xf32, #tpu.memory_space<vmem>>, vector<16xf32>,
      %add3A_916 = arith.constant 352 : i32
      %add3A_917 = arith.addi %add3A_737, %add3A_916 : i32
      %swap3A_918 = arith.index_cast %add3A_917 : i32 to index
      %swap3A_919 = tpu.vector_load %arg18[%swap3A_918] {strides = array<i32>} : memref<10000xf32, #tpu.memory_space<vmem>>, vector<16xf32>,
      tpu.vector_store %arg18[%swap3A_918], %broadcast_in_dim3A_739 {strides = array<i32>} : memref<10000xf32, #tpu.memory_space<vmem>>, vector<16xf32>,
      %add3A_920 = arith.constant 352 : i32
      %add3A_921 = arith.addi %add3A_737, %add3A_920 : i32
      %swap3A_922 = arith.index_cast %add3A_921 : i32 to index
      %swap3A_923 = tpu.vector_load %arg19[%swap3A_922] {strides = array<i32>} : memref<10000xf32, #tpu.memory_space<vmem>>, vector<16xf32>,
      tpu.vector_store %arg19[%swap3A_922], %broadcast_in_dim3A_739 {strides = array<i32>} : memref<10000xf32, #tpu.memory_space<vmem>>, vector<16xf32>,
      %add3A_924 = arith.constant 368 : i32
      %add3A_925 = arith.addi %add3A_737, %add3A_924 : i32
      %swap3A_926 = arith.index_cast %add3A_925 : i32 to index
      %swap3A_927 = tpu.vector_load %arg18[%swap3A_926] {strides = array<i32>} : memref<10000xf32, #tpu.memory_space<vmem>>, vector<16xf32>,
      tpu.vector_store %arg18[%swap3A_926], %broadcast_in_dim3A_739 {strides = array<i32>} : memref<10000xf32, #tpu.memory_space<vmem>>, vector<16xf32>,
      %add3A_928 = arith.constant 368 : i32
      %add3A_929 = arith.addi %add3A_737, %add3A_928 : i32
      %swap3A_930 = arith.index_cast %add3A_929 : i32 to index
      %swap3A_931 = tpu.vector_load %arg19[%swap3A_930] {strides = array<i32>} : memref<10000xf32, #tpu.memory_space<vmem>>, vector<16xf32>,
      tpu.vector_store %arg19[%swap3A_930], %broadcast_in_dim3A_739 {strides = array<i32>} : memref<10000xf32, #tpu.memory_space<vmem>>, vector<16xf32>,
      %add3A_932 = arith.constant 384 : i32
      %add3A_933 = arith.addi %add3A_737, %add3A_932 : i32
      %swap3A_934 = arith.index_cast %add3A_933 : i32 to index
      %swap3A_935 = tpu.vector_load %arg18[%swap3A_934] {strides = array<i32>} : memref<10000xf32, #tpu.memory_space<vmem>>, vector<16xf32>,
      tpu.vector_store %arg18[%swap3A_934], %broadcast_in_dim3A_739 {strides = array<i32>} : memref<10000xf32, #tpu.memory_space<vmem>>, vector<16xf32>,
      %add3A_936 = arith.constant 384 : i32
      %add3A_937 = arith.addi %add3A_737, %add3A_936 : i32
      %swap3A_938 = arith.index_cast %add3A_937 : i32 to index
      %swap3A_939 = tpu.vector_load %arg19[%swap3A_938] {strides = array<i32>} : memref<10000xf32, #tpu.memory_space<vmem>>, vector<16xf32>,
      tpu.vector_store %arg19[%swap3A_938], %broadcast_in_dim3A_739 {strides = array<i32>} : memref<10000xf32, #tpu.memory_space<vmem>>, vector<16xf32>,
    }
    %scan3A_152 = arith.constant 25 : i32
    %dma_wait3A = arith.constant 0 : i32
    %dma_wait3A_153 = tpu.memref_slice %arg3[%dma_wait3A] : memref<655360xf32, #tpu.memory_space<hbm>> -> memref<655360xf32, #tpu.memory_space<hbm>>
    tpu.wait_indirect_dma semaphore(%arg26 : memref<!tpu.dma_semaphore, #tpu.memory_space<semaphore_mem>>) src(%dma_wait3A_153 : memref<655360xf32, #tpu.memory_space<hbm>>) dst(%arg14 : memref<64xf32, #tpu.memory_space<vmem>>)
    %dma_wait3A_154 = arith.constant 0 : i32
    %dma_wait3A_155 = tpu.memref_slice %arg4[%dma_wait3A_154] : memref<20480xf32, #tpu.memory_space<hbm>> -> memref<20480xf32, #tpu.memory_space<hbm>>
    tpu.wait_indirect_dma semaphore(%arg26 : memref<!tpu.dma_semaphore, #tpu.memory_space<semaphore_mem>>) src(%dma_wait3A_155 : memref<20480xf32, #tpu.memory_space<hbm>>) dst(%arg15 : memref<64xf32, #tpu.memory_space<vmem>>)
    %dma_wait3A_156 = arith.constant 0 : i32
    %dma_wait3A_157 = tpu.memref_slice %arg4[%dma_wait3A_156] : memref<20480xf32, #tpu.memory_space<hbm>> -> memref<20480xf32, #tpu.memory_space<hbm>>
    tpu.wait_indirect_dma semaphore(%arg26 : memref<!tpu.dma_semaphore, #tpu.memory_space<semaphore_mem>>) src(%dma_wait3A_157 : memref<20480xf32, #tpu.memory_space<hbm>>) dst(%arg16 : memref<64xf32, #tpu.memory_space<vmem>>)
    %dma_wait3A_158 = arith.constant 0 : i32
    %dma_wait3A_159 = tpu.memref_slice %arg5[%dma_wait3A_158] : memref<10000xf32, #tpu.memory_space<hbm>> -> memref<10000xf32, #tpu.memory_space<hbm>>
    tpu.wait_indirect_dma semaphore(%arg26 : memref<!tpu.dma_semaphore, #tpu.memory_space<semaphore_mem>>) src(%dma_wait3A_159 : memref<10000xf32, #tpu.memory_space<hbm>>) dst(%arg17 : memref<64xf32, #tpu.memory_space<vmem>>)
    %broadcast_in_dim3A_160 = arith.constant 0.000000e+00 : f32
    %broadcast_in_dim3A_161 = vector.broadcast %broadcast_in_dim3A_160 : f32 to vector<16xf32>
    %broadcast_in_dim3A_162 = arith.constant 0.000000e+00 : f32
    %broadcast_in_dim3A_163 = vector.broadcast %broadcast_in_dim3A_162 : f32 to vector<16xf32>
    %get3A_164 = arith.constant 0 : index
    %get3A_165 = tpu.vector_load %arg15[%get3A_164] {strides = array<i32>} : memref<64xf32, #tpu.memory_space<vmem>>, vector<16xf32>,
    %add3A_166 = arith.addf %broadcast_in_dim3A_161, %get3A_165 : vector<16xf32>
    %get3A_167 = arith.constant 0 : index
    %get3A_168 = tpu.vector_load %arg16[%get3A_167] {strides = array<i32>} : memref<64xf32, #tpu.memory_space<vmem>>, vector<16xf32>,
    %add3A_169 = arith.addf %broadcast_in_dim3A_163, %get3A_168 : vector<16xf32>
    %get3A_170 = arith.constant 16 : index
    %get3A_171 = tpu.vector_load %arg15[%get3A_170] {strides = array<i32>} : memref<64xf32, #tpu.memory_space<vmem>>, vector<16xf32>,
    %add3A_172 = arith.addf %add3A_166, %get3A_171 : vector<16xf32>
    %get3A_173 = arith.constant 16 : index
    %get3A_174 = tpu.vector_load %arg16[%get3A_173] {strides = array<i32>} : memref<64xf32, #tpu.memory_space<vmem>>, vector<16xf32>,
    %add3A_175 = arith.addf %add3A_169, %get3A_174 : vector<16xf32>
    %get3A_176 = arith.constant 32 : index
    %get3A_177 = tpu.vector_load %arg15[%get3A_176] {strides = array<i32>} : memref<64xf32, #tpu.memory_space<vmem>>, vector<16xf32>,
    %add3A_178 = arith.addf %add3A_172, %get3A_177 : vector<16xf32>
    %get3A_179 = arith.constant 32 : index
    %get3A_180 = tpu.vector_load %arg16[%get3A_179] {strides = array<i32>} : memref<64xf32, #tpu.memory_space<vmem>>, vector<16xf32>,
    %add3A_181 = arith.addf %add3A_175, %get3A_180 : vector<16xf32>
    %get3A_182 = arith.constant 48 : index
    %get3A_183 = tpu.vector_load %arg15[%get3A_182] {strides = array<i32>} : memref<64xf32, #tpu.memory_space<vmem>>, vector<16xf32>,
    %add3A_184 = arith.addf %add3A_178, %get3A_183 : vector<16xf32>
    %get3A_185 = arith.constant 48 : index
    %get3A_186 = tpu.vector_load %arg16[%get3A_185] {strides = array<i32>} : memref<64xf32, #tpu.memory_space<vmem>>, vector<16xf32>,
    %add3A_187 = arith.addf %add3A_181, %get3A_186 : vector<16xf32>
    %gather3A = tpu.vector_load_idx %arg23[%add3A_96] : memref<64xi32, #tpu.memory_space<vmem>>[vector<16xi32>], vector<16xi32>,
    %mul3A_188 = arith.constant 34 : i32
    %mul3A_189 = vector.broadcast %mul3A_188 : i32 to vector<16xi32>
    %mul3A_190 = arith.muli %gather3A, %mul3A_189 : vector<16xi32>
    %add3A_191 = arith.addi %mul3A_190, %iota3A : vector<16xi32>
    %gather3A_192 = tpu.vector_load_idx %arg25[%add3A_191] : memref<240xf32, #tpu.memory_space<vmem>>[vector<16xi32>], vector<16xf32>,
    %add3A_193 = arith.constant 16 : i32
    %add3A_194 = vector.broadcast %add3A_193 : i32 to vector<16xi32>
    %add3A_195 = arith.addi %iota3A, %add3A_194 : vector<16xi32>
    %add3A_196 = arith.addi %mul3A_190, %add3A_195 : vector<16xi32>
    %gather3A_197 = tpu.vector_load_idx %arg25[%add3A_196] : memref<240xf32, #tpu.memory_space<vmem>>[vector<16xi32>], vector<16xf32>,
    %add3A_198 = arith.constant 32 : i32
    %add3A_199 = vector.broadcast %add3A_198 : i32 to vector<16xi32>
    %add3A_200 = arith.addi %iota3A, %add3A_199 : vector<16xi32>
    %add3A_201 = arith.addi %mul3A_190, %add3A_200 : vector<16xi32>
    %min3A = arith.constant 237 : i32
    %min3A_202 = vector.broadcast %min3A : i32 to vector<16xi32>
    %min3A_203 = arith.minsi %add3A_201, %min3A_202 : vector<16xi32>
    %gather3A_204 = tpu.vector_load_idx %arg25[%min3A_203] : memref<240xf32, #tpu.memory_space<vmem>>[vector<16xi32>], vector<16xf32>,
    %mul3A_205 = arith.constant 2 : i32
    %mul3A_206 = arith.muli %mul3A_205, %add3A_92 : i32
    %sub3A = arith.constant 2 : i32
    %sub3A_207 = arith.subi %mul3A_206, %sub3A : i32
    %add3A_208 = vector.broadcast %sub3A_207 : i32 to vector<16xi32>
    %add3A_209 = arith.addi %iota3A, %add3A_208 : vector<16xi32>
    %jit3A_210 = arith.constant 0 : i32
    %jit3A_211 = arith.constant 127 : i32
    %max3A = vector.broadcast %jit3A_210 : i32 to vector<16xi32>
    %max3A_212 = arith.maxsi %max3A, %add3A_209 : vector<16xi32>
    %min3A_213 = vector.broadcast %jit3A_211 : i32 to vector<16xi32>
    %min3A_214 = arith.minsi %min3A_213, %max3A_212 : vector<16xi32>
    %gather3A_215 = tpu.vector_load_idx %arg24[%min3A_214] : memref<128xf32, #tpu.memory_space<vmem>>[vector<16xi32>], vector<16xf32>,
    %lt3A = arith.constant 2 : i32
    %lt3A_216 = vector.broadcast %lt3A : i32 to vector<16xi32>
    %lt3A_217 = arith.cmpi slt, %iota3A, %lt3A_216 : vector<16xi32>
    %lt3A_218 = arith.constant 4 : i32
    %lt3A_219 = vector.broadcast %lt3A_218 : i32 to vector<16xi32>
    %lt3A_220 = arith.cmpi slt, %iota3A, %lt3A_219 : vector<16xi32>
    %jit3A_221 = arith.constant 0.000000e+00 : f32
    %broadcast_in_dim3A_222 = vector.broadcast %jit3A_221 : f32 to vector<16xf32>
    %select_n3A_223 = arith.select %lt3A_220, %gather3A_215, %broadcast_in_dim3A_222 : vector<16xi1>, vector<16xf32>
    %select_n3A_224 = arith.select %lt3A_217, %gather3A_204, %select_n3A_223 : vector<16xi1>, vector<16xf32>
    %mul3A_225 = arith.mulf %gather3A_192, %get3A_78 : vector<16xf32>
    %mul3A_226 = arith.mulf %gather3A_197, %get3A_80 : vector<16xf32>
    %add3A_227 = arith.addf %mul3A_225, %mul3A_226 : vector<16xf32>
    %mul3A_228 = arith.mulf %select_n3A_224, %get3A_82 : vector<16xf32>
    %add3A_229 = arith.addf %add3A_227, %mul3A_228 : vector<16xf32>
    %add3A_230 = arith.addf %add3A_229, %add3A_184 : vector<16xf32>
    %reduce_sum3A_231 = arith.constant true
    %reduce_sum3A_232 = vector.broadcast %reduce_sum3A_231 : i1 to vector<16xi1>
    %reduce_sum3A_233 = tpu.scan <sum>, %add3A_230 masked %reduce_sum3A_232 : vector<16xf32>, vector<16xi1> -> vector<16xf32>
    %reduce_sum3A_234 = vector.extract %reduce_sum3A_233[15] : f32 from vector<16xf32>
    %mul3A_235 = arith.mulf %gather3A_192, %get3A_84 : vector<16xf32>
    %mul3A_236 = arith.mulf %gather3A_197, %get3A_86 : vector<16xf32>
    %add3A_237 = arith.addf %mul3A_235, %mul3A_236 : vector<16xf32>
    %mul3A_238 = arith.mulf %select_n3A_224, %get3A_88 : vector<16xf32>
    %add3A_239 = arith.addf %add3A_237, %mul3A_238 : vector<16xf32>
    %add3A_240 = arith.addf %add3A_239, %add3A_187 : vector<16xf32>
    %reduce_sum3A_241 = arith.constant true
    %reduce_sum3A_242 = vector.broadcast %reduce_sum3A_241 : i1 to vector<16xi1>
    %reduce_sum3A_243 = tpu.scan <sum>, %add3A_240 masked %reduce_sum3A_242 : vector<16xf32>, vector<16xi1> -> vector<16xf32>
    %reduce_sum3A_244 = vector.extract %reduce_sum3A_243[15] : f32 from vector<16xf32>
    %add3A_245 = arith.addf %reduce_sum3A_26, %reduce_sum3A_244 : f32
    %get3A_246 = arith.constant 0 : index
    %get3A_247 = tpu.vector_load %arg14[%get3A_246] {strides = array<i32>} : memref<64xf32, #tpu.memory_space<vmem>>, vector<16xf32>,
    %mul3A_248 = vector.broadcast %reduce_sum3A_6 : f32 to vector<16xf32>
    %mul3A_249 = arith.mulf %get3A_247, %mul3A_248 : vector<16xf32>
    %get3A_250 = arith.constant 0 : index
    %get3A_251 = tpu.vector_load %arg17[%get3A_250] {strides = array<i32>} : memref<64xf32, #tpu.memory_space<vmem>>, vector<16xf32>,
    %mul3A_252 = vector.broadcast %reduce_sum3A_16 : f32 to vector<16xf32>
    %mul3A_253 = arith.mulf %get3A_251, %mul3A_252 : vector<16xf32>
    %add3A_254 = arith.addf %mul3A_249, %mul3A_253 : vector<16xf32>
    %add3A_255 = arith.constant 0 : i32
    %add3A_256 = vector.broadcast %add3A_255 : i32 to vector<16xi32>
    %add3A_257 = arith.addi %iota3A, %add3A_256 : vector<16xi32>
    %lt3A_258 = arith.constant 63 : i32
    %lt3A_259 = vector.broadcast %lt3A_258 : i32 to vector<16xi32>
    %lt3A_260 = arith.cmpi slt, %add3A_257, %lt3A_259 : vector<16xi32>
    %add3A_261 = arith.constant 1 : i32
    %add3A_262 = vector.broadcast %add3A_261 : i32 to vector<16xi32>
    %add3A_263 = arith.addi %iota3A, %add3A_262 : vector<16xi32>
    %min3A_264 = arith.constant 63 : i32
    %min3A_265 = vector.broadcast %min3A_264 : i32 to vector<16xi32>
    %min3A_266 = arith.minsi %add3A_263, %min3A_265 : vector<16xi32>
    %gather3A_267 = tpu.vector_load_idx %arg11[%min3A_266] : memref<64xi32, #tpu.memory_space<vmem>>[vector<16xi32>], vector<16xi32>,
    %and3A = arith.andi %lt3A_260, %eq3A_31 : vector<16xi1>
    tpu.vector_store_idx %arg18[%gather3A_267], %add3A_254 masked %and3A {add = true} : memref<10000xf32, #tpu.memory_space<vmem>>[vector<16xi32>], vector<16xf32>, vector<16xi1>
    tpu.vector_store_idx %arg19[%gather3A_267], %broadcast_in_dim3A_28 masked %and3A {add = true} : memref<10000xf32, #tpu.memory_space<vmem>>[vector<16xi32>], vector<16xf32>, vector<16xi1>
    %and3A_268 = arith.andi %lt3A_260, %eq3A_34 : vector<16xi1>
    tpu.vector_store_idx %arg18[%gather3A_267], %add3A_254 masked %and3A_268 {add = true} : memref<10000xf32, #tpu.memory_space<vmem>>[vector<16xi32>], vector<16xf32>, vector<16xi1>
    tpu.vector_store_idx %arg19[%gather3A_267], %broadcast_in_dim3A_28 masked %and3A_268 {add = true} : memref<10000xf32, #tpu.memory_space<vmem>>[vector<16xi32>], vector<16xf32>, vector<16xi1>
    %and3A_269 = arith.andi %lt3A_260, %eq3A_37 : vector<16xi1>
    tpu.vector_store_idx %arg18[%gather3A_267], %add3A_254 masked %and3A_269 {add = true} : memref<10000xf32, #tpu.memory_space<vmem>>[vector<16xi32>], vector<16xf32>, vector<16xi1>
    tpu.vector_store_idx %arg19[%gather3A_267], %broadcast_in_dim3A_28 masked %and3A_269 {add = true} : memref<10000xf32, #tpu.memory_space<vmem>>[vector<16xi32>], vector<16xf32>, vector<16xi1>
    %and3A_270 = arith.andi %lt3A_260, %eq3A_40 : vector<16xi1>
    tpu.vector_store_idx %arg18[%gather3A_267], %add3A_254 masked %and3A_270 {add = true} : memref<10000xf32, #tpu.memory_space<vmem>>[vector<16xi32>], vector<16xf32>, vector<16xi1>
    tpu.vector_store_idx %arg19[%gather3A_267], %broadcast_in_dim3A_28 masked %and3A_270 {add = true} : memref<10000xf32, #tpu.memory_space<vmem>>[vector<16xi32>], vector<16xf32>, vector<16xi1>
    %and3A_271 = arith.andi %lt3A_260, %eq3A_43 : vector<16xi1>
    tpu.vector_store_idx %arg18[%gather3A_267], %add3A_254 masked %and3A_271 {add = true} : memref<10000xf32, #tpu.memory_space<vmem>>[vector<16xi32>], vector<16xf32>, vector<16xi1>
    tpu.vector_store_idx %arg19[%gather3A_267], %broadcast_in_dim3A_28 masked %and3A_271 {add = true} : memref<10000xf32, #tpu.memory_space<vmem>>[vector<16xi32>], vector<16xf32>, vector<16xi1>
    %and3A_272 = arith.andi %lt3A_260, %eq3A_46 : vector<16xi1>
    tpu.vector_store_idx %arg18[%gather3A_267], %add3A_254 masked %and3A_272 {add = true} : memref<10000xf32, #tpu.memory_space<vmem>>[vector<16xi32>], vector<16xf32>, vector<16xi1>
    tpu.vector_store_idx %arg19[%gather3A_267], %broadcast_in_dim3A_28 masked %and3A_272 {add = true} : memref<10000xf32, #tpu.memory_space<vmem>>[vector<16xi32>], vector<16xf32>, vector<16xi1>
    %and3A_273 = arith.andi %lt3A_260, %eq3A_49 : vector<16xi1>
    tpu.vector_store_idx %arg18[%gather3A_267], %add3A_254 masked %and3A_273 {add = true} : memref<10000xf32, #tpu.memory_space<vmem>>[vector<16xi32>], vector<16xf32>, vector<16xi1>
    tpu.vector_store_idx %arg19[%gather3A_267], %broadcast_in_dim3A_28 masked %and3A_273 {add = true} : memref<10000xf32, #tpu.memory_space<vmem>>[vector<16xi32>], vector<16xf32>, vector<16xi1>
    %and3A_274 = arith.andi %lt3A_260, %eq3A_52 : vector<16xi1>
    tpu.vector_store_idx %arg18[%gather3A_267], %add3A_254 masked %and3A_274 {add = true} : memref<10000xf32, #tpu.memory_space<vmem>>[vector<16xi32>], vector<16xf32>, vector<16xi1>
    tpu.vector_store_idx %arg19[%gather3A_267], %broadcast_in_dim3A_28 masked %and3A_274 {add = true} : memref<10000xf32, #tpu.memory_space<vmem>>[vector<16xi32>], vector<16xf32>, vector<16xi1>
    %and3A_275 = arith.andi %lt3A_260, %eq3A_55 : vector<16xi1>
    tpu.vector_store_idx %arg18[%gather3A_267], %add3A_254 masked %and3A_275 {add = true} : memref<10000xf32, #tpu.memory_space<vmem>>[vector<16xi32>], vector<16xf32>, vector<16xi1>
    tpu.vector_store_idx %arg19[%gather3A_267], %broadcast_in_dim3A_28 masked %and3A_275 {add = true} : memref<10000xf32, #tpu.memory_space<vmem>>[vector<16xi32>], vector<16xf32>, vector<16xi1>
    %and3A_276 = arith.andi %lt3A_260, %eq3A_58 : vector<16xi1>
    tpu.vector_store_idx %arg18[%gather3A_267], %add3A_254 masked %and3A_276 {add = true} : memref<10000xf32, #tpu.memory_space<vmem>>[vector<16xi32>], vector<16xf32>, vector<16xi1>
    tpu.vector_store_idx %arg19[%gather3A_267], %broadcast_in_dim3A_28 masked %and3A_276 {add = true} : memref<10000xf32, #tpu.memory_space<vmem>>[vector<16xi32>], vector<16xf32>, vector<16xi1>
    %and3A_277 = arith.andi %lt3A_260, %eq3A_61 : vector<16xi1>
    tpu.vector_store_idx %arg18[%gather3A_267], %add3A_254 masked %and3A_277 {add = true} : memref<10000xf32, #tpu.memory_space<vmem>>[vector<16xi32>], vector<16xf32>, vector<16xi1>
    tpu.vector_store_idx %arg19[%gather3A_267], %broadcast_in_dim3A_28 masked %and3A_277 {add = true} : memref<10000xf32, #tpu.memory_space<vmem>>[vector<16xi32>], vector<16xf32>, vector<16xi1>
    %and3A_278 = arith.andi %lt3A_260, %eq3A_64 : vector<16xi1>
    tpu.vector_store_idx %arg18[%gather3A_267], %add3A_254 masked %and3A_278 {add = true} : memref<10000xf32, #tpu.memory_space<vmem>>[vector<16xi32>], vector<16xf32>, vector<16xi1>
    tpu.vector_store_idx %arg19[%gather3A_267], %broadcast_in_dim3A_28 masked %and3A_278 {add = true} : memref<10000xf32, #tpu.memory_space<vmem>>[vector<16xi32>], vector<16xf32>, vector<16xi1>
    %and3A_279 = arith.andi %lt3A_260, %eq3A_67 : vector<16xi1>
    tpu.vector_store_idx %arg18[%gather3A_267], %add3A_254 masked %and3A_279 {add = true} : memref<10000xf32, #tpu.memory_space<vmem>>[vector<16xi32>], vector<16xf32>, vector<16xi1>
    tpu.vector_store_idx %arg19[%gather3A_267], %broadcast_in_dim3A_28 masked %and3A_279 {add = true} : memref<10000xf32, #tpu.memory_space<vmem>>[vector<16xi32>], vector<16xf32>, vector<16xi1>
    %and3A_280 = arith.andi %lt3A_260, %eq3A_70 : vector<16xi1>
    tpu.vector_store_idx %arg18[%gather3A_267], %add3A_254 masked %and3A_280 {add = true} : memref<10000xf32, #tpu.memory_space<vmem>>[vector<16xi32>], vector<16xf32>, vector<16xi1>
    tpu.vector_store_idx %arg19[%gather3A_267], %broadcast_in_dim3A_28 masked %and3A_280 {add = true} : memref<10000xf32, #tpu.memory_space<vmem>>[vector<16xi32>], vector<16xf32>, vector<16xi1>
    %and3A_281 = arith.andi %lt3A_260, %eq3A_73 : vector<16xi1>
    tpu.vector_store_idx %arg18[%gather3A_267], %add3A_254 masked %and3A_281 {add = true} : memref<10000xf32, #tpu.memory_space<vmem>>[vector<16xi32>], vector<16xf32>, vector<16xi1>
    tpu.vector_store_idx %arg19[%gather3A_267], %broadcast_in_dim3A_28 masked %and3A_281 {add = true} : memref<10000xf32, #tpu.memory_space<vmem>>[vector<16xi32>], vector<16xf32>, vector<16xi1>
    %and3A_282 = arith.andi %lt3A_260, %eq3A_76 : vector<16xi1>
    tpu.vector_store_idx %arg18[%gather3A_267], %add3A_254 masked %and3A_282 {add = true} : memref<10000xf32, #tpu.memory_space<vmem>>[vector<16xi32>], vector<16xf32>, vector<16xi1>
    tpu.vector_store_idx %arg19[%gather3A_267], %broadcast_in_dim3A_28 masked %and3A_282 {add = true} : memref<10000xf32, #tpu.memory_space<vmem>>[vector<16xi32>], vector<16xf32>, vector<16xi1>
    %get3A_283 = arith.constant 16 : index
    %get3A_284 = tpu.vector_load %arg14[%get3A_283] {strides = array<i32>} : memref<64xf32, #tpu.memory_space<vmem>>, vector<16xf32>,
    %mul3A_285 = vector.broadcast %reduce_sum3A_6 : f32 to vector<16xf32>
    %mul3A_286 = arith.mulf %get3A_284, %mul3A_285 : vector<16xf32>
    %get3A_287 = arith.constant 16 : index
    %get3A_288 = tpu.vector_load %arg17[%get3A_287] {strides = array<i32>} : memref<64xf32, #tpu.memory_space<vmem>>, vector<16xf32>,
    %mul3A_289 = vector.broadcast %reduce_sum3A_16 : f32 to vector<16xf32>
    %mul3A_290 = arith.mulf %get3A_288, %mul3A_289 : vector<16xf32>
    %add3A_291 = arith.addf %mul3A_286, %mul3A_290 : vector<16xf32>
    %add3A_292 = arith.constant 16 : i32
    %add3A_293 = vector.broadcast %add3A_292 : i32 to vector<16xi32>
    %add3A_294 = arith.addi %iota3A, %add3A_293 : vector<16xi32>
    %lt3A_295 = arith.constant 63 : i32
    %lt3A_296 = vector.broadcast %lt3A_295 : i32 to vector<16xi32>
    %lt3A_297 = arith.cmpi slt, %add3A_294, %lt3A_296 : vector<16xi32>
    %add3A_298 = arith.constant 17 : i32
    %add3A_299 = vector.broadcast %add3A_298 : i32 to vector<16xi32>
    %add3A_300 = arith.addi %iota3A, %add3A_299 : vector<16xi32>
    %min3A_301 = arith.constant 63 : i32
    %min3A_302 = vector.broadcast %min3A_301 : i32 to vector<16xi32>
    %min3A_303 = arith.minsi %add3A_300, %min3A_302 : vector<16xi32>
    %gather3A_304 = tpu.vector_load_idx %arg11[%min3A_303] : memref<64xi32, #tpu.memory_space<vmem>>[vector<16xi32>], vector<16xi32>,
    %and3A_305 = arith.andi %lt3A_297, %eq3A_31 : vector<16xi1>
    tpu.vector_store_idx %arg18[%gather3A_304], %add3A_291 masked %and3A_305 {add = true} : memref<10000xf32, #tpu.memory_space<vmem>>[vector<16xi32>], vector<16xf32>, vector<16xi1>
    tpu.vector_store_idx %arg19[%gather3A_304], %broadcast_in_dim3A_28 masked %and3A_305 {add = true} : memref<10000xf32, #tpu.memory_space<vmem>>[vector<16xi32>], vector<16xf32>, vector<16xi1>
    %and3A_306 = arith.andi %lt3A_297, %eq3A_34 : vector<16xi1>
    tpu.vector_store_idx %arg18[%gather3A_304], %add3A_291 masked %and3A_306 {add = true} : memref<10000xf32, #tpu.memory_space<vmem>>[vector<16xi32>], vector<16xf32>, vector<16xi1>
    tpu.vector_store_idx %arg19[%gather3A_304], %broadcast_in_dim3A_28 masked %and3A_306 {add = true} : memref<10000xf32, #tpu.memory_space<vmem>>[vector<16xi32>], vector<16xf32>, vector<16xi1>
    %and3A_307 = arith.andi %lt3A_297, %eq3A_37 : vector<16xi1>
    tpu.vector_store_idx %arg18[%gather3A_304], %add3A_291 masked %and3A_307 {add = true} : memref<10000xf32, #tpu.memory_space<vmem>>[vector<16xi32>], vector<16xf32>, vector<16xi1>
    tpu.vector_store_idx %arg19[%gather3A_304], %broadcast_in_dim3A_28 masked %and3A_307 {add = true} : memref<10000xf32, #tpu.memory_space<vmem>>[vector<16xi32>], vector<16xf32>, vector<16xi1>
    %and3A_308 = arith.andi %lt3A_297, %eq3A_40 : vector<16xi1>
    tpu.vector_store_idx %arg18[%gather3A_304], %add3A_291 masked %and3A_308 {add = true} : memref<10000xf32, #tpu.memory_space<vmem>>[vector<16xi32>], vector<16xf32>, vector<16xi1>
    tpu.vector_store_idx %arg19[%gather3A_304], %broadcast_in_dim3A_28 masked %and3A_308 {add = true} : memref<10000xf32, #tpu.memory_space<vmem>>[vector<16xi32>], vector<16xf32>, vector<16xi1>
    %and3A_309 = arith.andi %lt3A_297, %eq3A_43 : vector<16xi1>
    tpu.vector_store_idx %arg18[%gather3A_304], %add3A_291 masked %and3A_309 {add = true} : memref<10000xf32, #tpu.memory_space<vmem>>[vector<16xi32>], vector<16xf32>, vector<16xi1>
    tpu.vector_store_idx %arg19[%gather3A_304], %broadcast_in_dim3A_28 masked %and3A_309 {add = true} : memref<10000xf32, #tpu.memory_space<vmem>>[vector<16xi32>], vector<16xf32>, vector<16xi1>
    %and3A_310 = arith.andi %lt3A_297, %eq3A_46 : vector<16xi1>
    tpu.vector_store_idx %arg18[%gather3A_304], %add3A_291 masked %and3A_310 {add = true} : memref<10000xf32, #tpu.memory_space<vmem>>[vector<16xi32>], vector<16xf32>, vector<16xi1>
    tpu.vector_store_idx %arg19[%gather3A_304], %broadcast_in_dim3A_28 masked %and3A_310 {add = true} : memref<10000xf32, #tpu.memory_space<vmem>>[vector<16xi32>], vector<16xf32>, vector<16xi1>
    %and3A_311 = arith.andi %lt3A_297, %eq3A_49 : vector<16xi1>
    tpu.vector_store_idx %arg18[%gather3A_304], %add3A_291 masked %and3A_311 {add = true} : memref<10000xf32, #tpu.memory_space<vmem>>[vector<16xi32>], vector<16xf32>, vector<16xi1>
    tpu.vector_store_idx %arg19[%gather3A_304], %broadcast_in_dim3A_28 masked %and3A_311 {add = true} : memref<10000xf32, #tpu.memory_space<vmem>>[vector<16xi32>], vector<16xf32>, vector<16xi1>
    %and3A_312 = arith.andi %lt3A_297, %eq3A_52 : vector<16xi1>
    tpu.vector_store_idx %arg18[%gather3A_304], %add3A_291 masked %and3A_312 {add = true} : memref<10000xf32, #tpu.memory_space<vmem>>[vector<16xi32>], vector<16xf32>, vector<16xi1>
    tpu.vector_store_idx %arg19[%gather3A_304], %broadcast_in_dim3A_28 masked %and3A_312 {add = true} : memref<10000xf32, #tpu.memory_space<vmem>>[vector<16xi32>], vector<16xf32>, vector<16xi1>
    %and3A_313 = arith.andi %lt3A_297, %eq3A_55 : vector<16xi1>
    tpu.vector_store_idx %arg18[%gather3A_304], %add3A_291 masked %and3A_313 {add = true} : memref<10000xf32, #tpu.memory_space<vmem>>[vector<16xi32>], vector<16xf32>, vector<16xi1>
    tpu.vector_store_idx %arg19[%gather3A_304], %broadcast_in_dim3A_28 masked %and3A_313 {add = true} : memref<10000xf32, #tpu.memory_space<vmem>>[vector<16xi32>], vector<16xf32>, vector<16xi1>
    %and3A_314 = arith.andi %lt3A_297, %eq3A_58 : vector<16xi1>
    tpu.vector_store_idx %arg18[%gather3A_304], %add3A_291 masked %and3A_314 {add = true} : memref<10000xf32, #tpu.memory_space<vmem>>[vector<16xi32>], vector<16xf32>, vector<16xi1>
    tpu.vector_store_idx %arg19[%gather3A_304], %broadcast_in_dim3A_28 masked %and3A_314 {add = true} : memref<10000xf32, #tpu.memory_space<vmem>>[vector<16xi32>], vector<16xf32>, vector<16xi1>
    %and3A_315 = arith.andi %lt3A_297, %eq3A_61 : vector<16xi1>
    tpu.vector_store_idx %arg18[%gather3A_304], %add3A_291 masked %and3A_315 {add = true} : memref<10000xf32, #tpu.memory_space<vmem>>[vector<16xi32>], vector<16xf32>, vector<16xi1>
    tpu.vector_store_idx %arg19[%gather3A_304], %broadcast_in_dim3A_28 masked %and3A_315 {add = true} : memref<10000xf32, #tpu.memory_space<vmem>>[vector<16xi32>], vector<16xf32>, vector<16xi1>
    %and3A_316 = arith.andi %lt3A_297, %eq3A_64 : vector<16xi1>
    tpu.vector_store_idx %arg18[%gather3A_304], %add3A_291 masked %and3A_316 {add = true} : memref<10000xf32, #tpu.memory_space<vmem>>[vector<16xi32>], vector<16xf32>, vector<16xi1>
    tpu.vector_store_idx %arg19[%gather3A_304], %broadcast_in_dim3A_28 masked %and3A_316 {add = true} : memref<10000xf32, #tpu.memory_space<vmem>>[vector<16xi32>], vector<16xf32>, vector<16xi1>
    %and3A_317 = arith.andi %lt3A_297, %eq3A_67 : vector<16xi1>
    tpu.vector_store_idx %arg18[%gather3A_304], %add3A_291 masked %and3A_317 {add = true} : memref<10000xf32, #tpu.memory_space<vmem>>[vector<16xi32>], vector<16xf32>, vector<16xi1>
    tpu.vector_store_idx %arg19[%gather3A_304], %broadcast_in_dim3A_28 masked %and3A_317 {add = true} : memref<10000xf32, #tpu.memory_space<vmem>>[vector<16xi32>], vector<16xf32>, vector<16xi1>
    %and3A_318 = arith.andi %lt3A_297, %eq3A_70 : vector<16xi1>
    tpu.vector_store_idx %arg18[%gather3A_304], %add3A_291 masked %and3A_318 {add = true} : memref<10000xf32, #tpu.memory_space<vmem>>[vector<16xi32>], vector<16xf32>, vector<16xi1>
    tpu.vector_store_idx %arg19[%gather3A_304], %broadcast_in_dim3A_28 masked %and3A_318 {add = true} : memref<10000xf32, #tpu.memory_space<vmem>>[vector<16xi32>], vector<16xf32>, vector<16xi1>
    %and3A_319 = arith.andi %lt3A_297, %eq3A_73 : vector<16xi1>
    tpu.vector_store_idx %arg18[%gather3A_304], %add3A_291 masked %and3A_319 {add = true} : memref<10000xf32, #tpu.memory_space<vmem>>[vector<16xi32>], vector<16xf32>, vector<16xi1>
    tpu.vector_store_idx %arg19[%gather3A_304], %broadcast_in_dim3A_28 masked %and3A_319 {add = true} : memref<10000xf32, #tpu.memory_space<vmem>>[vector<16xi32>], vector<16xf32>, vector<16xi1>
    %and3A_320 = arith.andi %lt3A_297, %eq3A_76 : vector<16xi1>
    tpu.vector_store_idx %arg18[%gather3A_304], %add3A_291 masked %and3A_320 {add = true} : memref<10000xf32, #tpu.memory_space<vmem>>[vector<16xi32>], vector<16xf32>, vector<16xi1>
    tpu.vector_store_idx %arg19[%gather3A_304], %broadcast_in_dim3A_28 masked %and3A_320 {add = true} : memref<10000xf32, #tpu.memory_space<vmem>>[vector<16xi32>], vector<16xf32>, vector<16xi1>
    %get3A_321 = arith.constant 32 : index
    %get3A_322 = tpu.vector_load %arg14[%get3A_321] {strides = array<i32>} : memref<64xf32, #tpu.memory_space<vmem>>, vector<16xf32>,
    %mul3A_323 = vector.broadcast %reduce_sum3A_6 : f32 to vector<16xf32>
    %mul3A_324 = arith.mulf %get3A_322, %mul3A_323 : vector<16xf32>
    %get3A_325 = arith.constant 32 : index
    %get3A_326 = tpu.vector_load %arg17[%get3A_325] {strides = array<i32>} : memref<64xf32, #tpu.memory_space<vmem>>, vector<16xf32>,
    %mul3A_327 = vector.broadcast %reduce_sum3A_16 : f32 to vector<16xf32>
    %mul3A_328 = arith.mulf %get3A_326, %mul3A_327 : vector<16xf32>
    %add3A_329 = arith.addf %mul3A_324, %mul3A_328 : vector<16xf32>
    %add3A_330 = arith.constant 32 : i32
    %add3A_331 = vector.broadcast %add3A_330 : i32 to vector<16xi32>
    %add3A_332 = arith.addi %iota3A, %add3A_331 : vector<16xi32>
    %lt3A_333 = arith.constant 63 : i32
    %lt3A_334 = vector.broadcast %lt3A_333 : i32 to vector<16xi32>
    %lt3A_335 = arith.cmpi slt, %add3A_332, %lt3A_334 : vector<16xi32>
    %add3A_336 = arith.constant 33 : i32
    %add3A_337 = vector.broadcast %add3A_336 : i32 to vector<16xi32>
    %add3A_338 = arith.addi %iota3A, %add3A_337 : vector<16xi32>
    %min3A_339 = arith.constant 63 : i32
    %min3A_340 = vector.broadcast %min3A_339 : i32 to vector<16xi32>
    %min3A_341 = arith.minsi %add3A_338, %min3A_340 : vector<16xi32>
    %gather3A_342 = tpu.vector_load_idx %arg11[%min3A_341] : memref<64xi32, #tpu.memory_space<vmem>>[vector<16xi32>], vector<16xi32>,
    %and3A_343 = arith.andi %lt3A_335, %eq3A_31 : vector<16xi1>
    tpu.vector_store_idx %arg18[%gather3A_342], %add3A_329 masked %and3A_343 {add = true} : memref<10000xf32, #tpu.memory_space<vmem>>[vector<16xi32>], vector<16xf32>, vector<16xi1>
    tpu.vector_store_idx %arg19[%gather3A_342], %broadcast_in_dim3A_28 masked %and3A_343 {add = true} : memref<10000xf32, #tpu.memory_space<vmem>>[vector<16xi32>], vector<16xf32>, vector<16xi1>
    %and3A_344 = arith.andi %lt3A_335, %eq3A_34 : vector<16xi1>
    tpu.vector_store_idx %arg18[%gather3A_342], %add3A_329 masked %and3A_344 {add = true} : memref<10000xf32, #tpu.memory_space<vmem>>[vector<16xi32>], vector<16xf32>, vector<16xi1>
    tpu.vector_store_idx %arg19[%gather3A_342], %broadcast_in_dim3A_28 masked %and3A_344 {add = true} : memref<10000xf32, #tpu.memory_space<vmem>>[vector<16xi32>], vector<16xf32>, vector<16xi1>
    %and3A_345 = arith.andi %lt3A_335, %eq3A_37 : vector<16xi1>
    tpu.vector_store_idx %arg18[%gather3A_342], %add3A_329 masked %and3A_345 {add = true} : memref<10000xf32, #tpu.memory_space<vmem>>[vector<16xi32>], vector<16xf32>, vector<16xi1>
    tpu.vector_store_idx %arg19[%gather3A_342], %broadcast_in_dim3A_28 masked %and3A_345 {add = true} : memref<10000xf32, #tpu.memory_space<vmem>>[vector<16xi32>], vector<16xf32>, vector<16xi1>
    %and3A_346 = arith.andi %lt3A_335, %eq3A_40 : vector<16xi1>
    tpu.vector_store_idx %arg18[%gather3A_342], %add3A_329 masked %and3A_346 {add = true} : memref<10000xf32, #tpu.memory_space<vmem>>[vector<16xi32>], vector<16xf32>, vector<16xi1>
    tpu.vector_store_idx %arg19[%gather3A_342], %broadcast_in_dim3A_28 masked %and3A_346 {add = true} : memref<10000xf32, #tpu.memory_space<vmem>>[vector<16xi32>], vector<16xf32>, vector<16xi1>
    %and3A_347 = arith.andi %lt3A_335, %eq3A_43 : vector<16xi1>
    tpu.vector_store_idx %arg18[%gather3A_342], %add3A_329 masked %and3A_347 {add = true} : memref<10000xf32, #tpu.memory_space<vmem>>[vector<16xi32>], vector<16xf32>, vector<16xi1>
    tpu.vector_store_idx %arg19[%gather3A_342], %broadcast_in_dim3A_28 masked %and3A_347 {add = true} : memref<10000xf32, #tpu.memory_space<vmem>>[vector<16xi32>], vector<16xf32>, vector<16xi1>
    %and3A_348 = arith.andi %lt3A_335, %eq3A_46 : vector<16xi1>
    tpu.vector_store_idx %arg18[%gather3A_342], %add3A_329 masked %and3A_348 {add = true} : memref<10000xf32, #tpu.memory_space<vmem>>[vector<16xi32>], vector<16xf32>, vector<16xi1>
    tpu.vector_store_idx %arg19[%gather3A_342], %broadcast_in_dim3A_28 masked %and3A_348 {add = true} : memref<10000xf32, #tpu.memory_space<vmem>>[vector<16xi32>], vector<16xf32>, vector<16xi1>
    %and3A_349 = arith.andi %lt3A_335, %eq3A_49 : vector<16xi1>
    tpu.vector_store_idx %arg18[%gather3A_342], %add3A_329 masked %and3A_349 {add = true} : memref<10000xf32, #tpu.memory_space<vmem>>[vector<16xi32>], vector<16xf32>, vector<16xi1>
    tpu.vector_store_idx %arg19[%gather3A_342], %broadcast_in_dim3A_28 masked %and3A_349 {add = true} : memref<10000xf32, #tpu.memory_space<vmem>>[vector<16xi32>], vector<16xf32>, vector<16xi1>
    %and3A_350 = arith.andi %lt3A_335, %eq3A_52 : vector<16xi1>
    tpu.vector_store_idx %arg18[%gather3A_342], %add3A_329 masked %and3A_350 {add = true} : memref<10000xf32, #tpu.memory_space<vmem>>[vector<16xi32>], vector<16xf32>, vector<16xi1>
    tpu.vector_store_idx %arg19[%gather3A_342], %broadcast_in_dim3A_28 masked %and3A_350 {add = true} : memref<10000xf32, #tpu.memory_space<vmem>>[vector<16xi32>], vector<16xf32>, vector<16xi1>
    %and3A_351 = arith.andi %lt3A_335, %eq3A_55 : vector<16xi1>
    tpu.vector_store_idx %arg18[%gather3A_342], %add3A_329 masked %and3A_351 {add = true} : memref<10000xf32, #tpu.memory_space<vmem>>[vector<16xi32>], vector<16xf32>, vector<16xi1>
    tpu.vector_store_idx %arg19[%gather3A_342], %broadcast_in_dim3A_28 masked %and3A_351 {add = true} : memref<10000xf32, #tpu.memory_space<vmem>>[vector<16xi32>], vector<16xf32>, vector<16xi1>
    %and3A_352 = arith.andi %lt3A_335, %eq3A_58 : vector<16xi1>
    tpu.vector_store_idx %arg18[%gather3A_342], %add3A_329 masked %and3A_352 {add = true} : memref<10000xf32, #tpu.memory_space<vmem>>[vector<16xi32>], vector<16xf32>, vector<16xi1>
    tpu.vector_store_idx %arg19[%gather3A_342], %broadcast_in_dim3A_28 masked %and3A_352 {add = true} : memref<10000xf32, #tpu.memory_space<vmem>>[vector<16xi32>], vector<16xf32>, vector<16xi1>
    %and3A_353 = arith.andi %lt3A_335, %eq3A_61 : vector<16xi1>
    tpu.vector_store_idx %arg18[%gather3A_342], %add3A_329 masked %and3A_353 {add = true} : memref<10000xf32, #tpu.memory_space<vmem>>[vector<16xi32>], vector<16xf32>, vector<16xi1>
    tpu.vector_store_idx %arg19[%gather3A_342], %broadcast_in_dim3A_28 masked %and3A_353 {add = true} : memref<10000xf32, #tpu.memory_space<vmem>>[vector<16xi32>], vector<16xf32>, vector<16xi1>
    %and3A_354 = arith.andi %lt3A_335, %eq3A_64 : vector<16xi1>
    tpu.vector_store_idx %arg18[%gather3A_342], %add3A_329 masked %and3A_354 {add = true} : memref<10000xf32, #tpu.memory_space<vmem>>[vector<16xi32>], vector<16xf32>, vector<16xi1>
    tpu.vector_store_idx %arg19[%gather3A_342], %broadcast_in_dim3A_28 masked %and3A_354 {add = true} : memref<10000xf32, #tpu.memory_space<vmem>>[vector<16xi32>], vector<16xf32>, vector<16xi1>
    %and3A_355 = arith.andi %lt3A_335, %eq3A_67 : vector<16xi1>
    tpu.vector_store_idx %arg18[%gather3A_342], %add3A_329 masked %and3A_355 {add = true} : memref<10000xf32, #tpu.memory_space<vmem>>[vector<16xi32>], vector<16xf32>, vector<16xi1>
    tpu.vector_store_idx %arg19[%gather3A_342], %broadcast_in_dim3A_28 masked %and3A_355 {add = true} : memref<10000xf32, #tpu.memory_space<vmem>>[vector<16xi32>], vector<16xf32>, vector<16xi1>
    %and3A_356 = arith.andi %lt3A_335, %eq3A_70 : vector<16xi1>
    tpu.vector_store_idx %arg18[%gather3A_342], %add3A_329 masked %and3A_356 {add = true} : memref<10000xf32, #tpu.memory_space<vmem>>[vector<16xi32>], vector<16xf32>, vector<16xi1>
    tpu.vector_store_idx %arg19[%gather3A_342], %broadcast_in_dim3A_28 masked %and3A_356 {add = true} : memref<10000xf32, #tpu.memory_space<vmem>>[vector<16xi32>], vector<16xf32>, vector<16xi1>
    %and3A_357 = arith.andi %lt3A_335, %eq3A_73 : vector<16xi1>
    tpu.vector_store_idx %arg18[%gather3A_342], %add3A_329 masked %and3A_357 {add = true} : memref<10000xf32, #tpu.memory_space<vmem>>[vector<16xi32>], vector<16xf32>, vector<16xi1>
    tpu.vector_store_idx %arg19[%gather3A_342], %broadcast_in_dim3A_28 masked %and3A_357 {add = true} : memref<10000xf32, #tpu.memory_space<vmem>>[vector<16xi32>], vector<16xf32>, vector<16xi1>
    %and3A_358 = arith.andi %lt3A_335, %eq3A_76 : vector<16xi1>
    tpu.vector_store_idx %arg18[%gather3A_342], %add3A_329 masked %and3A_358 {add = true} : memref<10000xf32, #tpu.memory_space<vmem>>[vector<16xi32>], vector<16xf32>, vector<16xi1>
    tpu.vector_store_idx %arg19[%gather3A_342], %broadcast_in_dim3A_28 masked %and3A_358 {add = true} : memref<10000xf32, #tpu.memory_space<vmem>>[vector<16xi32>], vector<16xf32>, vector<16xi1>
    %get3A_359 = arith.constant 48 : index
    %get3A_360 = tpu.vector_load %arg14[%get3A_359] {strides = array<i32>} : memref<64xf32, #tpu.memory_space<vmem>>, vector<16xf32>,
    %mul3A_361 = vector.broadcast %reduce_sum3A_6 : f32 to vector<16xf32>
    %mul3A_362 = arith.mulf %get3A_360, %mul3A_361 : vector<16xf32>
    %get3A_363 = arith.constant 48 : index
    %get3A_364 = tpu.vector_load %arg17[%get3A_363] {strides = array<i32>} : memref<64xf32, #tpu.memory_space<vmem>>, vector<16xf32>,
    %mul3A_365 = vector.broadcast %reduce_sum3A_16 : f32 to vector<16xf32>
    %mul3A_366 = arith.mulf %get3A_364, %mul3A_365 : vector<16xf32>
    %add3A_367 = arith.addf %mul3A_362, %mul3A_366 : vector<16xf32>
    %add3A_368 = arith.constant 48 : i32
    %add3A_369 = vector.broadcast %add3A_368 : i32 to vector<16xi32>
    %add3A_370 = arith.addi %iota3A, %add3A_369 : vector<16xi32>
    %lt3A_371 = arith.constant 63 : i32
    %lt3A_372 = vector.broadcast %lt3A_371 : i32 to vector<16xi32>
    %lt3A_373 = arith.cmpi slt, %add3A_370, %lt3A_372 : vector<16xi32>
    %add3A_374 = arith.constant 49 : i32
    %add3A_375 = vector.broadcast %add3A_374 : i32 to vector<16xi32>
    %add3A_376 = arith.addi %iota3A, %add3A_375 : vector<16xi32>
    %min3A_377 = arith.constant 63 : i32
    %min3A_378 = vector.broadcast %min3A_377 : i32 to vector<16xi32>
    %min3A_379 = arith.minsi %add3A_376, %min3A_378 : vector<16xi32>
    %gather3A_380 = tpu.vector_load_idx %arg11[%min3A_379] : memref<64xi32, #tpu.memory_space<vmem>>[vector<16xi32>], vector<16xi32>,
    %and3A_381 = arith.andi %lt3A_373, %eq3A_31 : vector<16xi1>
    tpu.vector_store_idx %arg18[%gather3A_380], %add3A_367 masked %and3A_381 {add = true} : memref<10000xf32, #tpu.memory_space<vmem>>[vector<16xi32>], vector<16xf32>, vector<16xi1>
    tpu.vector_store_idx %arg19[%gather3A_380], %broadcast_in_dim3A_28 masked %and3A_381 {add = true} : memref<10000xf32, #tpu.memory_space<vmem>>[vector<16xi32>], vector<16xf32>, vector<16xi1>
    %and3A_382 = arith.andi %lt3A_373, %eq3A_34 : vector<16xi1>
    tpu.vector_store_idx %arg18[%gather3A_380], %add3A_367 masked %and3A_382 {add = true} : memref<10000xf32, #tpu.memory_space<vmem>>[vector<16xi32>], vector<16xf32>, vector<16xi1>
    tpu.vector_store_idx %arg19[%gather3A_380], %broadcast_in_dim3A_28 masked %and3A_382 {add = true} : memref<10000xf32, #tpu.memory_space<vmem>>[vector<16xi32>], vector<16xf32>, vector<16xi1>
    %and3A_383 = arith.andi %lt3A_373, %eq3A_37 : vector<16xi1>
    tpu.vector_store_idx %arg18[%gather3A_380], %add3A_367 masked %and3A_383 {add = true} : memref<10000xf32, #tpu.memory_space<vmem>>[vector<16xi32>], vector<16xf32>, vector<16xi1>
    tpu.vector_store_idx %arg19[%gather3A_380], %broadcast_in_dim3A_28 masked %and3A_383 {add = true} : memref<10000xf32, #tpu.memory_space<vmem>>[vector<16xi32>], vector<16xf32>, vector<16xi1>
    %and3A_384 = arith.andi %lt3A_373, %eq3A_40 : vector<16xi1>
    tpu.vector_store_idx %arg18[%gather3A_380], %add3A_367 masked %and3A_384 {add = true} : memref<10000xf32, #tpu.memory_space<vmem>>[vector<16xi32>], vector<16xf32>, vector<16xi1>
    tpu.vector_store_idx %arg19[%gather3A_380], %broadcast_in_dim3A_28 masked %and3A_384 {add = true} : memref<10000xf32, #tpu.memory_space<vmem>>[vector<16xi32>], vector<16xf32>, vector<16xi1>
    %and3A_385 = arith.andi %lt3A_373, %eq3A_43 : vector<16xi1>
    tpu.vector_store_idx %arg18[%gather3A_380], %add3A_367 masked %and3A_385 {add = true} : memref<10000xf32, #tpu.memory_space<vmem>>[vector<16xi32>], vector<16xf32>, vector<16xi1>
    tpu.vector_store_idx %arg19[%gather3A_380], %broadcast_in_dim3A_28 masked %and3A_385 {add = true} : memref<10000xf32, #tpu.memory_space<vmem>>[vector<16xi32>], vector<16xf32>, vector<16xi1>
    %and3A_386 = arith.andi %lt3A_373, %eq3A_46 : vector<16xi1>
    tpu.vector_store_idx %arg18[%gather3A_380], %add3A_367 masked %and3A_386 {add = true} : memref<10000xf32, #tpu.memory_space<vmem>>[vector<16xi32>], vector<16xf32>, vector<16xi1>
    tpu.vector_store_idx %arg19[%gather3A_380], %broadcast_in_dim3A_28 masked %and3A_386 {add = true} : memref<10000xf32, #tpu.memory_space<vmem>>[vector<16xi32>], vector<16xf32>, vector<16xi1>
    %and3A_387 = arith.andi %lt3A_373, %eq3A_49 : vector<16xi1>
    tpu.vector_store_idx %arg18[%gather3A_380], %add3A_367 masked %and3A_387 {add = true} : memref<10000xf32, #tpu.memory_space<vmem>>[vector<16xi32>], vector<16xf32>, vector<16xi1>
    tpu.vector_store_idx %arg19[%gather3A_380], %broadcast_in_dim3A_28 masked %and3A_387 {add = true} : memref<10000xf32, #tpu.memory_space<vmem>>[vector<16xi32>], vector<16xf32>, vector<16xi1>
    %and3A_388 = arith.andi %lt3A_373, %eq3A_52 : vector<16xi1>
    tpu.vector_store_idx %arg18[%gather3A_380], %add3A_367 masked %and3A_388 {add = true} : memref<10000xf32, #tpu.memory_space<vmem>>[vector<16xi32>], vector<16xf32>, vector<16xi1>
    tpu.vector_store_idx %arg19[%gather3A_380], %broadcast_in_dim3A_28 masked %and3A_388 {add = true} : memref<10000xf32, #tpu.memory_space<vmem>>[vector<16xi32>], vector<16xf32>, vector<16xi1>
    %and3A_389 = arith.andi %lt3A_373, %eq3A_55 : vector<16xi1>
    tpu.vector_store_idx %arg18[%gather3A_380], %add3A_367 masked %and3A_389 {add = true} : memref<10000xf32, #tpu.memory_space<vmem>>[vector<16xi32>], vector<16xf32>, vector<16xi1>
    tpu.vector_store_idx %arg19[%gather3A_380], %broadcast_in_dim3A_28 masked %and3A_389 {add = true} : memref<10000xf32, #tpu.memory_space<vmem>>[vector<16xi32>], vector<16xf32>, vector<16xi1>
    %and3A_390 = arith.andi %lt3A_373, %eq3A_58 : vector<16xi1>
    tpu.vector_store_idx %arg18[%gather3A_380], %add3A_367 masked %and3A_390 {add = true} : memref<10000xf32, #tpu.memory_space<vmem>>[vector<16xi32>], vector<16xf32>, vector<16xi1>
    tpu.vector_store_idx %arg19[%gather3A_380], %broadcast_in_dim3A_28 masked %and3A_390 {add = true} : memref<10000xf32, #tpu.memory_space<vmem>>[vector<16xi32>], vector<16xf32>, vector<16xi1>
    %and3A_391 = arith.andi %lt3A_373, %eq3A_61 : vector<16xi1>
    tpu.vector_store_idx %arg18[%gather3A_380], %add3A_367 masked %and3A_391 {add = true} : memref<10000xf32, #tpu.memory_space<vmem>>[vector<16xi32>], vector<16xf32>, vector<16xi1>
    tpu.vector_store_idx %arg19[%gather3A_380], %broadcast_in_dim3A_28 masked %and3A_391 {add = true} : memref<10000xf32, #tpu.memory_space<vmem>>[vector<16xi32>], vector<16xf32>, vector<16xi1>
    %and3A_392 = arith.andi %lt3A_373, %eq3A_64 : vector<16xi1>
    tpu.vector_store_idx %arg18[%gather3A_380], %add3A_367 masked %and3A_392 {add = true} : memref<10000xf32, #tpu.memory_space<vmem>>[vector<16xi32>], vector<16xf32>, vector<16xi1>
    tpu.vector_store_idx %arg19[%gather3A_380], %broadcast_in_dim3A_28 masked %and3A_392 {add = true} : memref<10000xf32, #tpu.memory_space<vmem>>[vector<16xi32>], vector<16xf32>, vector<16xi1>
    %and3A_393 = arith.andi %lt3A_373, %eq3A_67 : vector<16xi1>
    tpu.vector_store_idx %arg18[%gather3A_380], %add3A_367 masked %and3A_393 {add = true} : memref<10000xf32, #tpu.memory_space<vmem>>[vector<16xi32>], vector<16xf32>, vector<16xi1>
    tpu.vector_store_idx %arg19[%gather3A_380], %broadcast_in_dim3A_28 masked %and3A_393 {add = true} : memref<10000xf32, #tpu.memory_space<vmem>>[vector<16xi32>], vector<16xf32>, vector<16xi1>
    %and3A_394 = arith.andi %lt3A_373, %eq3A_70 : vector<16xi1>
    tpu.vector_store_idx %arg18[%gather3A_380], %add3A_367 masked %and3A_394 {add = true} : memref<10000xf32, #tpu.memory_space<vmem>>[vector<16xi32>], vector<16xf32>, vector<16xi1>
    tpu.vector_store_idx %arg19[%gather3A_380], %broadcast_in_dim3A_28 masked %and3A_394 {add = true} : memref<10000xf32, #tpu.memory_space<vmem>>[vector<16xi32>], vector<16xf32>, vector<16xi1>
    %and3A_395 = arith.andi %lt3A_373, %eq3A_73 : vector<16xi1>
    tpu.vector_store_idx %arg18[%gather3A_380], %add3A_367 masked %and3A_395 {add = true} : memref<10000xf32, #tpu.memory_space<vmem>>[vector<16xi32>], vector<16xf32>, vector<16xi1>
    tpu.vector_store_idx %arg19[%gather3A_380], %broadcast_in_dim3A_28 masked %and3A_395 {add = true} : memref<10000xf32, #tpu.memory_space<vmem>>[vector<16xi32>], vector<16xf32>, vector<16xi1>
    %and3A_396 = arith.andi %lt3A_373, %eq3A_76 : vector<16xi1>
    tpu.vector_store_idx %arg18[%gather3A_380], %add3A_367 masked %and3A_396 {add = true} : memref<10000xf32, #tpu.memory_space<vmem>>[vector<16xi32>], vector<16xf32>, vector<16xi1>
    tpu.vector_store_idx %arg19[%gather3A_380], %broadcast_in_dim3A_28 masked %and3A_396 {add = true} : memref<10000xf32, #tpu.memory_space<vmem>>[vector<16xi32>], vector<16xf32>, vector<16xi1>
    %scan3A_397 = arith.constant 0 : i32
    %scan3A_398 = arith.constant 125 : i32
    %scan3A_399 = arith.addi %scan3A_397, %scan3A_398 : i32
    %scan3A_400 = arith.constant 1 : i32
    scf.for %scan3A_733 = %scan3A_397 to %scan3A_399 step %scan3A_400  : i32 {
      %mul3A_734 = arith.constant 80 : i32
      %mul3A_735 = arith.muli %scan3A_733, %mul3A_734 : i32
      %add3A_736 = arith.constant 0 : i32
      %add3A_737 = arith.addi %add3A_736, %mul3A_735 : i32
      %add3A_738 = arith.constant 0 : i32
      %add3A_739 = arith.addi %add3A_737, %add3A_738 : i32
      %get3A_740 = arith.index_cast %add3A_739 : i32 to index
      %get3A_741 = tpu.vector_load %arg19[%get3A_740] {strides = array<i32>} : memref<10000xf32, #tpu.memory_space<vmem>>, vector<16xf32>,
      %get3A_742 = arith.index_cast %add3A_739 : i32 to index
      %get3A_743 = tpu.vector_load %arg18[%get3A_742] {strides = array<i32>} : memref<10000xf32, #tpu.memory_space<vmem>>, vector<16xf32>,
      %max3A_744 = arith.constant 1.000000e+00 : f32
      %max3A_745 = vector.broadcast %max3A_744 : f32 to vector<16xf32>
      %max3A_746 = arith.maximumf %get3A_741, %max3A_745 : vector<16xf32>
      %div3A = arith.divf %get3A_743, %max3A_746 : vector<16xf32>
      %ge3A = arith.constant 5.000000e-01 : f32
      %ge3A_747 = vector.broadcast %ge3A : f32 to vector<16xf32>
      %ge3A_748 = arith.cmpf oge, %get3A_741, %ge3A_747 : vector<16xf32>
      %jit3A_749 = arith.constant 0.000000e+00 : f32
      %broadcast_in_dim3A_750 = vector.broadcast %reduce_sum3A_234 : f32 to vector<16xf32>
      %broadcast_in_dim3A_751 = vector.broadcast %jit3A_749 : f32 to vector<16xf32>
      %select_n3A_752 = arith.select %ge3A_748, %broadcast_in_dim3A_750, %broadcast_in_dim3A_751 : vector<16xi1>, vector<16xf32>
      %add3A_753 = arith.addf %div3A, %select_n3A_752 : vector<16xf32>
      %add3A_754 = vector.broadcast %add3A_245 : f32 to vector<16xf32>
      %add3A_755 = arith.addf %add3A_753, %add3A_754 : vector<16xf32>
      %swap3A_756 = arith.index_cast %add3A_739 : i32 to index
      %swap3A_757 = tpu.vector_load %arg18[%swap3A_756] {strides = array<i32>} : memref<10000xf32, #tpu.memory_space<vmem>>, vector<16xf32>,
      tpu.vector_store %arg18[%swap3A_756], %add3A_755 {strides = array<i32>} : memref<10000xf32, #tpu.memory_space<vmem>>, vector<16xf32>,
      %add3A_758 = arith.constant 16 : i32
      %add3A_759 = arith.addi %add3A_737, %add3A_758 : i32
      %get3A_760 = arith.index_cast %add3A_759 : i32 to index
      %get3A_761 = tpu.vector_load %arg19[%get3A_760] {strides = array<i32>} : memref<10000xf32, #tpu.memory_space<vmem>>, vector<16xf32>,
      %get3A_762 = arith.index_cast %add3A_759 : i32 to index
      %get3A_763 = tpu.vector_load %arg18[%get3A_762] {strides = array<i32>} : memref<10000xf32, #tpu.memory_space<vmem>>, vector<16xf32>,
      %max3A_764 = arith.constant 1.000000e+00 : f32
      %max3A_765 = vector.broadcast %max3A_764 : f32 to vector<16xf32>
      %max3A_766 = arith.maximumf %get3A_761, %max3A_765 : vector<16xf32>
      %div3A_767 = arith.divf %get3A_763, %max3A_766 : vector<16xf32>
      %ge3A_768 = arith.constant 5.000000e-01 : f32
      %ge3A_769 = vector.broadcast %ge3A_768 : f32 to vector<16xf32>
      %ge3A_770 = arith.cmpf oge, %get3A_761, %ge3A_769 : vector<16xf32>
      %jit3A_771 = arith.constant 0.000000e+00 : f32
      %broadcast_in_dim3A_772 = vector.broadcast %reduce_sum3A_234 : f32 to vector<16xf32>
      %broadcast_in_dim3A_773 = vector.broadcast %jit3A_771 : f32 to vector<16xf32>
      %select_n3A_774 = arith.select %ge3A_770, %broadcast_in_dim3A_772, %broadcast_in_dim3A_773 : vector<16xi1>, vector<16xf32>
      %add3A_775 = arith.addf %div3A_767, %select_n3A_774 : vector<16xf32>
      %add3A_776 = vector.broadcast %add3A_245 : f32 to vector<16xf32>
      %add3A_777 = arith.addf %add3A_775, %add3A_776 : vector<16xf32>
      %swap3A_778 = arith.index_cast %add3A_759 : i32 to index
      %swap3A_779 = tpu.vector_load %arg18[%swap3A_778] {strides = array<i32>} : memref<10000xf32, #tpu.memory_space<vmem>>, vector<16xf32>,
      tpu.vector_store %arg18[%swap3A_778], %add3A_777 {strides = array<i32>} : memref<10000xf32, #tpu.memory_space<vmem>>, vector<16xf32>,
      %add3A_780 = arith.constant 32 : i32
      %add3A_781 = arith.addi %add3A_737, %add3A_780 : i32
      %get3A_782 = arith.index_cast %add3A_781 : i32 to index
      %get3A_783 = tpu.vector_load %arg19[%get3A_782] {strides = array<i32>} : memref<10000xf32, #tpu.memory_space<vmem>>, vector<16xf32>,
      %get3A_784 = arith.index_cast %add3A_781 : i32 to index
      %get3A_785 = tpu.vector_load %arg18[%get3A_784] {strides = array<i32>} : memref<10000xf32, #tpu.memory_space<vmem>>, vector<16xf32>,
      %max3A_786 = arith.constant 1.000000e+00 : f32
      %max3A_787 = vector.broadcast %max3A_786 : f32 to vector<16xf32>
      %max3A_788 = arith.maximumf %get3A_783, %max3A_787 : vector<16xf32>
      %div3A_789 = arith.divf %get3A_785, %max3A_788 : vector<16xf32>
      %ge3A_790 = arith.constant 5.000000e-01 : f32
      %ge3A_791 = vector.broadcast %ge3A_790 : f32 to vector<16xf32>
      %ge3A_792 = arith.cmpf oge, %get3A_783, %ge3A_791 : vector<16xf32>
      %jit3A_793 = arith.constant 0.000000e+00 : f32
      %broadcast_in_dim3A_794 = vector.broadcast %reduce_sum3A_234 : f32 to vector<16xf32>
      %broadcast_in_dim3A_795 = vector.broadcast %jit3A_793 : f32 to vector<16xf32>
      %select_n3A_796 = arith.select %ge3A_792, %broadcast_in_dim3A_794, %broadcast_in_dim3A_795 : vector<16xi1>, vector<16xf32>
      %add3A_797 = arith.addf %div3A_789, %select_n3A_796 : vector<16xf32>
      %add3A_798 = vector.broadcast %add3A_245 : f32 to vector<16xf32>
      %add3A_799 = arith.addf %add3A_797, %add3A_798 : vector<16xf32>
      %swap3A_800 = arith.index_cast %add3A_781 : i32 to index
      %swap3A_801 = tpu.vector_load %arg18[%swap3A_800] {strides = array<i32>} : memref<10000xf32, #tpu.memory_space<vmem>>, vector<16xf32>,
      tpu.vector_store %arg18[%swap3A_800], %add3A_799 {strides = array<i32>} : memref<10000xf32, #tpu.memory_space<vmem>>, vector<16xf32>,
      %add3A_802 = arith.constant 48 : i32
      %add3A_803 = arith.addi %add3A_737, %add3A_802 : i32
      %get3A_804 = arith.index_cast %add3A_803 : i32 to index
      %get3A_805 = tpu.vector_load %arg19[%get3A_804] {strides = array<i32>} : memref<10000xf32, #tpu.memory_space<vmem>>, vector<16xf32>,
      %get3A_806 = arith.index_cast %add3A_803 : i32 to index
      %get3A_807 = tpu.vector_load %arg18[%get3A_806] {strides = array<i32>} : memref<10000xf32, #tpu.memory_space<vmem>>, vector<16xf32>,
      %max3A_808 = arith.constant 1.000000e+00 : f32
      %max3A_809 = vector.broadcast %max3A_808 : f32 to vector<16xf32>
      %max3A_810 = arith.maximumf %get3A_805, %max3A_809 : vector<16xf32>
      %div3A_811 = arith.divf %get3A_807, %max3A_810 : vector<16xf32>
      %ge3A_812 = arith.constant 5.000000e-01 : f32
      %ge3A_813 = vector.broadcast %ge3A_812 : f32 to vector<16xf32>
      %ge3A_814 = arith.cmpf oge, %get3A_805, %ge3A_813 : vector<16xf32>
      %jit3A_815 = arith.constant 0.000000e+00 : f32
      %broadcast_in_dim3A_816 = vector.broadcast %reduce_sum3A_234 : f32 to vector<16xf32>
      %broadcast_in_dim3A_817 = vector.broadcast %jit3A_815 : f32 to vector<16xf32>
      %select_n3A_818 = arith.select %ge3A_814, %broadcast_in_dim3A_816, %broadcast_in_dim3A_817 : vector<16xi1>, vector<16xf32>
      %add3A_819 = arith.addf %div3A_811, %select_n3A_818 : vector<16xf32>
      %add3A_820 = vector.broadcast %add3A_245 : f32 to vector<16xf32>
      %add3A_821 = arith.addf %add3A_819, %add3A_820 : vector<16xf32>
      %swap3A_822 = arith.index_cast %add3A_803 : i32 to index
      %swap3A_823 = tpu.vector_load %arg18[%swap3A_822] {strides = array<i32>} : memref<10000xf32, #tpu.memory_space<vmem>>, vector<16xf32>,
      tpu.vector_store %arg18[%swap3A_822], %add3A_821 {strides = array<i32>} : memref<10000xf32, #tpu.memory_space<vmem>>, vector<16xf32>,
      %add3A_824 = arith.constant 64 : i32
      %add3A_825 = arith.addi %add3A_737, %add3A_824 : i32
      %get3A_826 = arith.index_cast %add3A_825 : i32 to index
      %get3A_827 = tpu.vector_load %arg19[%get3A_826] {strides = array<i32>} : memref<10000xf32, #tpu.memory_space<vmem>>, vector<16xf32>,
      %get3A_828 = arith.index_cast %add3A_825 : i32 to index
      %get3A_829 = tpu.vector_load %arg18[%get3A_828] {strides = array<i32>} : memref<10000xf32, #tpu.memory_space<vmem>>, vector<16xf32>,
      %max3A_830 = arith.constant 1.000000e+00 : f32
      %max3A_831 = vector.broadcast %max3A_830 : f32 to vector<16xf32>
      %max3A_832 = arith.maximumf %get3A_827, %max3A_831 : vector<16xf32>
      %div3A_833 = arith.divf %get3A_829, %max3A_832 : vector<16xf32>
      %ge3A_834 = arith.constant 5.000000e-01 : f32
      %ge3A_835 = vector.broadcast %ge3A_834 : f32 to vector<16xf32>
      %ge3A_836 = arith.cmpf oge, %get3A_827, %ge3A_835 : vector<16xf32>
      %jit3A_837 = arith.constant 0.000000e+00 : f32
      %broadcast_in_dim3A_838 = vector.broadcast %reduce_sum3A_234 : f32 to vector<16xf32>
      %broadcast_in_dim3A_839 = vector.broadcast %jit3A_837 : f32 to vector<16xf32>
      %select_n3A_840 = arith.select %ge3A_836, %broadcast_in_dim3A_838, %broadcast_in_dim3A_839 : vector<16xi1>, vector<16xf32>
      %add3A_841 = arith.addf %div3A_833, %select_n3A_840 : vector<16xf32>
      %add3A_842 = vector.broadcast %add3A_245 : f32 to vector<16xf32>
      %add3A_843 = arith.addf %add3A_841, %add3A_842 : vector<16xf32>
      %swap3A_844 = arith.index_cast %add3A_825 : i32 to index
      %swap3A_845 = tpu.vector_load %arg18[%swap3A_844] {strides = array<i32>} : memref<10000xf32, #tpu.memory_space<vmem>>, vector<16xf32>,
      tpu.vector_store %arg18[%swap3A_844], %add3A_843 {strides = array<i32>} : memref<10000xf32, #tpu.memory_space<vmem>>, vector<16xf32>,
    }
    %scan3A_401 = arith.constant 125 : i32
    %dma_start3A_402 = tpu.memref_slice %arg10[%mul3A_98] : memref<655360xf32, #tpu.memory_space<hbm>> -> memref<10000xf32, #tpu.memory_space<hbm>>
    %dma_start3A_403 = tpu.memref_slice %arg10[%mul3A_98] : memref<655360xf32, #tpu.memory_space<hbm>> -> memref<10000xf32, #tpu.memory_space<hbm>>
    tpu.enqueue_dma source(%arg18 : memref<10000xf32, #tpu.memory_space<vmem>>) target(%dma_start3A_403 : memref<10000xf32, #tpu.memory_space<hbm>>) target_semaphore(%arg27 : memref<!tpu.dma_semaphore, #tpu.memory_space<semaphore_mem>>)
    %mul3A_404 = arith.constant 2 : i32
    %mul3A_405 = arith.muli %add3A, %mul3A_404 : i32
    %add3A_406 = arith.constant 1 : i32
    %add3A_407 = arith.addi %mul3A_405, %add3A_406 : i32
    %broadcast_in_dim3A_408 = arith.constant 0 : i32
    %broadcast_in_dim3A_409 = vector.broadcast %broadcast_in_dim3A_408 : i32 to vector<16xi32>
    %add3A_410 = vector.broadcast %add3A_407 : i32 to vector<16xi32>
    %add3A_411 = arith.addi %broadcast_in_dim3A_409, %add3A_410 : vector<16xi32>
    "tpu.region"() ({
      %run_scoped3A = tpu.sem_alloc : memref<!tpu.dma_semaphore, #tpu.memory_space<semaphore_mem>>
      %dma_start3A_733 = arith.constant 0 : i32
      %dma_start3A_734 = tpu.memref_slice %arg2[%add3A_407, %dma_start3A_733] : memref<64x64xi32, #tpu.memory_space<hbm>> -> memref<1x64xi32, #tpu.memory_space<hbm>>
      %dma_start3A_735 = tpu.memref_squeeze %dma_start3A_734 : memref<1x64xi32, #tpu.memory_space<hbm>> -> memref<64xi32, #tpu.memory_space<hbm>>
      %dma_start3A_736 = arith.constant 0 : i32
      %dma_start3A_737 = tpu.memref_slice %arg2[%add3A_407, %dma_start3A_736] : memref<64x64xi32, #tpu.memory_space<hbm>> -> memref<1x64xi32, #tpu.memory_space<hbm>>
      %dma_start3A_738 = tpu.memref_squeeze %dma_start3A_737 : memref<1x64xi32, #tpu.memory_space<hbm>> -> memref<64xi32, #tpu.memory_space<hbm>>
      tpu.enqueue_dma source(%dma_start3A_738 : memref<64xi32, #tpu.memory_space<hbm>>) target(%arg11 : memref<64xi32, #tpu.memory_space<vmem>>) target_semaphore(%run_scoped3A : memref<!tpu.dma_semaphore, #tpu.memory_space<semaphore_mem>>)
      %dma_wait3A_739 = arith.constant 0 : i32
      %dma_wait3A_740 = tpu.memref_slice %arg2[%add3A_407, %dma_wait3A_739] : memref<64x64xi32, #tpu.memory_space<hbm>> -> memref<1x64xi32, #tpu.memory_space<hbm>>
      %dma_wait3A_741 = tpu.memref_squeeze %dma_wait3A_740 : memref<1x64xi32, #tpu.memory_space<hbm>> -> memref<64xi32, #tpu.memory_space<hbm>>
      %dma_wait3A_742 = arith.constant 0 : i32
      %dma_wait3A_743 = tpu.memref_slice %arg2[%add3A_407, %dma_wait3A_742] : memref<64x64xi32, #tpu.memory_space<hbm>> -> memref<1x64xi32, #tpu.memory_space<hbm>>
      %dma_wait3A_744 = tpu.memref_squeeze %dma_wait3A_743 : memref<1x64xi32, #tpu.memory_space<hbm>> -> memref<64xi32, #tpu.memory_space<hbm>>
      tpu.wait_dma2 semaphore(%run_scoped3A : memref<!tpu.dma_semaphore, #tpu.memory_space<semaphore_mem>>) src(%dma_wait3A_744 : memref<64xi32, #tpu.memory_space<hbm>>) dst(%arg11 : memref<64xi32, #tpu.memory_space<vmem>>)
      tpu.yield
    }) : () -> ()
    %mul3A_412 = arith.constant 10240 : i32
    %mul3A_413 = arith.muli %add3A_407, %mul3A_412 : i32
    %get3A_414 = arith.constant 0 : index
    %get3A_415 = tpu.vector_load %arg11[%get3A_414] {strides = array<i32>} : memref<64xi32, #tpu.memory_space<vmem>>, vector<16xi32>,
    %add3A_416 = vector.broadcast %mul3A_413 : i32 to vector<16xi32>
    %add3A_417 = arith.addi %get3A_415, %add3A_416 : vector<16xi32>
    %swap3A_418 = arith.constant 0 : index
    %swap3A_419 = tpu.vector_load %arg12[%swap3A_418] {strides = array<i32>} : memref<64xi32, #tpu.memory_space<vmem>>, vector<16xi32>,
    tpu.vector_store %arg12[%swap3A_418], %add3A_417 {strides = array<i32>} : memref<64xi32, #tpu.memory_space<vmem>>, vector<16xi32>,
    %add3A_420 = arith.constant 10240 : i32
    %add3A_421 = vector.broadcast %add3A_420 : i32 to vector<16xi32>
    %add3A_422 = arith.addi %get3A_415, %add3A_421 : vector<16xi32>
    %swap3A_423 = arith.constant 0 : index
    %swap3A_424 = tpu.vector_load %arg13[%swap3A_423] {strides = array<i32>} : memref<64xi32, #tpu.memory_space<vmem>>, vector<16xi32>,
    tpu.vector_store %arg13[%swap3A_423], %add3A_422 {strides = array<i32>} : memref<64xi32, #tpu.memory_space<vmem>>, vector<16xi32>,
    %get3A_425 = arith.constant 16 : index
    %get3A_426 = tpu.vector_load %arg11[%get3A_425] {strides = array<i32>} : memref<64xi32, #tpu.memory_space<vmem>>, vector<16xi32>,
    %add3A_427 = vector.broadcast %mul3A_413 : i32 to vector<16xi32>
    %add3A_428 = arith.addi %get3A_426, %add3A_427 : vector<16xi32>
    %swap3A_429 = arith.constant 16 : index
    %swap3A_430 = tpu.vector_load %arg12[%swap3A_429] {strides = array<i32>} : memref<64xi32, #tpu.memory_space<vmem>>, vector<16xi32>,
    tpu.vector_store %arg12[%swap3A_429], %add3A_428 {strides = array<i32>} : memref<64xi32, #tpu.memory_space<vmem>>, vector<16xi32>,
    %add3A_431 = arith.constant 10240 : i32
    %add3A_432 = vector.broadcast %add3A_431 : i32 to vector<16xi32>
    %add3A_433 = arith.addi %get3A_426, %add3A_432 : vector<16xi32>
    %swap3A_434 = arith.constant 16 : index
    %swap3A_435 = tpu.vector_load %arg13[%swap3A_434] {strides = array<i32>} : memref<64xi32, #tpu.memory_space<vmem>>, vector<16xi32>,
    tpu.vector_store %arg13[%swap3A_434], %add3A_433 {strides = array<i32>} : memref<64xi32, #tpu.memory_space<vmem>>, vector<16xi32>,
    %get3A_436 = arith.constant 32 : index
    %get3A_437 = tpu.vector_load %arg11[%get3A_436] {strides = array<i32>} : memref<64xi32, #tpu.memory_space<vmem>>, vector<16xi32>,
    %add3A_438 = vector.broadcast %mul3A_413 : i32 to vector<16xi32>
    %add3A_439 = arith.addi %get3A_437, %add3A_438 : vector<16xi32>
    %swap3A_440 = arith.constant 32 : index
    %swap3A_441 = tpu.vector_load %arg12[%swap3A_440] {strides = array<i32>} : memref<64xi32, #tpu.memory_space<vmem>>, vector<16xi32>,
    tpu.vector_store %arg12[%swap3A_440], %add3A_439 {strides = array<i32>} : memref<64xi32, #tpu.memory_space<vmem>>, vector<16xi32>,
    %add3A_442 = arith.constant 10240 : i32
    %add3A_443 = vector.broadcast %add3A_442 : i32 to vector<16xi32>
    %add3A_444 = arith.addi %get3A_437, %add3A_443 : vector<16xi32>
    %swap3A_445 = arith.constant 32 : index
    %swap3A_446 = tpu.vector_load %arg13[%swap3A_445] {strides = array<i32>} : memref<64xi32, #tpu.memory_space<vmem>>, vector<16xi32>,
    tpu.vector_store %arg13[%swap3A_445], %add3A_444 {strides = array<i32>} : memref<64xi32, #tpu.memory_space<vmem>>, vector<16xi32>,
    %get3A_447 = arith.constant 48 : index
    %get3A_448 = tpu.vector_load %arg11[%get3A_447] {strides = array<i32>} : memref<64xi32, #tpu.memory_space<vmem>>, vector<16xi32>,
    %add3A_449 = vector.broadcast %mul3A_413 : i32 to vector<16xi32>
    %add3A_450 = arith.addi %get3A_448, %add3A_449 : vector<16xi32>
    %swap3A_451 = arith.constant 48 : index
    %swap3A_452 = tpu.vector_load %arg12[%swap3A_451] {strides = array<i32>} : memref<64xi32, #tpu.memory_space<vmem>>, vector<16xi32>,
    tpu.vector_store %arg12[%swap3A_451], %add3A_450 {strides = array<i32>} : memref<64xi32, #tpu.memory_space<vmem>>, vector<16xi32>,
    %add3A_453 = arith.constant 10240 : i32
    %add3A_454 = vector.broadcast %add3A_453 : i32 to vector<16xi32>
    %add3A_455 = arith.addi %get3A_448, %add3A_454 : vector<16xi32>
    %swap3A_456 = arith.constant 48 : index
    %swap3A_457 = tpu.vector_load %arg13[%swap3A_456] {strides = array<i32>} : memref<64xi32, #tpu.memory_space<vmem>>, vector<16xi32>,
    tpu.vector_store %arg13[%swap3A_456], %add3A_455 {strides = array<i32>} : memref<64xi32, #tpu.memory_space<vmem>>, vector<16xi32>,
    %dma_start3A_458 = arith.constant 0 : i32
    %dma_start3A_459 = tpu.memref_slice %arg3[%dma_start3A_458] : memref<655360xf32, #tpu.memory_space<hbm>> -> memref<655360xf32, #tpu.memory_space<hbm>>
    tpu.enqueue_indirect_dma source(%dma_start3A_459 : memref<655360xf32, #tpu.memory_space<hbm>>) target(%arg14 : memref<64xf32, #tpu.memory_space<vmem>>) offsets(%arg12 : memref<64xi32, #tpu.memory_space<vmem>>) semaphore(%arg26 : memref<!tpu.dma_semaphore, #tpu.memory_space<semaphore_mem>>)
    %dma_start3A_460 = arith.constant 0 : i32
    %dma_start3A_461 = tpu.memref_slice %arg4[%dma_start3A_460] : memref<20480xf32, #tpu.memory_space<hbm>> -> memref<20480xf32, #tpu.memory_space<hbm>>
    tpu.enqueue_indirect_dma source(%dma_start3A_461 : memref<20480xf32, #tpu.memory_space<hbm>>) target(%arg15 : memref<64xf32, #tpu.memory_space<vmem>>) offsets(%arg11 : memref<64xi32, #tpu.memory_space<vmem>>) semaphore(%arg26 : memref<!tpu.dma_semaphore, #tpu.memory_space<semaphore_mem>>)
    %dma_start3A_462 = arith.constant 0 : i32
    %dma_start3A_463 = tpu.memref_slice %arg4[%dma_start3A_462] : memref<20480xf32, #tpu.memory_space<hbm>> -> memref<20480xf32, #tpu.memory_space<hbm>>
    tpu.enqueue_indirect_dma source(%dma_start3A_463 : memref<20480xf32, #tpu.memory_space<hbm>>) target(%arg16 : memref<64xf32, #tpu.memory_space<vmem>>) offsets(%arg13 : memref<64xi32, #tpu.memory_space<vmem>>) semaphore(%arg26 : memref<!tpu.dma_semaphore, #tpu.memory_space<semaphore_mem>>)
    %dma_start3A_464 = arith.constant 0 : i32
    %dma_start3A_465 = tpu.memref_slice %arg5[%dma_start3A_464] : memref<10000xf32, #tpu.memory_space<hbm>> -> memref<10000xf32, #tpu.memory_space<hbm>>
    tpu.enqueue_indirect_dma source(%dma_start3A_465 : memref<10000xf32, #tpu.memory_space<hbm>>) target(%arg17 : memref<64xf32, #tpu.memory_space<vmem>>) offsets(%arg11 : memref<64xi32, #tpu.memory_space<vmem>>) semaphore(%arg26 : memref<!tpu.dma_semaphore, #tpu.memory_space<semaphore_mem>>)
    %scan3A_466 = arith.constant 0 : i32
    %scan3A_467 = arith.constant 25 : i32
    %scan3A_468 = arith.addi %scan3A_466, %scan3A_467 : i32
    %scan3A_469 = arith.constant 1 : i32
    scf.for %scan3A_733 = %scan3A_466 to %scan3A_468 step %scan3A_469  : i32 {
      %mul3A_734 = arith.constant 400 : i32
      %mul3A_735 = arith.muli %scan3A_733, %mul3A_734 : i32
      %add3A_736 = arith.constant 0 : i32
      %add3A_737 = arith.addi %add3A_736, %mul3A_735 : i32
      %broadcast_in_dim3A_738 = arith.constant 0.000000e+00 : f32
      %broadcast_in_dim3A_739 = vector.broadcast %broadcast_in_dim3A_738 : f32 to vector<16xf32>
      %add3A_740 = arith.constant 0 : i32
      %add3A_741 = arith.addi %add3A_737, %add3A_740 : i32
      %swap3A_742 = arith.index_cast %add3A_741 : i32 to index
      %swap3A_743 = tpu.vector_load %arg20[%swap3A_742] {strides = array<i32>} : memref<10000xf32, #tpu.memory_space<vmem>>, vector<16xf32>,
      tpu.vector_store %arg20[%swap3A_742], %broadcast_in_dim3A_739 {strides = array<i32>} : memref<10000xf32, #tpu.memory_space<vmem>>, vector<16xf32>,
      %add3A_744 = arith.constant 0 : i32
      %add3A_745 = arith.addi %add3A_737, %add3A_744 : i32
      %swap3A_746 = arith.index_cast %add3A_745 : i32 to index
      %swap3A_747 = tpu.vector_load %arg21[%swap3A_746] {strides = array<i32>} : memref<10000xf32, #tpu.memory_space<vmem>>, vector<16xf32>,
      tpu.vector_store %arg21[%swap3A_746], %broadcast_in_dim3A_739 {strides = array<i32>} : memref<10000xf32, #tpu.memory_space<vmem>>, vector<16xf32>,
      %add3A_748 = arith.constant 16 : i32
      %add3A_749 = arith.addi %add3A_737, %add3A_748 : i32
      %swap3A_750 = arith.index_cast %add3A_749 : i32 to index
      %swap3A_751 = tpu.vector_load %arg20[%swap3A_750] {strides = array<i32>} : memref<10000xf32, #tpu.memory_space<vmem>>, vector<16xf32>,
      tpu.vector_store %arg20[%swap3A_750], %broadcast_in_dim3A_739 {strides = array<i32>} : memref<10000xf32, #tpu.memory_space<vmem>>, vector<16xf32>,
      %add3A_752 = arith.constant 16 : i32
      %add3A_753 = arith.addi %add3A_737, %add3A_752 : i32
      %swap3A_754 = arith.index_cast %add3A_753 : i32 to index
      %swap3A_755 = tpu.vector_load %arg21[%swap3A_754] {strides = array<i32>} : memref<10000xf32, #tpu.memory_space<vmem>>, vector<16xf32>,
      tpu.vector_store %arg21[%swap3A_754], %broadcast_in_dim3A_739 {strides = array<i32>} : memref<10000xf32, #tpu.memory_space<vmem>>, vector<16xf32>,
      %add3A_756 = arith.constant 32 : i32
      %add3A_757 = arith.addi %add3A_737, %add3A_756 : i32
      %swap3A_758 = arith.index_cast %add3A_757 : i32 to index
      %swap3A_759 = tpu.vector_load %arg20[%swap3A_758] {strides = array<i32>} : memref<10000xf32, #tpu.memory_space<vmem>>, vector<16xf32>,
      tpu.vector_store %arg20[%swap3A_758], %broadcast_in_dim3A_739 {strides = array<i32>} : memref<10000xf32, #tpu.memory_space<vmem>>, vector<16xf32>,
      %add3A_760 = arith.constant 32 : i32
      %add3A_761 = arith.addi %add3A_737, %add3A_760 : i32
      %swap3A_762 = arith.index_cast %add3A_761 : i32 to index
      %swap3A_763 = tpu.vector_load %arg21[%swap3A_762] {strides = array<i32>} : memref<10000xf32, #tpu.memory_space<vmem>>, vector<16xf32>,
      tpu.vector_store %arg21[%swap3A_762], %broadcast_in_dim3A_739 {strides = array<i32>} : memref<10000xf32, #tpu.memory_space<vmem>>, vector<16xf32>,
      %add3A_764 = arith.constant 48 : i32
      %add3A_765 = arith.addi %add3A_737, %add3A_764 : i32
      %swap3A_766 = arith.index_cast %add3A_765 : i32 to index
      %swap3A_767 = tpu.vector_load %arg20[%swap3A_766] {strides = array<i32>} : memref<10000xf32, #tpu.memory_space<vmem>>, vector<16xf32>,
      tpu.vector_store %arg20[%swap3A_766], %broadcast_in_dim3A_739 {strides = array<i32>} : memref<10000xf32, #tpu.memory_space<vmem>>, vector<16xf32>,
      %add3A_768 = arith.constant 48 : i32
      %add3A_769 = arith.addi %add3A_737, %add3A_768 : i32
      %swap3A_770 = arith.index_cast %add3A_769 : i32 to index
      %swap3A_771 = tpu.vector_load %arg21[%swap3A_770] {strides = array<i32>} : memref<10000xf32, #tpu.memory_space<vmem>>, vector<16xf32>,
      tpu.vector_store %arg21[%swap3A_770], %broadcast_in_dim3A_739 {strides = array<i32>} : memref<10000xf32, #tpu.memory_space<vmem>>, vector<16xf32>,
      %add3A_772 = arith.constant 64 : i32
      %add3A_773 = arith.addi %add3A_737, %add3A_772 : i32
      %swap3A_774 = arith.index_cast %add3A_773 : i32 to index
      %swap3A_775 = tpu.vector_load %arg20[%swap3A_774] {strides = array<i32>} : memref<10000xf32, #tpu.memory_space<vmem>>, vector<16xf32>,
      tpu.vector_store %arg20[%swap3A_774], %broadcast_in_dim3A_739 {strides = array<i32>} : memref<10000xf32, #tpu.memory_space<vmem>>, vector<16xf32>,
      %add3A_776 = arith.constant 64 : i32
      %add3A_777 = arith.addi %add3A_737, %add3A_776 : i32
      %swap3A_778 = arith.index_cast %add3A_777 : i32 to index
      %swap3A_779 = tpu.vector_load %arg21[%swap3A_778] {strides = array<i32>} : memref<10000xf32, #tpu.memory_space<vmem>>, vector<16xf32>,
      tpu.vector_store %arg21[%swap3A_778], %broadcast_in_dim3A_739 {strides = array<i32>} : memref<10000xf32, #tpu.memory_space<vmem>>, vector<16xf32>,
      %add3A_780 = arith.constant 80 : i32
      %add3A_781 = arith.addi %add3A_737, %add3A_780 : i32
      %swap3A_782 = arith.index_cast %add3A_781 : i32 to index
      %swap3A_783 = tpu.vector_load %arg20[%swap3A_782] {strides = array<i32>} : memref<10000xf32, #tpu.memory_space<vmem>>, vector<16xf32>,
      tpu.vector_store %arg20[%swap3A_782], %broadcast_in_dim3A_739 {strides = array<i32>} : memref<10000xf32, #tpu.memory_space<vmem>>, vector<16xf32>,
      %add3A_784 = arith.constant 80 : i32
      %add3A_785 = arith.addi %add3A_737, %add3A_784 : i32
      %swap3A_786 = arith.index_cast %add3A_785 : i32 to index
      %swap3A_787 = tpu.vector_load %arg21[%swap3A_786] {strides = array<i32>} : memref<10000xf32, #tpu.memory_space<vmem>>, vector<16xf32>,
      tpu.vector_store %arg21[%swap3A_786], %broadcast_in_dim3A_739 {strides = array<i32>} : memref<10000xf32, #tpu.memory_space<vmem>>, vector<16xf32>,
      %add3A_788 = arith.constant 96 : i32
      %add3A_789 = arith.addi %add3A_737, %add3A_788 : i32
      %swap3A_790 = arith.index_cast %add3A_789 : i32 to index
      %swap3A_791 = tpu.vector_load %arg20[%swap3A_790] {strides = array<i32>} : memref<10000xf32, #tpu.memory_space<vmem>>, vector<16xf32>,
      tpu.vector_store %arg20[%swap3A_790], %broadcast_in_dim3A_739 {strides = array<i32>} : memref<10000xf32, #tpu.memory_space<vmem>>, vector<16xf32>,
      %add3A_792 = arith.constant 96 : i32
      %add3A_793 = arith.addi %add3A_737, %add3A_792 : i32
      %swap3A_794 = arith.index_cast %add3A_793 : i32 to index
      %swap3A_795 = tpu.vector_load %arg21[%swap3A_794] {strides = array<i32>} : memref<10000xf32, #tpu.memory_space<vmem>>, vector<16xf32>,
      tpu.vector_store %arg21[%swap3A_794], %broadcast_in_dim3A_739 {strides = array<i32>} : memref<10000xf32, #tpu.memory_space<vmem>>, vector<16xf32>,
      %add3A_796 = arith.constant 112 : i32
      %add3A_797 = arith.addi %add3A_737, %add3A_796 : i32
      %swap3A_798 = arith.index_cast %add3A_797 : i32 to index
      %swap3A_799 = tpu.vector_load %arg20[%swap3A_798] {strides = array<i32>} : memref<10000xf32, #tpu.memory_space<vmem>>, vector<16xf32>,
      tpu.vector_store %arg20[%swap3A_798], %broadcast_in_dim3A_739 {strides = array<i32>} : memref<10000xf32, #tpu.memory_space<vmem>>, vector<16xf32>,
      %add3A_800 = arith.constant 112 : i32
      %add3A_801 = arith.addi %add3A_737, %add3A_800 : i32
      %swap3A_802 = arith.index_cast %add3A_801 : i32 to index
      %swap3A_803 = tpu.vector_load %arg21[%swap3A_802] {strides = array<i32>} : memref<10000xf32, #tpu.memory_space<vmem>>, vector<16xf32>,
      tpu.vector_store %arg21[%swap3A_802], %broadcast_in_dim3A_739 {strides = array<i32>} : memref<10000xf32, #tpu.memory_space<vmem>>, vector<16xf32>,
      %add3A_804 = arith.constant 128 : i32
      %add3A_805 = arith.addi %add3A_737, %add3A_804 : i32
      %swap3A_806 = arith.index_cast %add3A_805 : i32 to index
      %swap3A_807 = tpu.vector_load %arg20[%swap3A_806] {strides = array<i32>} : memref<10000xf32, #tpu.memory_space<vmem>>, vector<16xf32>,
      tpu.vector_store %arg20[%swap3A_806], %broadcast_in_dim3A_739 {strides = array<i32>} : memref<10000xf32, #tpu.memory_space<vmem>>, vector<16xf32>,
      %add3A_808 = arith.constant 128 : i32
      %add3A_809 = arith.addi %add3A_737, %add3A_808 : i32
      %swap3A_810 = arith.index_cast %add3A_809 : i32 to index
      %swap3A_811 = tpu.vector_load %arg21[%swap3A_810] {strides = array<i32>} : memref<10000xf32, #tpu.memory_space<vmem>>, vector<16xf32>,
      tpu.vector_store %arg21[%swap3A_810], %broadcast_in_dim3A_739 {strides = array<i32>} : memref<10000xf32, #tpu.memory_space<vmem>>, vector<16xf32>,
      %add3A_812 = arith.constant 144 : i32
      %add3A_813 = arith.addi %add3A_737, %add3A_812 : i32
      %swap3A_814 = arith.index_cast %add3A_813 : i32 to index
      %swap3A_815 = tpu.vector_load %arg20[%swap3A_814] {strides = array<i32>} : memref<10000xf32, #tpu.memory_space<vmem>>, vector<16xf32>,
      tpu.vector_store %arg20[%swap3A_814], %broadcast_in_dim3A_739 {strides = array<i32>} : memref<10000xf32, #tpu.memory_space<vmem>>, vector<16xf32>,
      %add3A_816 = arith.constant 144 : i32
      %add3A_817 = arith.addi %add3A_737, %add3A_816 : i32
      %swap3A_818 = arith.index_cast %add3A_817 : i32 to index
      %swap3A_819 = tpu.vector_load %arg21[%swap3A_818] {strides = array<i32>} : memref<10000xf32, #tpu.memory_space<vmem>>, vector<16xf32>,
      tpu.vector_store %arg21[%swap3A_818], %broadcast_in_dim3A_739 {strides = array<i32>} : memref<10000xf32, #tpu.memory_space<vmem>>, vector<16xf32>,
      %add3A_820 = arith.constant 160 : i32
      %add3A_821 = arith.addi %add3A_737, %add3A_820 : i32
      %swap3A_822 = arith.index_cast %add3A_821 : i32 to index
      %swap3A_823 = tpu.vector_load %arg20[%swap3A_822] {strides = array<i32>} : memref<10000xf32, #tpu.memory_space<vmem>>, vector<16xf32>,
      tpu.vector_store %arg20[%swap3A_822], %broadcast_in_dim3A_739 {strides = array<i32>} : memref<10000xf32, #tpu.memory_space<vmem>>, vector<16xf32>,
      %add3A_824 = arith.constant 160 : i32
      %add3A_825 = arith.addi %add3A_737, %add3A_824 : i32
      %swap3A_826 = arith.index_cast %add3A_825 : i32 to index
      %swap3A_827 = tpu.vector_load %arg21[%swap3A_826] {strides = array<i32>} : memref<10000xf32, #tpu.memory_space<vmem>>, vector<16xf32>,
      tpu.vector_store %arg21[%swap3A_826], %broadcast_in_dim3A_739 {strides = array<i32>} : memref<10000xf32, #tpu.memory_space<vmem>>, vector<16xf32>,
      %add3A_828 = arith.constant 176 : i32
      %add3A_829 = arith.addi %add3A_737, %add3A_828 : i32
      %swap3A_830 = arith.index_cast %add3A_829 : i32 to index
      %swap3A_831 = tpu.vector_load %arg20[%swap3A_830] {strides = array<i32>} : memref<10000xf32, #tpu.memory_space<vmem>>, vector<16xf32>,
      tpu.vector_store %arg20[%swap3A_830], %broadcast_in_dim3A_739 {strides = array<i32>} : memref<10000xf32, #tpu.memory_space<vmem>>, vector<16xf32>,
      %add3A_832 = arith.constant 176 : i32
      %add3A_833 = arith.addi %add3A_737, %add3A_832 : i32
      %swap3A_834 = arith.index_cast %add3A_833 : i32 to index
      %swap3A_835 = tpu.vector_load %arg21[%swap3A_834] {strides = array<i32>} : memref<10000xf32, #tpu.memory_space<vmem>>, vector<16xf32>,
      tpu.vector_store %arg21[%swap3A_834], %broadcast_in_dim3A_739 {strides = array<i32>} : memref<10000xf32, #tpu.memory_space<vmem>>, vector<16xf32>,
      %add3A_836 = arith.constant 192 : i32
      %add3A_837 = arith.addi %add3A_737, %add3A_836 : i32
      %swap3A_838 = arith.index_cast %add3A_837 : i32 to index
      %swap3A_839 = tpu.vector_load %arg20[%swap3A_838] {strides = array<i32>} : memref<10000xf32, #tpu.memory_space<vmem>>, vector<16xf32>,
      tpu.vector_store %arg20[%swap3A_838], %broadcast_in_dim3A_739 {strides = array<i32>} : memref<10000xf32, #tpu.memory_space<vmem>>, vector<16xf32>,
      %add3A_840 = arith.constant 192 : i32
      %add3A_841 = arith.addi %add3A_737, %add3A_840 : i32
      %swap3A_842 = arith.index_cast %add3A_841 : i32 to index
      %swap3A_843 = tpu.vector_load %arg21[%swap3A_842] {strides = array<i32>} : memref<10000xf32, #tpu.memory_space<vmem>>, vector<16xf32>,
      tpu.vector_store %arg21[%swap3A_842], %broadcast_in_dim3A_739 {strides = array<i32>} : memref<10000xf32, #tpu.memory_space<vmem>>, vector<16xf32>,
      %add3A_844 = arith.constant 208 : i32
      %add3A_845 = arith.addi %add3A_737, %add3A_844 : i32
      %swap3A_846 = arith.index_cast %add3A_845 : i32 to index
      %swap3A_847 = tpu.vector_load %arg20[%swap3A_846] {strides = array<i32>} : memref<10000xf32, #tpu.memory_space<vmem>>, vector<16xf32>,
      tpu.vector_store %arg20[%swap3A_846], %broadcast_in_dim3A_739 {strides = array<i32>} : memref<10000xf32, #tpu.memory_space<vmem>>, vector<16xf32>,
      %add3A_848 = arith.constant 208 : i32
      %add3A_849 = arith.addi %add3A_737, %add3A_848 : i32
      %swap3A_850 = arith.index_cast %add3A_849 : i32 to index
      %swap3A_851 = tpu.vector_load %arg21[%swap3A_850] {strides = array<i32>} : memref<10000xf32, #tpu.memory_space<vmem>>, vector<16xf32>,
      tpu.vector_store %arg21[%swap3A_850], %broadcast_in_dim3A_739 {strides = array<i32>} : memref<10000xf32, #tpu.memory_space<vmem>>, vector<16xf32>,
      %add3A_852 = arith.constant 224 : i32
      %add3A_853 = arith.addi %add3A_737, %add3A_852 : i32
      %swap3A_854 = arith.index_cast %add3A_853 : i32 to index
      %swap3A_855 = tpu.vector_load %arg20[%swap3A_854] {strides = array<i32>} : memref<10000xf32, #tpu.memory_space<vmem>>, vector<16xf32>,
      tpu.vector_store %arg20[%swap3A_854], %broadcast_in_dim3A_739 {strides = array<i32>} : memref<10000xf32, #tpu.memory_space<vmem>>, vector<16xf32>,
      %add3A_856 = arith.constant 224 : i32
      %add3A_857 = arith.addi %add3A_737, %add3A_856 : i32
      %swap3A_858 = arith.index_cast %add3A_857 : i32 to index
      %swap3A_859 = tpu.vector_load %arg21[%swap3A_858] {strides = array<i32>} : memref<10000xf32, #tpu.memory_space<vmem>>, vector<16xf32>,
      tpu.vector_store %arg21[%swap3A_858], %broadcast_in_dim3A_739 {strides = array<i32>} : memref<10000xf32, #tpu.memory_space<vmem>>, vector<16xf32>,
      %add3A_860 = arith.constant 240 : i32
      %add3A_861 = arith.addi %add3A_737, %add3A_860 : i32
      %swap3A_862 = arith.index_cast %add3A_861 : i32 to index
      %swap3A_863 = tpu.vector_load %arg20[%swap3A_862] {strides = array<i32>} : memref<10000xf32, #tpu.memory_space<vmem>>, vector<16xf32>,
      tpu.vector_store %arg20[%swap3A_862], %broadcast_in_dim3A_739 {strides = array<i32>} : memref<10000xf32, #tpu.memory_space<vmem>>, vector<16xf32>,
      %add3A_864 = arith.constant 240 : i32
      %add3A_865 = arith.addi %add3A_737, %add3A_864 : i32
      %swap3A_866 = arith.index_cast %add3A_865 : i32 to index
      %swap3A_867 = tpu.vector_load %arg21[%swap3A_866] {strides = array<i32>} : memref<10000xf32, #tpu.memory_space<vmem>>, vector<16xf32>,
      tpu.vector_store %arg21[%swap3A_866], %broadcast_in_dim3A_739 {strides = array<i32>} : memref<10000xf32, #tpu.memory_space<vmem>>, vector<16xf32>,
      %add3A_868 = arith.constant 256 : i32
      %add3A_869 = arith.addi %add3A_737, %add3A_868 : i32
      %swap3A_870 = arith.index_cast %add3A_869 : i32 to index
      %swap3A_871 = tpu.vector_load %arg20[%swap3A_870] {strides = array<i32>} : memref<10000xf32, #tpu.memory_space<vmem>>, vector<16xf32>,
      tpu.vector_store %arg20[%swap3A_870], %broadcast_in_dim3A_739 {strides = array<i32>} : memref<10000xf32, #tpu.memory_space<vmem>>, vector<16xf32>,
      %add3A_872 = arith.constant 256 : i32
      %add3A_873 = arith.addi %add3A_737, %add3A_872 : i32
      %swap3A_874 = arith.index_cast %add3A_873 : i32 to index
      %swap3A_875 = tpu.vector_load %arg21[%swap3A_874] {strides = array<i32>} : memref<10000xf32, #tpu.memory_space<vmem>>, vector<16xf32>,
      tpu.vector_store %arg21[%swap3A_874], %broadcast_in_dim3A_739 {strides = array<i32>} : memref<10000xf32, #tpu.memory_space<vmem>>, vector<16xf32>,
      %add3A_876 = arith.constant 272 : i32
      %add3A_877 = arith.addi %add3A_737, %add3A_876 : i32
      %swap3A_878 = arith.index_cast %add3A_877 : i32 to index
      %swap3A_879 = tpu.vector_load %arg20[%swap3A_878] {strides = array<i32>} : memref<10000xf32, #tpu.memory_space<vmem>>, vector<16xf32>,
      tpu.vector_store %arg20[%swap3A_878], %broadcast_in_dim3A_739 {strides = array<i32>} : memref<10000xf32, #tpu.memory_space<vmem>>, vector<16xf32>,
      %add3A_880 = arith.constant 272 : i32
      %add3A_881 = arith.addi %add3A_737, %add3A_880 : i32
      %swap3A_882 = arith.index_cast %add3A_881 : i32 to index
      %swap3A_883 = tpu.vector_load %arg21[%swap3A_882] {strides = array<i32>} : memref<10000xf32, #tpu.memory_space<vmem>>, vector<16xf32>,
      tpu.vector_store %arg21[%swap3A_882], %broadcast_in_dim3A_739 {strides = array<i32>} : memref<10000xf32, #tpu.memory_space<vmem>>, vector<16xf32>,
      %add3A_884 = arith.constant 288 : i32
      %add3A_885 = arith.addi %add3A_737, %add3A_884 : i32
      %swap3A_886 = arith.index_cast %add3A_885 : i32 to index
      %swap3A_887 = tpu.vector_load %arg20[%swap3A_886] {strides = array<i32>} : memref<10000xf32, #tpu.memory_space<vmem>>, vector<16xf32>,
      tpu.vector_store %arg20[%swap3A_886], %broadcast_in_dim3A_739 {strides = array<i32>} : memref<10000xf32, #tpu.memory_space<vmem>>, vector<16xf32>,
      %add3A_888 = arith.constant 288 : i32
      %add3A_889 = arith.addi %add3A_737, %add3A_888 : i32
      %swap3A_890 = arith.index_cast %add3A_889 : i32 to index
      %swap3A_891 = tpu.vector_load %arg21[%swap3A_890] {strides = array<i32>} : memref<10000xf32, #tpu.memory_space<vmem>>, vector<16xf32>,
      tpu.vector_store %arg21[%swap3A_890], %broadcast_in_dim3A_739 {strides = array<i32>} : memref<10000xf32, #tpu.memory_space<vmem>>, vector<16xf32>,
      %add3A_892 = arith.constant 304 : i32
      %add3A_893 = arith.addi %add3A_737, %add3A_892 : i32
      %swap3A_894 = arith.index_cast %add3A_893 : i32 to index
      %swap3A_895 = tpu.vector_load %arg20[%swap3A_894] {strides = array<i32>} : memref<10000xf32, #tpu.memory_space<vmem>>, vector<16xf32>,
      tpu.vector_store %arg20[%swap3A_894], %broadcast_in_dim3A_739 {strides = array<i32>} : memref<10000xf32, #tpu.memory_space<vmem>>, vector<16xf32>,
      %add3A_896 = arith.constant 304 : i32
      %add3A_897 = arith.addi %add3A_737, %add3A_896 : i32
      %swap3A_898 = arith.index_cast %add3A_897 : i32 to index
      %swap3A_899 = tpu.vector_load %arg21[%swap3A_898] {strides = array<i32>} : memref<10000xf32, #tpu.memory_space<vmem>>, vector<16xf32>,
      tpu.vector_store %arg21[%swap3A_898], %broadcast_in_dim3A_739 {strides = array<i32>} : memref<10000xf32, #tpu.memory_space<vmem>>, vector<16xf32>,
      %add3A_900 = arith.constant 320 : i32
      %add3A_901 = arith.addi %add3A_737, %add3A_900 : i32
      %swap3A_902 = arith.index_cast %add3A_901 : i32 to index
      %swap3A_903 = tpu.vector_load %arg20[%swap3A_902] {strides = array<i32>} : memref<10000xf32, #tpu.memory_space<vmem>>, vector<16xf32>,
      tpu.vector_store %arg20[%swap3A_902], %broadcast_in_dim3A_739 {strides = array<i32>} : memref<10000xf32, #tpu.memory_space<vmem>>, vector<16xf32>,
      %add3A_904 = arith.constant 320 : i32
      %add3A_905 = arith.addi %add3A_737, %add3A_904 : i32
      %swap3A_906 = arith.index_cast %add3A_905 : i32 to index
      %swap3A_907 = tpu.vector_load %arg21[%swap3A_906] {strides = array<i32>} : memref<10000xf32, #tpu.memory_space<vmem>>, vector<16xf32>,
      tpu.vector_store %arg21[%swap3A_906], %broadcast_in_dim3A_739 {strides = array<i32>} : memref<10000xf32, #tpu.memory_space<vmem>>, vector<16xf32>,
      %add3A_908 = arith.constant 336 : i32
      %add3A_909 = arith.addi %add3A_737, %add3A_908 : i32
      %swap3A_910 = arith.index_cast %add3A_909 : i32 to index
      %swap3A_911 = tpu.vector_load %arg20[%swap3A_910] {strides = array<i32>} : memref<10000xf32, #tpu.memory_space<vmem>>, vector<16xf32>,
      tpu.vector_store %arg20[%swap3A_910], %broadcast_in_dim3A_739 {strides = array<i32>} : memref<10000xf32, #tpu.memory_space<vmem>>, vector<16xf32>,
      %add3A_912 = arith.constant 336 : i32
      %add3A_913 = arith.addi %add3A_737, %add3A_912 : i32
      %swap3A_914 = arith.index_cast %add3A_913 : i32 to index
      %swap3A_915 = tpu.vector_load %arg21[%swap3A_914] {strides = array<i32>} : memref<10000xf32, #tpu.memory_space<vmem>>, vector<16xf32>,
      tpu.vector_store %arg21[%swap3A_914], %broadcast_in_dim3A_739 {strides = array<i32>} : memref<10000xf32, #tpu.memory_space<vmem>>, vector<16xf32>,
      %add3A_916 = arith.constant 352 : i32
      %add3A_917 = arith.addi %add3A_737, %add3A_916 : i32
      %swap3A_918 = arith.index_cast %add3A_917 : i32 to index
      %swap3A_919 = tpu.vector_load %arg20[%swap3A_918] {strides = array<i32>} : memref<10000xf32, #tpu.memory_space<vmem>>, vector<16xf32>,
      tpu.vector_store %arg20[%swap3A_918], %broadcast_in_dim3A_739 {strides = array<i32>} : memref<10000xf32, #tpu.memory_space<vmem>>, vector<16xf32>,
      %add3A_920 = arith.constant 352 : i32
      %add3A_921 = arith.addi %add3A_737, %add3A_920 : i32
      %swap3A_922 = arith.index_cast %add3A_921 : i32 to index
      %swap3A_923 = tpu.vector_load %arg21[%swap3A_922] {strides = array<i32>} : memref<10000xf32, #tpu.memory_space<vmem>>, vector<16xf32>,
      tpu.vector_store %arg21[%swap3A_922], %broadcast_in_dim3A_739 {strides = array<i32>} : memref<10000xf32, #tpu.memory_space<vmem>>, vector<16xf32>,
      %add3A_924 = arith.constant 368 : i32
      %add3A_925 = arith.addi %add3A_737, %add3A_924 : i32
      %swap3A_926 = arith.index_cast %add3A_925 : i32 to index
      %swap3A_927 = tpu.vector_load %arg20[%swap3A_926] {strides = array<i32>} : memref<10000xf32, #tpu.memory_space<vmem>>, vector<16xf32>,
      tpu.vector_store %arg20[%swap3A_926], %broadcast_in_dim3A_739 {strides = array<i32>} : memref<10000xf32, #tpu.memory_space<vmem>>, vector<16xf32>,
      %add3A_928 = arith.constant 368 : i32
      %add3A_929 = arith.addi %add3A_737, %add3A_928 : i32
      %swap3A_930 = arith.index_cast %add3A_929 : i32 to index
      %swap3A_931 = tpu.vector_load %arg21[%swap3A_930] {strides = array<i32>} : memref<10000xf32, #tpu.memory_space<vmem>>, vector<16xf32>,
      tpu.vector_store %arg21[%swap3A_930], %broadcast_in_dim3A_739 {strides = array<i32>} : memref<10000xf32, #tpu.memory_space<vmem>>, vector<16xf32>,
      %add3A_932 = arith.constant 384 : i32
      %add3A_933 = arith.addi %add3A_737, %add3A_932 : i32
      %swap3A_934 = arith.index_cast %add3A_933 : i32 to index
      %swap3A_935 = tpu.vector_load %arg20[%swap3A_934] {strides = array<i32>} : memref<10000xf32, #tpu.memory_space<vmem>>, vector<16xf32>,
      tpu.vector_store %arg20[%swap3A_934], %broadcast_in_dim3A_739 {strides = array<i32>} : memref<10000xf32, #tpu.memory_space<vmem>>, vector<16xf32>,
      %add3A_936 = arith.constant 384 : i32
      %add3A_937 = arith.addi %add3A_737, %add3A_936 : i32
      %swap3A_938 = arith.index_cast %add3A_937 : i32 to index
      %swap3A_939 = tpu.vector_load %arg21[%swap3A_938] {strides = array<i32>} : memref<10000xf32, #tpu.memory_space<vmem>>, vector<16xf32>,
      tpu.vector_store %arg21[%swap3A_938], %broadcast_in_dim3A_739 {strides = array<i32>} : memref<10000xf32, #tpu.memory_space<vmem>>, vector<16xf32>,
    }
    %scan3A_470 = arith.constant 25 : i32
    %dma_wait3A_471 = arith.constant 0 : i32
    %dma_wait3A_472 = tpu.memref_slice %arg3[%dma_wait3A_471] : memref<655360xf32, #tpu.memory_space<hbm>> -> memref<655360xf32, #tpu.memory_space<hbm>>
    tpu.wait_indirect_dma semaphore(%arg26 : memref<!tpu.dma_semaphore, #tpu.memory_space<semaphore_mem>>) src(%dma_wait3A_472 : memref<655360xf32, #tpu.memory_space<hbm>>) dst(%arg14 : memref<64xf32, #tpu.memory_space<vmem>>)
    %dma_wait3A_473 = arith.constant 0 : i32
    %dma_wait3A_474 = tpu.memref_slice %arg4[%dma_wait3A_473] : memref<20480xf32, #tpu.memory_space<hbm>> -> memref<20480xf32, #tpu.memory_space<hbm>>
    tpu.wait_indirect_dma semaphore(%arg26 : memref<!tpu.dma_semaphore, #tpu.memory_space<semaphore_mem>>) src(%dma_wait3A_474 : memref<20480xf32, #tpu.memory_space<hbm>>) dst(%arg15 : memref<64xf32, #tpu.memory_space<vmem>>)
    %dma_wait3A_475 = arith.constant 0 : i32
    %dma_wait3A_476 = tpu.memref_slice %arg4[%dma_wait3A_475] : memref<20480xf32, #tpu.memory_space<hbm>> -> memref<20480xf32, #tpu.memory_space<hbm>>
    tpu.wait_indirect_dma semaphore(%arg26 : memref<!tpu.dma_semaphore, #tpu.memory_space<semaphore_mem>>) src(%dma_wait3A_476 : memref<20480xf32, #tpu.memory_space<hbm>>) dst(%arg16 : memref<64xf32, #tpu.memory_space<vmem>>)
    %dma_wait3A_477 = arith.constant 0 : i32
    %dma_wait3A_478 = tpu.memref_slice %arg5[%dma_wait3A_477] : memref<10000xf32, #tpu.memory_space<hbm>> -> memref<10000xf32, #tpu.memory_space<hbm>>
    tpu.wait_indirect_dma semaphore(%arg26 : memref<!tpu.dma_semaphore, #tpu.memory_space<semaphore_mem>>) src(%dma_wait3A_478 : memref<10000xf32, #tpu.memory_space<hbm>>) dst(%arg17 : memref<64xf32, #tpu.memory_space<vmem>>)
    %broadcast_in_dim3A_479 = arith.constant 0.000000e+00 : f32
    %broadcast_in_dim3A_480 = vector.broadcast %broadcast_in_dim3A_479 : f32 to vector<16xf32>
    %broadcast_in_dim3A_481 = arith.constant 0.000000e+00 : f32
    %broadcast_in_dim3A_482 = vector.broadcast %broadcast_in_dim3A_481 : f32 to vector<16xf32>
    %get3A_483 = arith.constant 0 : index
    %get3A_484 = tpu.vector_load %arg15[%get3A_483] {strides = array<i32>} : memref<64xf32, #tpu.memory_space<vmem>>, vector<16xf32>,
    %add3A_485 = arith.addf %broadcast_in_dim3A_480, %get3A_484 : vector<16xf32>
    %get3A_486 = arith.constant 0 : index
    %get3A_487 = tpu.vector_load %arg16[%get3A_486] {strides = array<i32>} : memref<64xf32, #tpu.memory_space<vmem>>, vector<16xf32>,
    %add3A_488 = arith.addf %broadcast_in_dim3A_482, %get3A_487 : vector<16xf32>
    %get3A_489 = arith.constant 16 : index
    %get3A_490 = tpu.vector_load %arg15[%get3A_489] {strides = array<i32>} : memref<64xf32, #tpu.memory_space<vmem>>, vector<16xf32>,
    %add3A_491 = arith.addf %add3A_485, %get3A_490 : vector<16xf32>
    %get3A_492 = arith.constant 16 : index
    %get3A_493 = tpu.vector_load %arg16[%get3A_492] {strides = array<i32>} : memref<64xf32, #tpu.memory_space<vmem>>, vector<16xf32>,
    %add3A_494 = arith.addf %add3A_488, %get3A_493 : vector<16xf32>
    %get3A_495 = arith.constant 32 : index
    %get3A_496 = tpu.vector_load %arg15[%get3A_495] {strides = array<i32>} : memref<64xf32, #tpu.memory_space<vmem>>, vector<16xf32>,
    %add3A_497 = arith.addf %add3A_491, %get3A_496 : vector<16xf32>
    %get3A_498 = arith.constant 32 : index
    %get3A_499 = tpu.vector_load %arg16[%get3A_498] {strides = array<i32>} : memref<64xf32, #tpu.memory_space<vmem>>, vector<16xf32>,
    %add3A_500 = arith.addf %add3A_494, %get3A_499 : vector<16xf32>
    %get3A_501 = arith.constant 48 : index
    %get3A_502 = tpu.vector_load %arg15[%get3A_501] {strides = array<i32>} : memref<64xf32, #tpu.memory_space<vmem>>, vector<16xf32>,
    %add3A_503 = arith.addf %add3A_497, %get3A_502 : vector<16xf32>
    %get3A_504 = arith.constant 48 : index
    %get3A_505 = tpu.vector_load %arg16[%get3A_504] {strides = array<i32>} : memref<64xf32, #tpu.memory_space<vmem>>, vector<16xf32>,
    %add3A_506 = arith.addf %add3A_500, %get3A_505 : vector<16xf32>
    %gather3A_507 = tpu.vector_load_idx %arg23[%add3A_411] : memref<64xi32, #tpu.memory_space<vmem>>[vector<16xi32>], vector<16xi32>,
    %mul3A_508 = arith.constant 34 : i32
    %mul3A_509 = vector.broadcast %mul3A_508 : i32 to vector<16xi32>
    %mul3A_510 = arith.muli %gather3A_507, %mul3A_509 : vector<16xi32>
    %add3A_511 = arith.addi %mul3A_510, %iota3A : vector<16xi32>
    %gather3A_512 = tpu.vector_load_idx %arg25[%add3A_511] : memref<240xf32, #tpu.memory_space<vmem>>[vector<16xi32>], vector<16xf32>,
    %add3A_513 = arith.constant 16 : i32
    %add3A_514 = vector.broadcast %add3A_513 : i32 to vector<16xi32>
    %add3A_515 = arith.addi %iota3A, %add3A_514 : vector<16xi32>
    %add3A_516 = arith.addi %mul3A_510, %add3A_515 : vector<16xi32>
    %gather3A_517 = tpu.vector_load_idx %arg25[%add3A_516] : memref<240xf32, #tpu.memory_space<vmem>>[vector<16xi32>], vector<16xf32>,
    %add3A_518 = arith.constant 32 : i32
    %add3A_519 = vector.broadcast %add3A_518 : i32 to vector<16xi32>
    %add3A_520 = arith.addi %iota3A, %add3A_519 : vector<16xi32>
    %add3A_521 = arith.addi %mul3A_510, %add3A_520 : vector<16xi32>
    %min3A_522 = arith.constant 237 : i32
    %min3A_523 = vector.broadcast %min3A_522 : i32 to vector<16xi32>
    %min3A_524 = arith.minsi %add3A_521, %min3A_523 : vector<16xi32>
    %gather3A_525 = tpu.vector_load_idx %arg25[%min3A_524] : memref<240xf32, #tpu.memory_space<vmem>>[vector<16xi32>], vector<16xf32>,
    %mul3A_526 = arith.constant 2 : i32
    %mul3A_527 = arith.muli %mul3A_526, %add3A_407 : i32
    %sub3A_528 = arith.constant 2 : i32
    %sub3A_529 = arith.subi %mul3A_527, %sub3A_528 : i32
    %add3A_530 = vector.broadcast %sub3A_529 : i32 to vector<16xi32>
    %add3A_531 = arith.addi %iota3A, %add3A_530 : vector<16xi32>
    %jit3A_532 = arith.constant 0 : i32
    %jit3A_533 = arith.constant 127 : i32
    %max3A_534 = vector.broadcast %jit3A_532 : i32 to vector<16xi32>
    %max3A_535 = arith.maxsi %max3A_534, %add3A_531 : vector<16xi32>
    %min3A_536 = vector.broadcast %jit3A_533 : i32 to vector<16xi32>
    %min3A_537 = arith.minsi %min3A_536, %max3A_535 : vector<16xi32>
    %gather3A_538 = tpu.vector_load_idx %arg24[%min3A_537] : memref<128xf32, #tpu.memory_space<vmem>>[vector<16xi32>], vector<16xf32>,
    %lt3A_539 = arith.constant 2 : i32
    %lt3A_540 = vector.broadcast %lt3A_539 : i32 to vector<16xi32>
    %lt3A_541 = arith.cmpi slt, %iota3A, %lt3A_540 : vector<16xi32>
    %lt3A_542 = arith.constant 4 : i32
    %lt3A_543 = vector.broadcast %lt3A_542 : i32 to vector<16xi32>
    %lt3A_544 = arith.cmpi slt, %iota3A, %lt3A_543 : vector<16xi32>
    %jit3A_545 = arith.constant 0.000000e+00 : f32
    %broadcast_in_dim3A_546 = vector.broadcast %jit3A_545 : f32 to vector<16xf32>
    %select_n3A_547 = arith.select %lt3A_544, %gather3A_538, %broadcast_in_dim3A_546 : vector<16xi1>, vector<16xf32>
    %select_n3A_548 = arith.select %lt3A_541, %gather3A_525, %select_n3A_547 : vector<16xi1>, vector<16xf32>
    %mul3A_549 = arith.mulf %gather3A_512, %get3A_78 : vector<16xf32>
    %mul3A_550 = arith.mulf %gather3A_517, %get3A_80 : vector<16xf32>
    %add3A_551 = arith.addf %mul3A_549, %mul3A_550 : vector<16xf32>
    %mul3A_552 = arith.mulf %select_n3A_548, %get3A_82 : vector<16xf32>
    %add3A_553 = arith.addf %add3A_551, %mul3A_552 : vector<16xf32>
    %add3A_554 = arith.addf %add3A_553, %add3A_503 : vector<16xf32>
    %reduce_sum3A_555 = arith.constant true
    %reduce_sum3A_556 = vector.broadcast %reduce_sum3A_555 : i1 to vector<16xi1>
    %reduce_sum3A_557 = tpu.scan <sum>, %add3A_554 masked %reduce_sum3A_556 : vector<16xf32>, vector<16xi1> -> vector<16xf32>
    %reduce_sum3A_558 = vector.extract %reduce_sum3A_557[15] : f32 from vector<16xf32>
    %mul3A_559 = arith.mulf %gather3A_512, %get3A_84 : vector<16xf32>
    %mul3A_560 = arith.mulf %gather3A_517, %get3A_86 : vector<16xf32>
    %add3A_561 = arith.addf %mul3A_559, %mul3A_560 : vector<16xf32>
    %mul3A_562 = arith.mulf %select_n3A_548, %get3A_88 : vector<16xf32>
    %add3A_563 = arith.addf %add3A_561, %mul3A_562 : vector<16xf32>
    %add3A_564 = arith.addf %add3A_563, %add3A_506 : vector<16xf32>
    %reduce_sum3A_565 = arith.constant true
    %reduce_sum3A_566 = vector.broadcast %reduce_sum3A_565 : i1 to vector<16xi1>
    %reduce_sum3A_567 = tpu.scan <sum>, %add3A_564 masked %reduce_sum3A_566 : vector<16xf32>, vector<16xi1> -> vector<16xf32>
    %reduce_sum3A_568 = vector.extract %reduce_sum3A_567[15] : f32 from vector<16xf32>
    %add3A_569 = arith.addf %reduce_sum3A_26, %reduce_sum3A_568 : f32
    %get3A_570 = arith.constant 0 : index
    %get3A_571 = tpu.vector_load %arg14[%get3A_570] {strides = array<i32>} : memref<64xf32, #tpu.memory_space<vmem>>, vector<16xf32>,
    %mul3A_572 = vector.broadcast %reduce_sum3A_6 : f32 to vector<16xf32>
    %mul3A_573 = arith.mulf %get3A_571, %mul3A_572 : vector<16xf32>
    %get3A_574 = arith.constant 0 : index
    %get3A_575 = tpu.vector_load %arg17[%get3A_574] {strides = array<i32>} : memref<64xf32, #tpu.memory_space<vmem>>, vector<16xf32>,
    %mul3A_576 = vector.broadcast %reduce_sum3A_16 : f32 to vector<16xf32>
    %mul3A_577 = arith.mulf %get3A_575, %mul3A_576 : vector<16xf32>
    %add3A_578 = arith.addf %mul3A_573, %mul3A_577 : vector<16xf32>
    %add3A_579 = arith.constant 0 : i32
    %add3A_580 = vector.broadcast %add3A_579 : i32 to vector<16xi32>
    %add3A_581 = arith.addi %iota3A, %add3A_580 : vector<16xi32>
    %lt3A_582 = arith.constant 63 : i32
    %lt3A_583 = vector.broadcast %lt3A_582 : i32 to vector<16xi32>
    %lt3A_584 = arith.cmpi slt, %add3A_581, %lt3A_583 : vector<16xi32>
    %add3A_585 = arith.constant 1 : i32
    %add3A_586 = vector.broadcast %add3A_585 : i32 to vector<16xi32>
    %add3A_587 = arith.addi %iota3A, %add3A_586 : vector<16xi32>
    %min3A_588 = arith.constant 63 : i32
    %min3A_589 = vector.broadcast %min3A_588 : i32 to vector<16xi32>
    %min3A_590 = arith.minsi %add3A_587, %min3A_589 : vector<16xi32>
    %gather3A_591 = tpu.vector_load_idx %arg11[%min3A_590] : memref<64xi32, #tpu.memory_space<vmem>>[vector<16xi32>], vector<16xi32>,
    %and3A_592 = arith.andi %lt3A_584, %eq3A_31 : vector<16xi1>
    tpu.vector_store_idx %arg20[%gather3A_591], %add3A_578 masked %and3A_592 {add = true} : memref<10000xf32, #tpu.memory_space<vmem>>[vector<16xi32>], vector<16xf32>, vector<16xi1>
    tpu.vector_store_idx %arg21[%gather3A_591], %broadcast_in_dim3A_28 masked %and3A_592 {add = true} : memref<10000xf32, #tpu.memory_space<vmem>>[vector<16xi32>], vector<16xf32>, vector<16xi1>
    %and3A_593 = arith.andi %lt3A_584, %eq3A_34 : vector<16xi1>
    tpu.vector_store_idx %arg20[%gather3A_591], %add3A_578 masked %and3A_593 {add = true} : memref<10000xf32, #tpu.memory_space<vmem>>[vector<16xi32>], vector<16xf32>, vector<16xi1>
    tpu.vector_store_idx %arg21[%gather3A_591], %broadcast_in_dim3A_28 masked %and3A_593 {add = true} : memref<10000xf32, #tpu.memory_space<vmem>>[vector<16xi32>], vector<16xf32>, vector<16xi1>
    %and3A_594 = arith.andi %lt3A_584, %eq3A_37 : vector<16xi1>
    tpu.vector_store_idx %arg20[%gather3A_591], %add3A_578 masked %and3A_594 {add = true} : memref<10000xf32, #tpu.memory_space<vmem>>[vector<16xi32>], vector<16xf32>, vector<16xi1>
    tpu.vector_store_idx %arg21[%gather3A_591], %broadcast_in_dim3A_28 masked %and3A_594 {add = true} : memref<10000xf32, #tpu.memory_space<vmem>>[vector<16xi32>], vector<16xf32>, vector<16xi1>
    %and3A_595 = arith.andi %lt3A_584, %eq3A_40 : vector<16xi1>
    tpu.vector_store_idx %arg20[%gather3A_591], %add3A_578 masked %and3A_595 {add = true} : memref<10000xf32, #tpu.memory_space<vmem>>[vector<16xi32>], vector<16xf32>, vector<16xi1>
    tpu.vector_store_idx %arg21[%gather3A_591], %broadcast_in_dim3A_28 masked %and3A_595 {add = true} : memref<10000xf32, #tpu.memory_space<vmem>>[vector<16xi32>], vector<16xf32>, vector<16xi1>
    %and3A_596 = arith.andi %lt3A_584, %eq3A_43 : vector<16xi1>
    tpu.vector_store_idx %arg20[%gather3A_591], %add3A_578 masked %and3A_596 {add = true} : memref<10000xf32, #tpu.memory_space<vmem>>[vector<16xi32>], vector<16xf32>, vector<16xi1>
    tpu.vector_store_idx %arg21[%gather3A_591], %broadcast_in_dim3A_28 masked %and3A_596 {add = true} : memref<10000xf32, #tpu.memory_space<vmem>>[vector<16xi32>], vector<16xf32>, vector<16xi1>
    %and3A_597 = arith.andi %lt3A_584, %eq3A_46 : vector<16xi1>
    tpu.vector_store_idx %arg20[%gather3A_591], %add3A_578 masked %and3A_597 {add = true} : memref<10000xf32, #tpu.memory_space<vmem>>[vector<16xi32>], vector<16xf32>, vector<16xi1>
    tpu.vector_store_idx %arg21[%gather3A_591], %broadcast_in_dim3A_28 masked %and3A_597 {add = true} : memref<10000xf32, #tpu.memory_space<vmem>>[vector<16xi32>], vector<16xf32>, vector<16xi1>
    %and3A_598 = arith.andi %lt3A_584, %eq3A_49 : vector<16xi1>
    tpu.vector_store_idx %arg20[%gather3A_591], %add3A_578 masked %and3A_598 {add = true} : memref<10000xf32, #tpu.memory_space<vmem>>[vector<16xi32>], vector<16xf32>, vector<16xi1>
    tpu.vector_store_idx %arg21[%gather3A_591], %broadcast_in_dim3A_28 masked %and3A_598 {add = true} : memref<10000xf32, #tpu.memory_space<vmem>>[vector<16xi32>], vector<16xf32>, vector<16xi1>
    %and3A_599 = arith.andi %lt3A_584, %eq3A_52 : vector<16xi1>
    tpu.vector_store_idx %arg20[%gather3A_591], %add3A_578 masked %and3A_599 {add = true} : memref<10000xf32, #tpu.memory_space<vmem>>[vector<16xi32>], vector<16xf32>, vector<16xi1>
    tpu.vector_store_idx %arg21[%gather3A_591], %broadcast_in_dim3A_28 masked %and3A_599 {add = true} : memref<10000xf32, #tpu.memory_space<vmem>>[vector<16xi32>], vector<16xf32>, vector<16xi1>
    %and3A_600 = arith.andi %lt3A_584, %eq3A_55 : vector<16xi1>
    tpu.vector_store_idx %arg20[%gather3A_591], %add3A_578 masked %and3A_600 {add = true} : memref<10000xf32, #tpu.memory_space<vmem>>[vector<16xi32>], vector<16xf32>, vector<16xi1>
    tpu.vector_store_idx %arg21[%gather3A_591], %broadcast_in_dim3A_28 masked %and3A_600 {add = true} : memref<10000xf32, #tpu.memory_space<vmem>>[vector<16xi32>], vector<16xf32>, vector<16xi1>
    %and3A_601 = arith.andi %lt3A_584, %eq3A_58 : vector<16xi1>
    tpu.vector_store_idx %arg20[%gather3A_591], %add3A_578 masked %and3A_601 {add = true} : memref<10000xf32, #tpu.memory_space<vmem>>[vector<16xi32>], vector<16xf32>, vector<16xi1>
    tpu.vector_store_idx %arg21[%gather3A_591], %broadcast_in_dim3A_28 masked %and3A_601 {add = true} : memref<10000xf32, #tpu.memory_space<vmem>>[vector<16xi32>], vector<16xf32>, vector<16xi1>
    %and3A_602 = arith.andi %lt3A_584, %eq3A_61 : vector<16xi1>
    tpu.vector_store_idx %arg20[%gather3A_591], %add3A_578 masked %and3A_602 {add = true} : memref<10000xf32, #tpu.memory_space<vmem>>[vector<16xi32>], vector<16xf32>, vector<16xi1>
    tpu.vector_store_idx %arg21[%gather3A_591], %broadcast_in_dim3A_28 masked %and3A_602 {add = true} : memref<10000xf32, #tpu.memory_space<vmem>>[vector<16xi32>], vector<16xf32>, vector<16xi1>
    %and3A_603 = arith.andi %lt3A_584, %eq3A_64 : vector<16xi1>
    tpu.vector_store_idx %arg20[%gather3A_591], %add3A_578 masked %and3A_603 {add = true} : memref<10000xf32, #tpu.memory_space<vmem>>[vector<16xi32>], vector<16xf32>, vector<16xi1>
    tpu.vector_store_idx %arg21[%gather3A_591], %broadcast_in_dim3A_28 masked %and3A_603 {add = true} : memref<10000xf32, #tpu.memory_space<vmem>>[vector<16xi32>], vector<16xf32>, vector<16xi1>
    %and3A_604 = arith.andi %lt3A_584, %eq3A_67 : vector<16xi1>
    tpu.vector_store_idx %arg20[%gather3A_591], %add3A_578 masked %and3A_604 {add = true} : memref<10000xf32, #tpu.memory_space<vmem>>[vector<16xi32>], vector<16xf32>, vector<16xi1>
    tpu.vector_store_idx %arg21[%gather3A_591], %broadcast_in_dim3A_28 masked %and3A_604 {add = true} : memref<10000xf32, #tpu.memory_space<vmem>>[vector<16xi32>], vector<16xf32>, vector<16xi1>
    %and3A_605 = arith.andi %lt3A_584, %eq3A_70 : vector<16xi1>
    tpu.vector_store_idx %arg20[%gather3A_591], %add3A_578 masked %and3A_605 {add = true} : memref<10000xf32, #tpu.memory_space<vmem>>[vector<16xi32>], vector<16xf32>, vector<16xi1>
    tpu.vector_store_idx %arg21[%gather3A_591], %broadcast_in_dim3A_28 masked %and3A_605 {add = true} : memref<10000xf32, #tpu.memory_space<vmem>>[vector<16xi32>], vector<16xf32>, vector<16xi1>
    %and3A_606 = arith.andi %lt3A_584, %eq3A_73 : vector<16xi1>
    tpu.vector_store_idx %arg20[%gather3A_591], %add3A_578 masked %and3A_606 {add = true} : memref<10000xf32, #tpu.memory_space<vmem>>[vector<16xi32>], vector<16xf32>, vector<16xi1>
    tpu.vector_store_idx %arg21[%gather3A_591], %broadcast_in_dim3A_28 masked %and3A_606 {add = true} : memref<10000xf32, #tpu.memory_space<vmem>>[vector<16xi32>], vector<16xf32>, vector<16xi1>
    %and3A_607 = arith.andi %lt3A_584, %eq3A_76 : vector<16xi1>
    tpu.vector_store_idx %arg20[%gather3A_591], %add3A_578 masked %and3A_607 {add = true} : memref<10000xf32, #tpu.memory_space<vmem>>[vector<16xi32>], vector<16xf32>, vector<16xi1>
    tpu.vector_store_idx %arg21[%gather3A_591], %broadcast_in_dim3A_28 masked %and3A_607 {add = true} : memref<10000xf32, #tpu.memory_space<vmem>>[vector<16xi32>], vector<16xf32>, vector<16xi1>
    %get3A_608 = arith.constant 16 : index
    %get3A_609 = tpu.vector_load %arg14[%get3A_608] {strides = array<i32>} : memref<64xf32, #tpu.memory_space<vmem>>, vector<16xf32>,
    %mul3A_610 = vector.broadcast %reduce_sum3A_6 : f32 to vector<16xf32>
    %mul3A_611 = arith.mulf %get3A_609, %mul3A_610 : vector<16xf32>
    %get3A_612 = arith.constant 16 : index
    %get3A_613 = tpu.vector_load %arg17[%get3A_612] {strides = array<i32>} : memref<64xf32, #tpu.memory_space<vmem>>, vector<16xf32>,
    %mul3A_614 = vector.broadcast %reduce_sum3A_16 : f32 to vector<16xf32>
    %mul3A_615 = arith.mulf %get3A_613, %mul3A_614 : vector<16xf32>
    %add3A_616 = arith.addf %mul3A_611, %mul3A_615 : vector<16xf32>
    %add3A_617 = arith.constant 16 : i32
    %add3A_618 = vector.broadcast %add3A_617 : i32 to vector<16xi32>
    %add3A_619 = arith.addi %iota3A, %add3A_618 : vector<16xi32>
    %lt3A_620 = arith.constant 63 : i32
    %lt3A_621 = vector.broadcast %lt3A_620 : i32 to vector<16xi32>
    %lt3A_622 = arith.cmpi slt, %add3A_619, %lt3A_621 : vector<16xi32>
    %add3A_623 = arith.constant 17 : i32
    %add3A_624 = vector.broadcast %add3A_623 : i32 to vector<16xi32>
    %add3A_625 = arith.addi %iota3A, %add3A_624 : vector<16xi32>
    %min3A_626 = arith.constant 63 : i32
    %min3A_627 = vector.broadcast %min3A_626 : i32 to vector<16xi32>
    %min3A_628 = arith.minsi %add3A_625, %min3A_627 : vector<16xi32>
    %gather3A_629 = tpu.vector_load_idx %arg11[%min3A_628] : memref<64xi32, #tpu.memory_space<vmem>>[vector<16xi32>], vector<16xi32>,
    %and3A_630 = arith.andi %lt3A_622, %eq3A_31 : vector<16xi1>
    tpu.vector_store_idx %arg20[%gather3A_629], %add3A_616 masked %and3A_630 {add = true} : memref<10000xf32, #tpu.memory_space<vmem>>[vector<16xi32>], vector<16xf32>, vector<16xi1>
    tpu.vector_store_idx %arg21[%gather3A_629], %broadcast_in_dim3A_28 masked %and3A_630 {add = true} : memref<10000xf32, #tpu.memory_space<vmem>>[vector<16xi32>], vector<16xf32>, vector<16xi1>
    %and3A_631 = arith.andi %lt3A_622, %eq3A_34 : vector<16xi1>
    tpu.vector_store_idx %arg20[%gather3A_629], %add3A_616 masked %and3A_631 {add = true} : memref<10000xf32, #tpu.memory_space<vmem>>[vector<16xi32>], vector<16xf32>, vector<16xi1>
    tpu.vector_store_idx %arg21[%gather3A_629], %broadcast_in_dim3A_28 masked %and3A_631 {add = true} : memref<10000xf32, #tpu.memory_space<vmem>>[vector<16xi32>], vector<16xf32>, vector<16xi1>
    %and3A_632 = arith.andi %lt3A_622, %eq3A_37 : vector<16xi1>
    tpu.vector_store_idx %arg20[%gather3A_629], %add3A_616 masked %and3A_632 {add = true} : memref<10000xf32, #tpu.memory_space<vmem>>[vector<16xi32>], vector<16xf32>, vector<16xi1>
    tpu.vector_store_idx %arg21[%gather3A_629], %broadcast_in_dim3A_28 masked %and3A_632 {add = true} : memref<10000xf32, #tpu.memory_space<vmem>>[vector<16xi32>], vector<16xf32>, vector<16xi1>
    %and3A_633 = arith.andi %lt3A_622, %eq3A_40 : vector<16xi1>
    tpu.vector_store_idx %arg20[%gather3A_629], %add3A_616 masked %and3A_633 {add = true} : memref<10000xf32, #tpu.memory_space<vmem>>[vector<16xi32>], vector<16xf32>, vector<16xi1>
    tpu.vector_store_idx %arg21[%gather3A_629], %broadcast_in_dim3A_28 masked %and3A_633 {add = true} : memref<10000xf32, #tpu.memory_space<vmem>>[vector<16xi32>], vector<16xf32>, vector<16xi1>
    %and3A_634 = arith.andi %lt3A_622, %eq3A_43 : vector<16xi1>
    tpu.vector_store_idx %arg20[%gather3A_629], %add3A_616 masked %and3A_634 {add = true} : memref<10000xf32, #tpu.memory_space<vmem>>[vector<16xi32>], vector<16xf32>, vector<16xi1>
    tpu.vector_store_idx %arg21[%gather3A_629], %broadcast_in_dim3A_28 masked %and3A_634 {add = true} : memref<10000xf32, #tpu.memory_space<vmem>>[vector<16xi32>], vector<16xf32>, vector<16xi1>
    %and3A_635 = arith.andi %lt3A_622, %eq3A_46 : vector<16xi1>
    tpu.vector_store_idx %arg20[%gather3A_629], %add3A_616 masked %and3A_635 {add = true} : memref<10000xf32, #tpu.memory_space<vmem>>[vector<16xi32>], vector<16xf32>, vector<16xi1>
    tpu.vector_store_idx %arg21[%gather3A_629], %broadcast_in_dim3A_28 masked %and3A_635 {add = true} : memref<10000xf32, #tpu.memory_space<vmem>>[vector<16xi32>], vector<16xf32>, vector<16xi1>
    %and3A_636 = arith.andi %lt3A_622, %eq3A_49 : vector<16xi1>
    tpu.vector_store_idx %arg20[%gather3A_629], %add3A_616 masked %and3A_636 {add = true} : memref<10000xf32, #tpu.memory_space<vmem>>[vector<16xi32>], vector<16xf32>, vector<16xi1>
    tpu.vector_store_idx %arg21[%gather3A_629], %broadcast_in_dim3A_28 masked %and3A_636 {add = true} : memref<10000xf32, #tpu.memory_space<vmem>>[vector<16xi32>], vector<16xf32>, vector<16xi1>
    %and3A_637 = arith.andi %lt3A_622, %eq3A_52 : vector<16xi1>
    tpu.vector_store_idx %arg20[%gather3A_629], %add3A_616 masked %and3A_637 {add = true} : memref<10000xf32, #tpu.memory_space<vmem>>[vector<16xi32>], vector<16xf32>, vector<16xi1>
    tpu.vector_store_idx %arg21[%gather3A_629], %broadcast_in_dim3A_28 masked %and3A_637 {add = true} : memref<10000xf32, #tpu.memory_space<vmem>>[vector<16xi32>], vector<16xf32>, vector<16xi1>
    %and3A_638 = arith.andi %lt3A_622, %eq3A_55 : vector<16xi1>
    tpu.vector_store_idx %arg20[%gather3A_629], %add3A_616 masked %and3A_638 {add = true} : memref<10000xf32, #tpu.memory_space<vmem>>[vector<16xi32>], vector<16xf32>, vector<16xi1>
    tpu.vector_store_idx %arg21[%gather3A_629], %broadcast_in_dim3A_28 masked %and3A_638 {add = true} : memref<10000xf32, #tpu.memory_space<vmem>>[vector<16xi32>], vector<16xf32>, vector<16xi1>
    %and3A_639 = arith.andi %lt3A_622, %eq3A_58 : vector<16xi1>
    tpu.vector_store_idx %arg20[%gather3A_629], %add3A_616 masked %and3A_639 {add = true} : memref<10000xf32, #tpu.memory_space<vmem>>[vector<16xi32>], vector<16xf32>, vector<16xi1>
    tpu.vector_store_idx %arg21[%gather3A_629], %broadcast_in_dim3A_28 masked %and3A_639 {add = true} : memref<10000xf32, #tpu.memory_space<vmem>>[vector<16xi32>], vector<16xf32>, vector<16xi1>
    %and3A_640 = arith.andi %lt3A_622, %eq3A_61 : vector<16xi1>
    tpu.vector_store_idx %arg20[%gather3A_629], %add3A_616 masked %and3A_640 {add = true} : memref<10000xf32, #tpu.memory_space<vmem>>[vector<16xi32>], vector<16xf32>, vector<16xi1>
    tpu.vector_store_idx %arg21[%gather3A_629], %broadcast_in_dim3A_28 masked %and3A_640 {add = true} : memref<10000xf32, #tpu.memory_space<vmem>>[vector<16xi32>], vector<16xf32>, vector<16xi1>
    %and3A_641 = arith.andi %lt3A_622, %eq3A_64 : vector<16xi1>
    tpu.vector_store_idx %arg20[%gather3A_629], %add3A_616 masked %and3A_641 {add = true} : memref<10000xf32, #tpu.memory_space<vmem>>[vector<16xi32>], vector<16xf32>, vector<16xi1>
    tpu.vector_store_idx %arg21[%gather3A_629], %broadcast_in_dim3A_28 masked %and3A_641 {add = true} : memref<10000xf32, #tpu.memory_space<vmem>>[vector<16xi32>], vector<16xf32>, vector<16xi1>
    %and3A_642 = arith.andi %lt3A_622, %eq3A_67 : vector<16xi1>
    tpu.vector_store_idx %arg20[%gather3A_629], %add3A_616 masked %and3A_642 {add = true} : memref<10000xf32, #tpu.memory_space<vmem>>[vector<16xi32>], vector<16xf32>, vector<16xi1>
    tpu.vector_store_idx %arg21[%gather3A_629], %broadcast_in_dim3A_28 masked %and3A_642 {add = true} : memref<10000xf32, #tpu.memory_space<vmem>>[vector<16xi32>], vector<16xf32>, vector<16xi1>
    %and3A_643 = arith.andi %lt3A_622, %eq3A_70 : vector<16xi1>
    tpu.vector_store_idx %arg20[%gather3A_629], %add3A_616 masked %and3A_643 {add = true} : memref<10000xf32, #tpu.memory_space<vmem>>[vector<16xi32>], vector<16xf32>, vector<16xi1>
    tpu.vector_store_idx %arg21[%gather3A_629], %broadcast_in_dim3A_28 masked %and3A_643 {add = true} : memref<10000xf32, #tpu.memory_space<vmem>>[vector<16xi32>], vector<16xf32>, vector<16xi1>
    %and3A_644 = arith.andi %lt3A_622, %eq3A_73 : vector<16xi1>
    tpu.vector_store_idx %arg20[%gather3A_629], %add3A_616 masked %and3A_644 {add = true} : memref<10000xf32, #tpu.memory_space<vmem>>[vector<16xi32>], vector<16xf32>, vector<16xi1>
    tpu.vector_store_idx %arg21[%gather3A_629], %broadcast_in_dim3A_28 masked %and3A_644 {add = true} : memref<10000xf32, #tpu.memory_space<vmem>>[vector<16xi32>], vector<16xf32>, vector<16xi1>
    %and3A_645 = arith.andi %lt3A_622, %eq3A_76 : vector<16xi1>
    tpu.vector_store_idx %arg20[%gather3A_629], %add3A_616 masked %and3A_645 {add = true} : memref<10000xf32, #tpu.memory_space<vmem>>[vector<16xi32>], vector<16xf32>, vector<16xi1>
    tpu.vector_store_idx %arg21[%gather3A_629], %broadcast_in_dim3A_28 masked %and3A_645 {add = true} : memref<10000xf32, #tpu.memory_space<vmem>>[vector<16xi32>], vector<16xf32>, vector<16xi1>
    %get3A_646 = arith.constant 32 : index
    %get3A_647 = tpu.vector_load %arg14[%get3A_646] {strides = array<i32>} : memref<64xf32, #tpu.memory_space<vmem>>, vector<16xf32>,
    %mul3A_648 = vector.broadcast %reduce_sum3A_6 : f32 to vector<16xf32>
    %mul3A_649 = arith.mulf %get3A_647, %mul3A_648 : vector<16xf32>
    %get3A_650 = arith.constant 32 : index
    %get3A_651 = tpu.vector_load %arg17[%get3A_650] {strides = array<i32>} : memref<64xf32, #tpu.memory_space<vmem>>, vector<16xf32>,
    %mul3A_652 = vector.broadcast %reduce_sum3A_16 : f32 to vector<16xf32>
    %mul3A_653 = arith.mulf %get3A_651, %mul3A_652 : vector<16xf32>
    %add3A_654 = arith.addf %mul3A_649, %mul3A_653 : vector<16xf32>
    %add3A_655 = arith.constant 32 : i32
    %add3A_656 = vector.broadcast %add3A_655 : i32 to vector<16xi32>
    %add3A_657 = arith.addi %iota3A, %add3A_656 : vector<16xi32>
    %lt3A_658 = arith.constant 63 : i32
    %lt3A_659 = vector.broadcast %lt3A_658 : i32 to vector<16xi32>
    %lt3A_660 = arith.cmpi slt, %add3A_657, %lt3A_659 : vector<16xi32>
    %add3A_661 = arith.constant 33 : i32
    %add3A_662 = vector.broadcast %add3A_661 : i32 to vector<16xi32>
    %add3A_663 = arith.addi %iota3A, %add3A_662 : vector<16xi32>
    %min3A_664 = arith.constant 63 : i32
    %min3A_665 = vector.broadcast %min3A_664 : i32 to vector<16xi32>
    %min3A_666 = arith.minsi %add3A_663, %min3A_665 : vector<16xi32>
    %gather3A_667 = tpu.vector_load_idx %arg11[%min3A_666] : memref<64xi32, #tpu.memory_space<vmem>>[vector<16xi32>], vector<16xi32>,
    %and3A_668 = arith.andi %lt3A_660, %eq3A_31 : vector<16xi1>
    tpu.vector_store_idx %arg20[%gather3A_667], %add3A_654 masked %and3A_668 {add = true} : memref<10000xf32, #tpu.memory_space<vmem>>[vector<16xi32>], vector<16xf32>, vector<16xi1>
    tpu.vector_store_idx %arg21[%gather3A_667], %broadcast_in_dim3A_28 masked %and3A_668 {add = true} : memref<10000xf32, #tpu.memory_space<vmem>>[vector<16xi32>], vector<16xf32>, vector<16xi1>
    %and3A_669 = arith.andi %lt3A_660, %eq3A_34 : vector<16xi1>
    tpu.vector_store_idx %arg20[%gather3A_667], %add3A_654 masked %and3A_669 {add = true} : memref<10000xf32, #tpu.memory_space<vmem>>[vector<16xi32>], vector<16xf32>, vector<16xi1>
    tpu.vector_store_idx %arg21[%gather3A_667], %broadcast_in_dim3A_28 masked %and3A_669 {add = true} : memref<10000xf32, #tpu.memory_space<vmem>>[vector<16xi32>], vector<16xf32>, vector<16xi1>
    %and3A_670 = arith.andi %lt3A_660, %eq3A_37 : vector<16xi1>
    tpu.vector_store_idx %arg20[%gather3A_667], %add3A_654 masked %and3A_670 {add = true} : memref<10000xf32, #tpu.memory_space<vmem>>[vector<16xi32>], vector<16xf32>, vector<16xi1>
    tpu.vector_store_idx %arg21[%gather3A_667], %broadcast_in_dim3A_28 masked %and3A_670 {add = true} : memref<10000xf32, #tpu.memory_space<vmem>>[vector<16xi32>], vector<16xf32>, vector<16xi1>
    %and3A_671 = arith.andi %lt3A_660, %eq3A_40 : vector<16xi1>
    tpu.vector_store_idx %arg20[%gather3A_667], %add3A_654 masked %and3A_671 {add = true} : memref<10000xf32, #tpu.memory_space<vmem>>[vector<16xi32>], vector<16xf32>, vector<16xi1>
    tpu.vector_store_idx %arg21[%gather3A_667], %broadcast_in_dim3A_28 masked %and3A_671 {add = true} : memref<10000xf32, #tpu.memory_space<vmem>>[vector<16xi32>], vector<16xf32>, vector<16xi1>
    %and3A_672 = arith.andi %lt3A_660, %eq3A_43 : vector<16xi1>
    tpu.vector_store_idx %arg20[%gather3A_667], %add3A_654 masked %and3A_672 {add = true} : memref<10000xf32, #tpu.memory_space<vmem>>[vector<16xi32>], vector<16xf32>, vector<16xi1>
    tpu.vector_store_idx %arg21[%gather3A_667], %broadcast_in_dim3A_28 masked %and3A_672 {add = true} : memref<10000xf32, #tpu.memory_space<vmem>>[vector<16xi32>], vector<16xf32>, vector<16xi1>
    %and3A_673 = arith.andi %lt3A_660, %eq3A_46 : vector<16xi1>
    tpu.vector_store_idx %arg20[%gather3A_667], %add3A_654 masked %and3A_673 {add = true} : memref<10000xf32, #tpu.memory_space<vmem>>[vector<16xi32>], vector<16xf32>, vector<16xi1>
    tpu.vector_store_idx %arg21[%gather3A_667], %broadcast_in_dim3A_28 masked %and3A_673 {add = true} : memref<10000xf32, #tpu.memory_space<vmem>>[vector<16xi32>], vector<16xf32>, vector<16xi1>
    %and3A_674 = arith.andi %lt3A_660, %eq3A_49 : vector<16xi1>
    tpu.vector_store_idx %arg20[%gather3A_667], %add3A_654 masked %and3A_674 {add = true} : memref<10000xf32, #tpu.memory_space<vmem>>[vector<16xi32>], vector<16xf32>, vector<16xi1>
    tpu.vector_store_idx %arg21[%gather3A_667], %broadcast_in_dim3A_28 masked %and3A_674 {add = true} : memref<10000xf32, #tpu.memory_space<vmem>>[vector<16xi32>], vector<16xf32>, vector<16xi1>
    %and3A_675 = arith.andi %lt3A_660, %eq3A_52 : vector<16xi1>
    tpu.vector_store_idx %arg20[%gather3A_667], %add3A_654 masked %and3A_675 {add = true} : memref<10000xf32, #tpu.memory_space<vmem>>[vector<16xi32>], vector<16xf32>, vector<16xi1>
    tpu.vector_store_idx %arg21[%gather3A_667], %broadcast_in_dim3A_28 masked %and3A_675 {add = true} : memref<10000xf32, #tpu.memory_space<vmem>>[vector<16xi32>], vector<16xf32>, vector<16xi1>
    %and3A_676 = arith.andi %lt3A_660, %eq3A_55 : vector<16xi1>
    tpu.vector_store_idx %arg20[%gather3A_667], %add3A_654 masked %and3A_676 {add = true} : memref<10000xf32, #tpu.memory_space<vmem>>[vector<16xi32>], vector<16xf32>, vector<16xi1>
    tpu.vector_store_idx %arg21[%gather3A_667], %broadcast_in_dim3A_28 masked %and3A_676 {add = true} : memref<10000xf32, #tpu.memory_space<vmem>>[vector<16xi32>], vector<16xf32>, vector<16xi1>
    %and3A_677 = arith.andi %lt3A_660, %eq3A_58 : vector<16xi1>
    tpu.vector_store_idx %arg20[%gather3A_667], %add3A_654 masked %and3A_677 {add = true} : memref<10000xf32, #tpu.memory_space<vmem>>[vector<16xi32>], vector<16xf32>, vector<16xi1>
    tpu.vector_store_idx %arg21[%gather3A_667], %broadcast_in_dim3A_28 masked %and3A_677 {add = true} : memref<10000xf32, #tpu.memory_space<vmem>>[vector<16xi32>], vector<16xf32>, vector<16xi1>
    %and3A_678 = arith.andi %lt3A_660, %eq3A_61 : vector<16xi1>
    tpu.vector_store_idx %arg20[%gather3A_667], %add3A_654 masked %and3A_678 {add = true} : memref<10000xf32, #tpu.memory_space<vmem>>[vector<16xi32>], vector<16xf32>, vector<16xi1>
    tpu.vector_store_idx %arg21[%gather3A_667], %broadcast_in_dim3A_28 masked %and3A_678 {add = true} : memref<10000xf32, #tpu.memory_space<vmem>>[vector<16xi32>], vector<16xf32>, vector<16xi1>
    %and3A_679 = arith.andi %lt3A_660, %eq3A_64 : vector<16xi1>
    tpu.vector_store_idx %arg20[%gather3A_667], %add3A_654 masked %and3A_679 {add = true} : memref<10000xf32, #tpu.memory_space<vmem>>[vector<16xi32>], vector<16xf32>, vector<16xi1>
    tpu.vector_store_idx %arg21[%gather3A_667], %broadcast_in_dim3A_28 masked %and3A_679 {add = true} : memref<10000xf32, #tpu.memory_space<vmem>>[vector<16xi32>], vector<16xf32>, vector<16xi1>
    %and3A_680 = arith.andi %lt3A_660, %eq3A_67 : vector<16xi1>
    tpu.vector_store_idx %arg20[%gather3A_667], %add3A_654 masked %and3A_680 {add = true} : memref<10000xf32, #tpu.memory_space<vmem>>[vector<16xi32>], vector<16xf32>, vector<16xi1>
    tpu.vector_store_idx %arg21[%gather3A_667], %broadcast_in_dim3A_28 masked %and3A_680 {add = true} : memref<10000xf32, #tpu.memory_space<vmem>>[vector<16xi32>], vector<16xf32>, vector<16xi1>
    %and3A_681 = arith.andi %lt3A_660, %eq3A_70 : vector<16xi1>
    tpu.vector_store_idx %arg20[%gather3A_667], %add3A_654 masked %and3A_681 {add = true} : memref<10000xf32, #tpu.memory_space<vmem>>[vector<16xi32>], vector<16xf32>, vector<16xi1>
    tpu.vector_store_idx %arg21[%gather3A_667], %broadcast_in_dim3A_28 masked %and3A_681 {add = true} : memref<10000xf32, #tpu.memory_space<vmem>>[vector<16xi32>], vector<16xf32>, vector<16xi1>
    %and3A_682 = arith.andi %lt3A_660, %eq3A_73 : vector<16xi1>
    tpu.vector_store_idx %arg20[%gather3A_667], %add3A_654 masked %and3A_682 {add = true} : memref<10000xf32, #tpu.memory_space<vmem>>[vector<16xi32>], vector<16xf32>, vector<16xi1>
    tpu.vector_store_idx %arg21[%gather3A_667], %broadcast_in_dim3A_28 masked %and3A_682 {add = true} : memref<10000xf32, #tpu.memory_space<vmem>>[vector<16xi32>], vector<16xf32>, vector<16xi1>
    %and3A_683 = arith.andi %lt3A_660, %eq3A_76 : vector<16xi1>
    tpu.vector_store_idx %arg20[%gather3A_667], %add3A_654 masked %and3A_683 {add = true} : memref<10000xf32, #tpu.memory_space<vmem>>[vector<16xi32>], vector<16xf32>, vector<16xi1>
    tpu.vector_store_idx %arg21[%gather3A_667], %broadcast_in_dim3A_28 masked %and3A_683 {add = true} : memref<10000xf32, #tpu.memory_space<vmem>>[vector<16xi32>], vector<16xf32>, vector<16xi1>
    %get3A_684 = arith.constant 48 : index
    %get3A_685 = tpu.vector_load %arg14[%get3A_684] {strides = array<i32>} : memref<64xf32, #tpu.memory_space<vmem>>, vector<16xf32>,
    %mul3A_686 = vector.broadcast %reduce_sum3A_6 : f32 to vector<16xf32>
    %mul3A_687 = arith.mulf %get3A_685, %mul3A_686 : vector<16xf32>
    %get3A_688 = arith.constant 48 : index
    %get3A_689 = tpu.vector_load %arg17[%get3A_688] {strides = array<i32>} : memref<64xf32, #tpu.memory_space<vmem>>, vector<16xf32>,
    %mul3A_690 = vector.broadcast %reduce_sum3A_16 : f32 to vector<16xf32>
    %mul3A_691 = arith.mulf %get3A_689, %mul3A_690 : vector<16xf32>
    %add3A_692 = arith.addf %mul3A_687, %mul3A_691 : vector<16xf32>
    %add3A_693 = arith.constant 48 : i32
    %add3A_694 = vector.broadcast %add3A_693 : i32 to vector<16xi32>
    %add3A_695 = arith.addi %iota3A, %add3A_694 : vector<16xi32>
    %lt3A_696 = arith.constant 63 : i32
    %lt3A_697 = vector.broadcast %lt3A_696 : i32 to vector<16xi32>
    %lt3A_698 = arith.cmpi slt, %add3A_695, %lt3A_697 : vector<16xi32>
    %add3A_699 = arith.constant 49 : i32
    %add3A_700 = vector.broadcast %add3A_699 : i32 to vector<16xi32>
    %add3A_701 = arith.addi %iota3A, %add3A_700 : vector<16xi32>
    %min3A_702 = arith.constant 63 : i32
    %min3A_703 = vector.broadcast %min3A_702 : i32 to vector<16xi32>
    %min3A_704 = arith.minsi %add3A_701, %min3A_703 : vector<16xi32>
    %gather3A_705 = tpu.vector_load_idx %arg11[%min3A_704] : memref<64xi32, #tpu.memory_space<vmem>>[vector<16xi32>], vector<16xi32>,
    %and3A_706 = arith.andi %lt3A_698, %eq3A_31 : vector<16xi1>
    tpu.vector_store_idx %arg20[%gather3A_705], %add3A_692 masked %and3A_706 {add = true} : memref<10000xf32, #tpu.memory_space<vmem>>[vector<16xi32>], vector<16xf32>, vector<16xi1>
    tpu.vector_store_idx %arg21[%gather3A_705], %broadcast_in_dim3A_28 masked %and3A_706 {add = true} : memref<10000xf32, #tpu.memory_space<vmem>>[vector<16xi32>], vector<16xf32>, vector<16xi1>
    %and3A_707 = arith.andi %lt3A_698, %eq3A_34 : vector<16xi1>
    tpu.vector_store_idx %arg20[%gather3A_705], %add3A_692 masked %and3A_707 {add = true} : memref<10000xf32, #tpu.memory_space<vmem>>[vector<16xi32>], vector<16xf32>, vector<16xi1>
    tpu.vector_store_idx %arg21[%gather3A_705], %broadcast_in_dim3A_28 masked %and3A_707 {add = true} : memref<10000xf32, #tpu.memory_space<vmem>>[vector<16xi32>], vector<16xf32>, vector<16xi1>
    %and3A_708 = arith.andi %lt3A_698, %eq3A_37 : vector<16xi1>
    tpu.vector_store_idx %arg20[%gather3A_705], %add3A_692 masked %and3A_708 {add = true} : memref<10000xf32, #tpu.memory_space<vmem>>[vector<16xi32>], vector<16xf32>, vector<16xi1>
    tpu.vector_store_idx %arg21[%gather3A_705], %broadcast_in_dim3A_28 masked %and3A_708 {add = true} : memref<10000xf32, #tpu.memory_space<vmem>>[vector<16xi32>], vector<16xf32>, vector<16xi1>
    %and3A_709 = arith.andi %lt3A_698, %eq3A_40 : vector<16xi1>
    tpu.vector_store_idx %arg20[%gather3A_705], %add3A_692 masked %and3A_709 {add = true} : memref<10000xf32, #tpu.memory_space<vmem>>[vector<16xi32>], vector<16xf32>, vector<16xi1>
    tpu.vector_store_idx %arg21[%gather3A_705], %broadcast_in_dim3A_28 masked %and3A_709 {add = true} : memref<10000xf32, #tpu.memory_space<vmem>>[vector<16xi32>], vector<16xf32>, vector<16xi1>
    %and3A_710 = arith.andi %lt3A_698, %eq3A_43 : vector<16xi1>
    tpu.vector_store_idx %arg20[%gather3A_705], %add3A_692 masked %and3A_710 {add = true} : memref<10000xf32, #tpu.memory_space<vmem>>[vector<16xi32>], vector<16xf32>, vector<16xi1>
    tpu.vector_store_idx %arg21[%gather3A_705], %broadcast_in_dim3A_28 masked %and3A_710 {add = true} : memref<10000xf32, #tpu.memory_space<vmem>>[vector<16xi32>], vector<16xf32>, vector<16xi1>
    %and3A_711 = arith.andi %lt3A_698, %eq3A_46 : vector<16xi1>
    tpu.vector_store_idx %arg20[%gather3A_705], %add3A_692 masked %and3A_711 {add = true} : memref<10000xf32, #tpu.memory_space<vmem>>[vector<16xi32>], vector<16xf32>, vector<16xi1>
    tpu.vector_store_idx %arg21[%gather3A_705], %broadcast_in_dim3A_28 masked %and3A_711 {add = true} : memref<10000xf32, #tpu.memory_space<vmem>>[vector<16xi32>], vector<16xf32>, vector<16xi1>
    %and3A_712 = arith.andi %lt3A_698, %eq3A_49 : vector<16xi1>
    tpu.vector_store_idx %arg20[%gather3A_705], %add3A_692 masked %and3A_712 {add = true} : memref<10000xf32, #tpu.memory_space<vmem>>[vector<16xi32>], vector<16xf32>, vector<16xi1>
    tpu.vector_store_idx %arg21[%gather3A_705], %broadcast_in_dim3A_28 masked %and3A_712 {add = true} : memref<10000xf32, #tpu.memory_space<vmem>>[vector<16xi32>], vector<16xf32>, vector<16xi1>
    %and3A_713 = arith.andi %lt3A_698, %eq3A_52 : vector<16xi1>
    tpu.vector_store_idx %arg20[%gather3A_705], %add3A_692 masked %and3A_713 {add = true} : memref<10000xf32, #tpu.memory_space<vmem>>[vector<16xi32>], vector<16xf32>, vector<16xi1>
    tpu.vector_store_idx %arg21[%gather3A_705], %broadcast_in_dim3A_28 masked %and3A_713 {add = true} : memref<10000xf32, #tpu.memory_space<vmem>>[vector<16xi32>], vector<16xf32>, vector<16xi1>
    %and3A_714 = arith.andi %lt3A_698, %eq3A_55 : vector<16xi1>
    tpu.vector_store_idx %arg20[%gather3A_705], %add3A_692 masked %and3A_714 {add = true} : memref<10000xf32, #tpu.memory_space<vmem>>[vector<16xi32>], vector<16xf32>, vector<16xi1>
    tpu.vector_store_idx %arg21[%gather3A_705], %broadcast_in_dim3A_28 masked %and3A_714 {add = true} : memref<10000xf32, #tpu.memory_space<vmem>>[vector<16xi32>], vector<16xf32>, vector<16xi1>
    %and3A_715 = arith.andi %lt3A_698, %eq3A_58 : vector<16xi1>
    tpu.vector_store_idx %arg20[%gather3A_705], %add3A_692 masked %and3A_715 {add = true} : memref<10000xf32, #tpu.memory_space<vmem>>[vector<16xi32>], vector<16xf32>, vector<16xi1>
    tpu.vector_store_idx %arg21[%gather3A_705], %broadcast_in_dim3A_28 masked %and3A_715 {add = true} : memref<10000xf32, #tpu.memory_space<vmem>>[vector<16xi32>], vector<16xf32>, vector<16xi1>
    %and3A_716 = arith.andi %lt3A_698, %eq3A_61 : vector<16xi1>
    tpu.vector_store_idx %arg20[%gather3A_705], %add3A_692 masked %and3A_716 {add = true} : memref<10000xf32, #tpu.memory_space<vmem>>[vector<16xi32>], vector<16xf32>, vector<16xi1>
    tpu.vector_store_idx %arg21[%gather3A_705], %broadcast_in_dim3A_28 masked %and3A_716 {add = true} : memref<10000xf32, #tpu.memory_space<vmem>>[vector<16xi32>], vector<16xf32>, vector<16xi1>
    %and3A_717 = arith.andi %lt3A_698, %eq3A_64 : vector<16xi1>
    tpu.vector_store_idx %arg20[%gather3A_705], %add3A_692 masked %and3A_717 {add = true} : memref<10000xf32, #tpu.memory_space<vmem>>[vector<16xi32>], vector<16xf32>, vector<16xi1>
    tpu.vector_store_idx %arg21[%gather3A_705], %broadcast_in_dim3A_28 masked %and3A_717 {add = true} : memref<10000xf32, #tpu.memory_space<vmem>>[vector<16xi32>], vector<16xf32>, vector<16xi1>
    %and3A_718 = arith.andi %lt3A_698, %eq3A_67 : vector<16xi1>
    tpu.vector_store_idx %arg20[%gather3A_705], %add3A_692 masked %and3A_718 {add = true} : memref<10000xf32, #tpu.memory_space<vmem>>[vector<16xi32>], vector<16xf32>, vector<16xi1>
    tpu.vector_store_idx %arg21[%gather3A_705], %broadcast_in_dim3A_28 masked %and3A_718 {add = true} : memref<10000xf32, #tpu.memory_space<vmem>>[vector<16xi32>], vector<16xf32>, vector<16xi1>
    %and3A_719 = arith.andi %lt3A_698, %eq3A_70 : vector<16xi1>
    tpu.vector_store_idx %arg20[%gather3A_705], %add3A_692 masked %and3A_719 {add = true} : memref<10000xf32, #tpu.memory_space<vmem>>[vector<16xi32>], vector<16xf32>, vector<16xi1>
    tpu.vector_store_idx %arg21[%gather3A_705], %broadcast_in_dim3A_28 masked %and3A_719 {add = true} : memref<10000xf32, #tpu.memory_space<vmem>>[vector<16xi32>], vector<16xf32>, vector<16xi1>
    %and3A_720 = arith.andi %lt3A_698, %eq3A_73 : vector<16xi1>
    tpu.vector_store_idx %arg20[%gather3A_705], %add3A_692 masked %and3A_720 {add = true} : memref<10000xf32, #tpu.memory_space<vmem>>[vector<16xi32>], vector<16xf32>, vector<16xi1>
    tpu.vector_store_idx %arg21[%gather3A_705], %broadcast_in_dim3A_28 masked %and3A_720 {add = true} : memref<10000xf32, #tpu.memory_space<vmem>>[vector<16xi32>], vector<16xf32>, vector<16xi1>
    %and3A_721 = arith.andi %lt3A_698, %eq3A_76 : vector<16xi1>
    tpu.vector_store_idx %arg20[%gather3A_705], %add3A_692 masked %and3A_721 {add = true} : memref<10000xf32, #tpu.memory_space<vmem>>[vector<16xi32>], vector<16xf32>, vector<16xi1>
    tpu.vector_store_idx %arg21[%gather3A_705], %broadcast_in_dim3A_28 masked %and3A_721 {add = true} : memref<10000xf32, #tpu.memory_space<vmem>>[vector<16xi32>], vector<16xf32>, vector<16xi1>
    %scan3A_722 = arith.constant 0 : i32
    %scan3A_723 = arith.constant 125 : i32
    %scan3A_724 = arith.addi %scan3A_722, %scan3A_723 : i32
    %scan3A_725 = arith.constant 1 : i32
    scf.for %scan3A_733 = %scan3A_722 to %scan3A_724 step %scan3A_725  : i32 {
      %mul3A_734 = arith.constant 80 : i32
      %mul3A_735 = arith.muli %scan3A_733, %mul3A_734 : i32
      %add3A_736 = arith.constant 0 : i32
      %add3A_737 = arith.addi %add3A_736, %mul3A_735 : i32
      %add3A_738 = arith.constant 0 : i32
      %add3A_739 = arith.addi %add3A_737, %add3A_738 : i32
      %get3A_740 = arith.index_cast %add3A_739 : i32 to index
      %get3A_741 = tpu.vector_load %arg21[%get3A_740] {strides = array<i32>} : memref<10000xf32, #tpu.memory_space<vmem>>, vector<16xf32>,
      %get3A_742 = arith.index_cast %add3A_739 : i32 to index
      %get3A_743 = tpu.vector_load %arg20[%get3A_742] {strides = array<i32>} : memref<10000xf32, #tpu.memory_space<vmem>>, vector<16xf32>,
      %max3A_744 = arith.constant 1.000000e+00 : f32
      %max3A_745 = vector.broadcast %max3A_744 : f32 to vector<16xf32>
      %max3A_746 = arith.maximumf %get3A_741, %max3A_745 : vector<16xf32>
      %div3A = arith.divf %get3A_743, %max3A_746 : vector<16xf32>
      %ge3A = arith.constant 5.000000e-01 : f32
      %ge3A_747 = vector.broadcast %ge3A : f32 to vector<16xf32>
      %ge3A_748 = arith.cmpf oge, %get3A_741, %ge3A_747 : vector<16xf32>
      %jit3A_749 = arith.constant 0.000000e+00 : f32
      %broadcast_in_dim3A_750 = vector.broadcast %reduce_sum3A_558 : f32 to vector<16xf32>
      %broadcast_in_dim3A_751 = vector.broadcast %jit3A_749 : f32 to vector<16xf32>
      %select_n3A_752 = arith.select %ge3A_748, %broadcast_in_dim3A_750, %broadcast_in_dim3A_751 : vector<16xi1>, vector<16xf32>
      %add3A_753 = arith.addf %div3A, %select_n3A_752 : vector<16xf32>
      %add3A_754 = vector.broadcast %add3A_569 : f32 to vector<16xf32>
      %add3A_755 = arith.addf %add3A_753, %add3A_754 : vector<16xf32>
      %swap3A_756 = arith.index_cast %add3A_739 : i32 to index
      %swap3A_757 = tpu.vector_load %arg20[%swap3A_756] {strides = array<i32>} : memref<10000xf32, #tpu.memory_space<vmem>>, vector<16xf32>,
      tpu.vector_store %arg20[%swap3A_756], %add3A_755 {strides = array<i32>} : memref<10000xf32, #tpu.memory_space<vmem>>, vector<16xf32>,
      %add3A_758 = arith.constant 16 : i32
      %add3A_759 = arith.addi %add3A_737, %add3A_758 : i32
      %get3A_760 = arith.index_cast %add3A_759 : i32 to index
      %get3A_761 = tpu.vector_load %arg21[%get3A_760] {strides = array<i32>} : memref<10000xf32, #tpu.memory_space<vmem>>, vector<16xf32>,
      %get3A_762 = arith.index_cast %add3A_759 : i32 to index
      %get3A_763 = tpu.vector_load %arg20[%get3A_762] {strides = array<i32>} : memref<10000xf32, #tpu.memory_space<vmem>>, vector<16xf32>,
      %max3A_764 = arith.constant 1.000000e+00 : f32
      %max3A_765 = vector.broadcast %max3A_764 : f32 to vector<16xf32>
      %max3A_766 = arith.maximumf %get3A_761, %max3A_765 : vector<16xf32>
      %div3A_767 = arith.divf %get3A_763, %max3A_766 : vector<16xf32>
      %ge3A_768 = arith.constant 5.000000e-01 : f32
      %ge3A_769 = vector.broadcast %ge3A_768 : f32 to vector<16xf32>
      %ge3A_770 = arith.cmpf oge, %get3A_761, %ge3A_769 : vector<16xf32>
      %jit3A_771 = arith.constant 0.000000e+00 : f32
      %broadcast_in_dim3A_772 = vector.broadcast %reduce_sum3A_558 : f32 to vector<16xf32>
      %broadcast_in_dim3A_773 = vector.broadcast %jit3A_771 : f32 to vector<16xf32>
      %select_n3A_774 = arith.select %ge3A_770, %broadcast_in_dim3A_772, %broadcast_in_dim3A_773 : vector<16xi1>, vector<16xf32>
      %add3A_775 = arith.addf %div3A_767, %select_n3A_774 : vector<16xf32>
      %add3A_776 = vector.broadcast %add3A_569 : f32 to vector<16xf32>
      %add3A_777 = arith.addf %add3A_775, %add3A_776 : vector<16xf32>
      %swap3A_778 = arith.index_cast %add3A_759 : i32 to index
      %swap3A_779 = tpu.vector_load %arg20[%swap3A_778] {strides = array<i32>} : memref<10000xf32, #tpu.memory_space<vmem>>, vector<16xf32>,
      tpu.vector_store %arg20[%swap3A_778], %add3A_777 {strides = array<i32>} : memref<10000xf32, #tpu.memory_space<vmem>>, vector<16xf32>,
      %add3A_780 = arith.constant 32 : i32
      %add3A_781 = arith.addi %add3A_737, %add3A_780 : i32
      %get3A_782 = arith.index_cast %add3A_781 : i32 to index
      %get3A_783 = tpu.vector_load %arg21[%get3A_782] {strides = array<i32>} : memref<10000xf32, #tpu.memory_space<vmem>>, vector<16xf32>,
      %get3A_784 = arith.index_cast %add3A_781 : i32 to index
      %get3A_785 = tpu.vector_load %arg20[%get3A_784] {strides = array<i32>} : memref<10000xf32, #tpu.memory_space<vmem>>, vector<16xf32>,
      %max3A_786 = arith.constant 1.000000e+00 : f32
      %max3A_787 = vector.broadcast %max3A_786 : f32 to vector<16xf32>
      %max3A_788 = arith.maximumf %get3A_783, %max3A_787 : vector<16xf32>
      %div3A_789 = arith.divf %get3A_785, %max3A_788 : vector<16xf32>
      %ge3A_790 = arith.constant 5.000000e-01 : f32
      %ge3A_791 = vector.broadcast %ge3A_790 : f32 to vector<16xf32>
      %ge3A_792 = arith.cmpf oge, %get3A_783, %ge3A_791 : vector<16xf32>
      %jit3A_793 = arith.constant 0.000000e+00 : f32
      %broadcast_in_dim3A_794 = vector.broadcast %reduce_sum3A_558 : f32 to vector<16xf32>
      %broadcast_in_dim3A_795 = vector.broadcast %jit3A_793 : f32 to vector<16xf32>
      %select_n3A_796 = arith.select %ge3A_792, %broadcast_in_dim3A_794, %broadcast_in_dim3A_795 : vector<16xi1>, vector<16xf32>
      %add3A_797 = arith.addf %div3A_789, %select_n3A_796 : vector<16xf32>
      %add3A_798 = vector.broadcast %add3A_569 : f32 to vector<16xf32>
      %add3A_799 = arith.addf %add3A_797, %add3A_798 : vector<16xf32>
      %swap3A_800 = arith.index_cast %add3A_781 : i32 to index
      %swap3A_801 = tpu.vector_load %arg20[%swap3A_800] {strides = array<i32>} : memref<10000xf32, #tpu.memory_space<vmem>>, vector<16xf32>,
      tpu.vector_store %arg20[%swap3A_800], %add3A_799 {strides = array<i32>} : memref<10000xf32, #tpu.memory_space<vmem>>, vector<16xf32>,
      %add3A_802 = arith.constant 48 : i32
      %add3A_803 = arith.addi %add3A_737, %add3A_802 : i32
      %get3A_804 = arith.index_cast %add3A_803 : i32 to index
      %get3A_805 = tpu.vector_load %arg21[%get3A_804] {strides = array<i32>} : memref<10000xf32, #tpu.memory_space<vmem>>, vector<16xf32>,
      %get3A_806 = arith.index_cast %add3A_803 : i32 to index
      %get3A_807 = tpu.vector_load %arg20[%get3A_806] {strides = array<i32>} : memref<10000xf32, #tpu.memory_space<vmem>>, vector<16xf32>,
      %max3A_808 = arith.constant 1.000000e+00 : f32
      %max3A_809 = vector.broadcast %max3A_808 : f32 to vector<16xf32>
      %max3A_810 = arith.maximumf %get3A_805, %max3A_809 : vector<16xf32>
      %div3A_811 = arith.divf %get3A_807, %max3A_810 : vector<16xf32>
      %ge3A_812 = arith.constant 5.000000e-01 : f32
      %ge3A_813 = vector.broadcast %ge3A_812 : f32 to vector<16xf32>
      %ge3A_814 = arith.cmpf oge, %get3A_805, %ge3A_813 : vector<16xf32>
      %jit3A_815 = arith.constant 0.000000e+00 : f32
      %broadcast_in_dim3A_816 = vector.broadcast %reduce_sum3A_558 : f32 to vector<16xf32>
      %broadcast_in_dim3A_817 = vector.broadcast %jit3A_815 : f32 to vector<16xf32>
      %select_n3A_818 = arith.select %ge3A_814, %broadcast_in_dim3A_816, %broadcast_in_dim3A_817 : vector<16xi1>, vector<16xf32>
      %add3A_819 = arith.addf %div3A_811, %select_n3A_818 : vector<16xf32>
      %add3A_820 = vector.broadcast %add3A_569 : f32 to vector<16xf32>
      %add3A_821 = arith.addf %add3A_819, %add3A_820 : vector<16xf32>
      %swap3A_822 = arith.index_cast %add3A_803 : i32 to index
      %swap3A_823 = tpu.vector_load %arg20[%swap3A_822] {strides = array<i32>} : memref<10000xf32, #tpu.memory_space<vmem>>, vector<16xf32>,
      tpu.vector_store %arg20[%swap3A_822], %add3A_821 {strides = array<i32>} : memref<10000xf32, #tpu.memory_space<vmem>>, vector<16xf32>,
      %add3A_824 = arith.constant 64 : i32
      %add3A_825 = arith.addi %add3A_737, %add3A_824 : i32
      %get3A_826 = arith.index_cast %add3A_825 : i32 to index
      %get3A_827 = tpu.vector_load %arg21[%get3A_826] {strides = array<i32>} : memref<10000xf32, #tpu.memory_space<vmem>>, vector<16xf32>,
      %get3A_828 = arith.index_cast %add3A_825 : i32 to index
      %get3A_829 = tpu.vector_load %arg20[%get3A_828] {strides = array<i32>} : memref<10000xf32, #tpu.memory_space<vmem>>, vector<16xf32>,
      %max3A_830 = arith.constant 1.000000e+00 : f32
      %max3A_831 = vector.broadcast %max3A_830 : f32 to vector<16xf32>
      %max3A_832 = arith.maximumf %get3A_827, %max3A_831 : vector<16xf32>
      %div3A_833 = arith.divf %get3A_829, %max3A_832 : vector<16xf32>
      %ge3A_834 = arith.constant 5.000000e-01 : f32
      %ge3A_835 = vector.broadcast %ge3A_834 : f32 to vector<16xf32>
      %ge3A_836 = arith.cmpf oge, %get3A_827, %ge3A_835 : vector<16xf32>
      %jit3A_837 = arith.constant 0.000000e+00 : f32
      %broadcast_in_dim3A_838 = vector.broadcast %reduce_sum3A_558 : f32 to vector<16xf32>
      %broadcast_in_dim3A_839 = vector.broadcast %jit3A_837 : f32 to vector<16xf32>
      %select_n3A_840 = arith.select %ge3A_836, %broadcast_in_dim3A_838, %broadcast_in_dim3A_839 : vector<16xi1>, vector<16xf32>
      %add3A_841 = arith.addf %div3A_833, %select_n3A_840 : vector<16xf32>
      %add3A_842 = vector.broadcast %add3A_569 : f32 to vector<16xf32>
      %add3A_843 = arith.addf %add3A_841, %add3A_842 : vector<16xf32>
      %swap3A_844 = arith.index_cast %add3A_825 : i32 to index
      %swap3A_845 = tpu.vector_load %arg20[%swap3A_844] {strides = array<i32>} : memref<10000xf32, #tpu.memory_space<vmem>>, vector<16xf32>,
      tpu.vector_store %arg20[%swap3A_844], %add3A_843 {strides = array<i32>} : memref<10000xf32, #tpu.memory_space<vmem>>, vector<16xf32>,
    }
    %scan3A_726 = arith.constant 125 : i32
    %dma_start3A_727 = tpu.memref_slice %arg10[%mul3A_413] : memref<655360xf32, #tpu.memory_space<hbm>> -> memref<10000xf32, #tpu.memory_space<hbm>>
    %dma_start3A_728 = tpu.memref_slice %arg10[%mul3A_413] : memref<655360xf32, #tpu.memory_space<hbm>> -> memref<10000xf32, #tpu.memory_space<hbm>>
    tpu.enqueue_dma source(%arg20 : memref<10000xf32, #tpu.memory_space<vmem>>) target(%dma_start3A_728 : memref<10000xf32, #tpu.memory_space<hbm>>) target_semaphore(%arg27 : memref<!tpu.dma_semaphore, #tpu.memory_space<semaphore_mem>>)
    %dma_wait3A_729 = tpu.memref_slice %arg10[%mul3A_98] : memref<655360xf32, #tpu.memory_space<hbm>> -> memref<10000xf32, #tpu.memory_space<hbm>>
    %dma_wait3A_730 = tpu.memref_slice %arg10[%mul3A_98] : memref<655360xf32, #tpu.memory_space<hbm>> -> memref<10000xf32, #tpu.memory_space<hbm>>
    tpu.wait_dma2 semaphore(%arg27 : memref<!tpu.dma_semaphore, #tpu.memory_space<semaphore_mem>>) src(%arg18 : memref<10000xf32, #tpu.memory_space<vmem>>) dst(%dma_wait3A_730 : memref<10000xf32, #tpu.memory_space<hbm>>)
    %dma_wait3A_731 = tpu.memref_slice %arg10[%mul3A_413] : memref<655360xf32, #tpu.memory_space<hbm>> -> memref<10000xf32, #tpu.memory_space<hbm>>
    %dma_wait3A_732 = tpu.memref_slice %arg10[%mul3A_413] : memref<655360xf32, #tpu.memory_space<hbm>> -> memref<10000xf32, #tpu.memory_space<hbm>>
    tpu.wait_dma2 semaphore(%arg27 : memref<!tpu.dma_semaphore, #tpu.memory_space<semaphore_mem>>) src(%arg20 : memref<10000xf32, #tpu.memory_space<vmem>>) dst(%dma_wait3A_732 : memref<10000xf32, #tpu.memory_space<hbm>>)
    return
  }
}

module attributes {stable_mosaic.version = 14 : i64} {
  func.func @body(%arg0: i32, %arg1: memref<1xf32, #tpu.memory_space<smem>>, %arg2: memref<8x8x10000xf32, #tpu.memory_space<vmem>>, %arg3: memref<1x8xf32, #tpu.memory_space<vmem>>, %arg4: memref<12x10000xf32, #tpu.memory_space<vmem>>, %arg5: memref<1x50xf32, #tpu.memory_space<vmem>>, %arg6: memref<1x50xf32, #tpu.memory_space<vmem>>, %arg7: memref<81920xf32, #tpu.memory_space<vmem>>, %arg8: memref<20480xf32, #tpu.memory_space<vmem>>) attributes {dimension_semantics = [#tpu.dimension_semantics<arbitrary>], iteration_bounds = array<i64: 8>, scalar_prefetch = 0 : i64, scratch_operands = 0 : i64, tpu.core_type = #tpu.core_type<tc>, window_params = [{transform_indices = @transform_0, window_bounds = array<i64: 1>}, {transform_indices = @transform_1, window_bounds = array<i64: 8, 8, 10000>}, {pipeline_mode = #tpu.pipeline_mode<synchronous>, transform_indices = @transform_2, window_bounds = array<i64: 1, 8>}, {pipeline_mode = #tpu.pipeline_mode<synchronous>, transform_indices = @transform_3, window_bounds = array<i64: 12, 10000>}, {pipeline_mode = #tpu.pipeline_mode<synchronous>, transform_indices = @transform_4, window_bounds = array<i64: 1, 50>}, {pipeline_mode = #tpu.pipeline_mode<synchronous>, transform_indices = @transform_5, window_bounds = array<i64: 1, 50>}, {transform_indices = @transform_6, window_bounds = array<i64: 81920>}, {pipeline_mode = #tpu.pipeline_mode<synchronous>, transform_indices = @transform_7, window_bounds = array<i64: 20480>}]} {
    %get3A = arith.constant 0 : index
    %get3A_0 = arith.constant 0 : index
    %get3A_1 = vector.load %arg3[%get3A, %get3A_0] : memref<1x8xf32, #tpu.memory_space<vmem>>, vector<1x8xf32>
    %get3A_2 = vector.shape_cast %get3A_1 : vector<1x8xf32> to vector<8xf32>
    %get3A_3 = arith.constant 0 : index
    %get3A_4 = memref.load %arg1[%get3A_3] : memref<1xf32, #tpu.memory_space<smem>>
    %get3A_5 = arith.constant 0 : index
    %get3A_6 = arith.constant 0 : index
    %get3A_7 = arith.constant 0 : index
    %get3A_8 = vector.load %arg2[%get3A_5, %get3A_6, %get3A_7] : memref<8x8x10000xf32, #tpu.memory_space<vmem>>, vector<1x8x10000xf32>
    %get3A_9 = vector.shape_cast %get3A_8 : vector<1x8x10000xf32> to vector<8x10000xf32>
    %broadcast_in_dim3A = vector.shape_cast %get3A_2 : vector<8xf32> to vector<8x1xf32>
    %mul3A = vector.broadcast %broadcast_in_dim3A : vector<8x1xf32> to vector<8x10000xf32>
    %mul3A_10 = arith.mulf %get3A_9, %mul3A : vector<8x10000xf32>
    %reduce_sum3A = arith.constant dense<0.000000e+00> : vector<10000xf32>
    %reduce_sum3A_11 = vector.multi_reduction <add>, %mul3A_10, %reduce_sum3A [0] : vector<8x10000xf32> to vector<10000xf32>
    %add3A = vector.broadcast %get3A_4 : f32 to vector<10000xf32>
    %add3A_12 = arith.addf %reduce_sum3A_11, %add3A : vector<10000xf32>
    %swap3A = arith.constant 0 : index
    %swap3A_13 = vector.load %arg7[%swap3A] : memref<81920xf32, #tpu.memory_space<vmem>>, vector<10000xf32>
    tpu.vector_store %arg7[%swap3A], %add3A_12 {strides = array<i32>} : memref<81920xf32, #tpu.memory_space<vmem>>, vector<10000xf32>,
    %get3A_14 = arith.constant 1 : index
    %get3A_15 = arith.constant 0 : index
    %get3A_16 = arith.constant 0 : index
    %get3A_17 = vector.load %arg2[%get3A_14, %get3A_15, %get3A_16] : memref<8x8x10000xf32, #tpu.memory_space<vmem>>, vector<1x8x10000xf32>
    %get3A_18 = vector.shape_cast %get3A_17 : vector<1x8x10000xf32> to vector<8x10000xf32>
    %broadcast_in_dim3A_19 = vector.shape_cast %get3A_2 : vector<8xf32> to vector<8x1xf32>
    %mul3A_20 = vector.broadcast %broadcast_in_dim3A_19 : vector<8x1xf32> to vector<8x10000xf32>
    %mul3A_21 = arith.mulf %get3A_18, %mul3A_20 : vector<8x10000xf32>
    %reduce_sum3A_22 = arith.constant dense<0.000000e+00> : vector<10000xf32>
    %reduce_sum3A_23 = vector.multi_reduction <add>, %mul3A_21, %reduce_sum3A_22 [0] : vector<8x10000xf32> to vector<10000xf32>
    %add3A_24 = vector.broadcast %get3A_4 : f32 to vector<10000xf32>
    %add3A_25 = arith.addf %reduce_sum3A_23, %add3A_24 : vector<10000xf32>
    %swap3A_26 = arith.constant 10240 : index
    %swap3A_27 = vector.load %arg7[%swap3A_26] : memref<81920xf32, #tpu.memory_space<vmem>>, vector<10000xf32>
    tpu.vector_store %arg7[%swap3A_26], %add3A_25 {strides = array<i32>} : memref<81920xf32, #tpu.memory_space<vmem>>, vector<10000xf32>,
    %get3A_28 = arith.constant 2 : index
    %get3A_29 = arith.constant 0 : index
    %get3A_30 = arith.constant 0 : index
    %get3A_31 = vector.load %arg2[%get3A_28, %get3A_29, %get3A_30] : memref<8x8x10000xf32, #tpu.memory_space<vmem>>, vector<1x8x10000xf32>
    %get3A_32 = vector.shape_cast %get3A_31 : vector<1x8x10000xf32> to vector<8x10000xf32>
    %broadcast_in_dim3A_33 = vector.shape_cast %get3A_2 : vector<8xf32> to vector<8x1xf32>
    %mul3A_34 = vector.broadcast %broadcast_in_dim3A_33 : vector<8x1xf32> to vector<8x10000xf32>
    %mul3A_35 = arith.mulf %get3A_32, %mul3A_34 : vector<8x10000xf32>
    %reduce_sum3A_36 = arith.constant dense<0.000000e+00> : vector<10000xf32>
    %reduce_sum3A_37 = vector.multi_reduction <add>, %mul3A_35, %reduce_sum3A_36 [0] : vector<8x10000xf32> to vector<10000xf32>
    %add3A_38 = vector.broadcast %get3A_4 : f32 to vector<10000xf32>
    %add3A_39 = arith.addf %reduce_sum3A_37, %add3A_38 : vector<10000xf32>
    %swap3A_40 = arith.constant 20480 : index
    %swap3A_41 = vector.load %arg7[%swap3A_40] : memref<81920xf32, #tpu.memory_space<vmem>>, vector<10000xf32>
    tpu.vector_store %arg7[%swap3A_40], %add3A_39 {strides = array<i32>} : memref<81920xf32, #tpu.memory_space<vmem>>, vector<10000xf32>,
    %get3A_42 = arith.constant 3 : index
    %get3A_43 = arith.constant 0 : index
    %get3A_44 = arith.constant 0 : index
    %get3A_45 = vector.load %arg2[%get3A_42, %get3A_43, %get3A_44] : memref<8x8x10000xf32, #tpu.memory_space<vmem>>, vector<1x8x10000xf32>
    %get3A_46 = vector.shape_cast %get3A_45 : vector<1x8x10000xf32> to vector<8x10000xf32>
    %broadcast_in_dim3A_47 = vector.shape_cast %get3A_2 : vector<8xf32> to vector<8x1xf32>
    %mul3A_48 = vector.broadcast %broadcast_in_dim3A_47 : vector<8x1xf32> to vector<8x10000xf32>
    %mul3A_49 = arith.mulf %get3A_46, %mul3A_48 : vector<8x10000xf32>
    %reduce_sum3A_50 = arith.constant dense<0.000000e+00> : vector<10000xf32>
    %reduce_sum3A_51 = vector.multi_reduction <add>, %mul3A_49, %reduce_sum3A_50 [0] : vector<8x10000xf32> to vector<10000xf32>
    %add3A_52 = vector.broadcast %get3A_4 : f32 to vector<10000xf32>
    %add3A_53 = arith.addf %reduce_sum3A_51, %add3A_52 : vector<10000xf32>
    %swap3A_54 = arith.constant 30720 : index
    %swap3A_55 = vector.load %arg7[%swap3A_54] : memref<81920xf32, #tpu.memory_space<vmem>>, vector<10000xf32>
    tpu.vector_store %arg7[%swap3A_54], %add3A_53 {strides = array<i32>} : memref<81920xf32, #tpu.memory_space<vmem>>, vector<10000xf32>,
    %get3A_56 = arith.constant 4 : index
    %get3A_57 = arith.constant 0 : index
    %get3A_58 = arith.constant 0 : index
    %get3A_59 = vector.load %arg2[%get3A_56, %get3A_57, %get3A_58] : memref<8x8x10000xf32, #tpu.memory_space<vmem>>, vector<1x8x10000xf32>
    %get3A_60 = vector.shape_cast %get3A_59 : vector<1x8x10000xf32> to vector<8x10000xf32>
    %broadcast_in_dim3A_61 = vector.shape_cast %get3A_2 : vector<8xf32> to vector<8x1xf32>
    %mul3A_62 = vector.broadcast %broadcast_in_dim3A_61 : vector<8x1xf32> to vector<8x10000xf32>
    %mul3A_63 = arith.mulf %get3A_60, %mul3A_62 : vector<8x10000xf32>
    %reduce_sum3A_64 = arith.constant dense<0.000000e+00> : vector<10000xf32>
    %reduce_sum3A_65 = vector.multi_reduction <add>, %mul3A_63, %reduce_sum3A_64 [0] : vector<8x10000xf32> to vector<10000xf32>
    %add3A_66 = vector.broadcast %get3A_4 : f32 to vector<10000xf32>
    %add3A_67 = arith.addf %reduce_sum3A_65, %add3A_66 : vector<10000xf32>
    %swap3A_68 = arith.constant 40960 : index
    %swap3A_69 = vector.load %arg7[%swap3A_68] : memref<81920xf32, #tpu.memory_space<vmem>>, vector<10000xf32>
    tpu.vector_store %arg7[%swap3A_68], %add3A_67 {strides = array<i32>} : memref<81920xf32, #tpu.memory_space<vmem>>, vector<10000xf32>,
    %get3A_70 = arith.constant 5 : index
    %get3A_71 = arith.constant 0 : index
    %get3A_72 = arith.constant 0 : index
    %get3A_73 = vector.load %arg2[%get3A_70, %get3A_71, %get3A_72] : memref<8x8x10000xf32, #tpu.memory_space<vmem>>, vector<1x8x10000xf32>
    %get3A_74 = vector.shape_cast %get3A_73 : vector<1x8x10000xf32> to vector<8x10000xf32>
    %broadcast_in_dim3A_75 = vector.shape_cast %get3A_2 : vector<8xf32> to vector<8x1xf32>
    %mul3A_76 = vector.broadcast %broadcast_in_dim3A_75 : vector<8x1xf32> to vector<8x10000xf32>
    %mul3A_77 = arith.mulf %get3A_74, %mul3A_76 : vector<8x10000xf32>
    %reduce_sum3A_78 = arith.constant dense<0.000000e+00> : vector<10000xf32>
    %reduce_sum3A_79 = vector.multi_reduction <add>, %mul3A_77, %reduce_sum3A_78 [0] : vector<8x10000xf32> to vector<10000xf32>
    %add3A_80 = vector.broadcast %get3A_4 : f32 to vector<10000xf32>
    %add3A_81 = arith.addf %reduce_sum3A_79, %add3A_80 : vector<10000xf32>
    %swap3A_82 = arith.constant 51200 : index
    %swap3A_83 = vector.load %arg7[%swap3A_82] : memref<81920xf32, #tpu.memory_space<vmem>>, vector<10000xf32>
    tpu.vector_store %arg7[%swap3A_82], %add3A_81 {strides = array<i32>} : memref<81920xf32, #tpu.memory_space<vmem>>, vector<10000xf32>,
    %get3A_84 = arith.constant 6 : index
    %get3A_85 = arith.constant 0 : index
    %get3A_86 = arith.constant 0 : index
    %get3A_87 = vector.load %arg2[%get3A_84, %get3A_85, %get3A_86] : memref<8x8x10000xf32, #tpu.memory_space<vmem>>, vector<1x8x10000xf32>
    %get3A_88 = vector.shape_cast %get3A_87 : vector<1x8x10000xf32> to vector<8x10000xf32>
    %broadcast_in_dim3A_89 = vector.shape_cast %get3A_2 : vector<8xf32> to vector<8x1xf32>
    %mul3A_90 = vector.broadcast %broadcast_in_dim3A_89 : vector<8x1xf32> to vector<8x10000xf32>
    %mul3A_91 = arith.mulf %get3A_88, %mul3A_90 : vector<8x10000xf32>
    %reduce_sum3A_92 = arith.constant dense<0.000000e+00> : vector<10000xf32>
    %reduce_sum3A_93 = vector.multi_reduction <add>, %mul3A_91, %reduce_sum3A_92 [0] : vector<8x10000xf32> to vector<10000xf32>
    %add3A_94 = vector.broadcast %get3A_4 : f32 to vector<10000xf32>
    %add3A_95 = arith.addf %reduce_sum3A_93, %add3A_94 : vector<10000xf32>
    %swap3A_96 = arith.constant 61440 : index
    %swap3A_97 = vector.load %arg7[%swap3A_96] : memref<81920xf32, #tpu.memory_space<vmem>>, vector<10000xf32>
    tpu.vector_store %arg7[%swap3A_96], %add3A_95 {strides = array<i32>} : memref<81920xf32, #tpu.memory_space<vmem>>, vector<10000xf32>,
    %get3A_98 = arith.constant 7 : index
    %get3A_99 = arith.constant 0 : index
    %get3A_100 = arith.constant 0 : index
    %get3A_101 = vector.load %arg2[%get3A_98, %get3A_99, %get3A_100] : memref<8x8x10000xf32, #tpu.memory_space<vmem>>, vector<1x8x10000xf32>
    %get3A_102 = vector.shape_cast %get3A_101 : vector<1x8x10000xf32> to vector<8x10000xf32>
    %broadcast_in_dim3A_103 = vector.shape_cast %get3A_2 : vector<8xf32> to vector<8x1xf32>
    %mul3A_104 = vector.broadcast %broadcast_in_dim3A_103 : vector<8x1xf32> to vector<8x10000xf32>
    %mul3A_105 = arith.mulf %get3A_102, %mul3A_104 : vector<8x10000xf32>
    %reduce_sum3A_106 = arith.constant dense<0.000000e+00> : vector<10000xf32>
    %reduce_sum3A_107 = vector.multi_reduction <add>, %mul3A_105, %reduce_sum3A_106 [0] : vector<8x10000xf32> to vector<10000xf32>
    %add3A_108 = vector.broadcast %get3A_4 : f32 to vector<10000xf32>
    %add3A_109 = arith.addf %reduce_sum3A_107, %add3A_108 : vector<10000xf32>
    %swap3A_110 = arith.constant 71680 : index
    %swap3A_111 = vector.load %arg7[%swap3A_110] : memref<81920xf32, #tpu.memory_space<vmem>>, vector<10000xf32>
    tpu.vector_store %arg7[%swap3A_110], %add3A_109 {strides = array<i32>} : memref<81920xf32, #tpu.memory_space<vmem>>, vector<10000xf32>,
    %eq3A = arith.constant 0 : i32
    %eq3A_112 = arith.cmpi eq, %arg0, %eq3A : i32
    %convert_element_type3A = arith.extui %eq3A_112 : i1 to i32
    %cond3A = arith.constant 0 : i32
    %cond3A_113 = arith.cmpi ne, %convert_element_type3A, %cond3A : i32
    scf.if %cond3A_113 {
      %get3A_114 = arith.constant 0 : index
      %get3A_115 = arith.constant 0 : index
      %get3A_116 = vector.load %arg4[%get3A_114, %get3A_115] : memref<12x10000xf32, #tpu.memory_space<vmem>>, vector<12x10000xf32>
      %get3A_117 = arith.constant 0 : index
      %get3A_118 = arith.constant 36 : index
      %get3A_119 = vector.load %arg5[%get3A_117, %get3A_118] : memref<1x50xf32, #tpu.memory_space<vmem>>, vector<1x12xf32>
      %get3A_120 = vector.shape_cast %get3A_119 : vector<1x12xf32> to vector<12xf32>
      %broadcast_in_dim3A_121 = vector.shape_cast %get3A_120 : vector<12xf32> to vector<12x1xf32>
      %mul3A_122 = vector.broadcast %broadcast_in_dim3A_121 : vector<12x1xf32> to vector<12x10000xf32>
      %mul3A_123 = arith.mulf %get3A_116, %mul3A_122 : vector<12x10000xf32>
      %reduce_sum3A_124 = arith.constant dense<0.000000e+00> : vector<10000xf32>
      %reduce_sum3A_125 = vector.multi_reduction <add>, %mul3A_123, %reduce_sum3A_124 [0] : vector<12x10000xf32> to vector<10000xf32>
      %swap3A_126 = arith.constant 0 : index
      %swap3A_127 = vector.load %arg8[%swap3A_126] : memref<20480xf32, #tpu.memory_space<vmem>>, vector<10000xf32>
      tpu.vector_store %arg8[%swap3A_126], %reduce_sum3A_125 {strides = array<i32>} : memref<20480xf32, #tpu.memory_space<vmem>>, vector<10000xf32>,
      %get3A_128 = arith.constant 0 : index
      %get3A_129 = arith.constant 36 : index
      %get3A_130 = vector.load %arg6[%get3A_128, %get3A_129] : memref<1x50xf32, #tpu.memory_space<vmem>>, vector<1x12xf32>
      %get3A_131 = vector.shape_cast %get3A_130 : vector<1x12xf32> to vector<12xf32>
      %broadcast_in_dim3A_132 = vector.shape_cast %get3A_131 : vector<12xf32> to vector<12x1xf32>
      %mul3A_133 = vector.broadcast %broadcast_in_dim3A_132 : vector<12x1xf32> to vector<12x10000xf32>
      %mul3A_134 = arith.mulf %get3A_116, %mul3A_133 : vector<12x10000xf32>
      %reduce_sum3A_135 = arith.constant dense<0.000000e+00> : vector<10000xf32>
      %reduce_sum3A_136 = vector.multi_reduction <add>, %mul3A_134, %reduce_sum3A_135 [0] : vector<12x10000xf32> to vector<10000xf32>
      %swap3A_137 = arith.constant 10240 : index
      %swap3A_138 = vector.load %arg8[%swap3A_137] : memref<20480xf32, #tpu.memory_space<vmem>>, vector<10000xf32>
      tpu.vector_store %arg8[%swap3A_137], %reduce_sum3A_136 {strides = array<i32>} : memref<20480xf32, #tpu.memory_space<vmem>>, vector<10000xf32>,
    } else {
    }
    return
  }
  func.func @transform_0(%arg0: i32) -> i32 {
    %c0_i32 = arith.constant 0 : i32
    %c0_i32_0 = arith.constant 0 : i32
    return %c0_i32 : i32
  }
  func.func @transform_1(%arg0: i32) -> (i32, i32, i32) {
    %c0_i32 = arith.constant 0 : i32
    %c0_i32_0 = arith.constant 0 : i32
    %c0_i32_1 = arith.constant 0 : i32
    return %arg0, %c0_i32, %c0_i32_0 : i32, i32, i32
  }
  func.func @transform_2(%arg0: i32) -> (i32, i32) {
    %c0_i32 = arith.constant 0 : i32
    %c0_i32_0 = arith.constant 0 : i32
    %c0_i32_1 = arith.constant 0 : i32
    return %c0_i32, %c0_i32_0 : i32, i32
  }
  func.func @transform_3(%arg0: i32) -> (i32, i32) {
    %c0_i32 = arith.constant 0 : i32
    %c0_i32_0 = arith.constant 0 : i32
    %c0_i32_1 = arith.constant 0 : i32
    return %c0_i32, %c0_i32_0 : i32, i32
  }
  func.func @transform_4(%arg0: i32) -> (i32, i32) {
    %c0_i32 = arith.constant 0 : i32
    %c0_i32_0 = arith.constant 0 : i32
    %c0_i32_1 = arith.constant 0 : i32
    return %c0_i32, %c0_i32_0 : i32, i32
  }
  func.func @transform_5(%arg0: i32) -> (i32, i32) {
    %c0_i32 = arith.constant 0 : i32
    %c0_i32_0 = arith.constant 0 : i32
    %c0_i32_1 = arith.constant 0 : i32
    return %c0_i32, %c0_i32_0 : i32, i32
  }
  func.func @transform_6(%arg0: i32) -> i32 {
    %c0_i32 = arith.constant 0 : i32
    return %arg0 : i32
  }
  func.func @transform_7(%arg0: i32) -> i32 {
    %c0_i32 = arith.constant 0 : i32
    %c0_i32_0 = arith.constant 0 : i32
    return %c0_i32 : i32
  }
}

module attributes {stable_mosaic.version = 14 : i64} {
  func.func @body(%arg0: i32, %arg1: memref<640x128xf32, #tpu.memory_space<vmem>>, %arg2: memref<640x128xf32, #tpu.memory_space<vmem>>, %arg3: memref<80x128xf32, #tpu.memory_space<vmem>>, %arg4: memref<1x50xf32, #tpu.memory_space<vmem>>, %arg5: memref<640x128xf32, #tpu.memory_space<vmem>>) attributes {dimension_semantics = [#tpu.dimension_semantics<arbitrary>], iteration_bounds = array<i64: 8>, scalar_prefetch = 0 : i64, scratch_operands = 0 : i64, tpu.core_type = #tpu.core_type<tc>, window_params = [{transform_indices = @transform_0, window_bounds = array<i64: 640, 128>}, {transform_indices = @transform_1, window_bounds = array<i64: 640, 128>}, {pipeline_mode = #tpu.pipeline_mode<synchronous>, transform_indices = @transform_2, window_bounds = array<i64: 80, 128>}, {pipeline_mode = #tpu.pipeline_mode<synchronous>, transform_indices = @transform_3, window_bounds = array<i64: 1, 50>}, {transform_indices = @transform_4, window_bounds = array<i64: 640, 128>}]} {
    %get3A = arith.constant 0 : index
    %get3A_0 = arith.constant 0 : index
    %get3A_1 = vector.load %arg4[%get3A, %get3A_0] : memref<1x50xf32, #tpu.memory_space<vmem>>, vector<1x50xf32>
    %get3A_2 = vector.shape_cast %get3A_1 : vector<1x50xf32> to vector<50xf32>
    %slice3A = vector.extract_strided_slice %get3A_2 {offsets = [48], sizes = [1], strides = [1]} : vector<50xf32> to vector<1xf32>
    %slice3A_3 = vector.extract_strided_slice %get3A_2 {offsets = [49], sizes = [1], strides = [1]} : vector<50xf32> to vector<1xf32>
    %iota3A = tpu.iota {dimensions = array<i32: 0>} : vector<80x128xi32>
    %iota3A_4 = tpu.iota {dimensions = array<i32: 1>} : vector<80x128xi32>
    %mul3A = arith.constant 128 : i32
    %mul3A_5 = vector.broadcast %mul3A : i32 to vector<80x128xi32>
    %mul3A_6 = arith.muli %iota3A, %mul3A_5 : vector<80x128xi32>
    %add3A = arith.addi %mul3A_6, %iota3A_4 : vector<80x128xi32>
    %lt3A = arith.constant 10000 : i32
    %lt3A_7 = vector.broadcast %lt3A : i32 to vector<80x128xi32>
    %lt3A_8 = arith.cmpi slt, %add3A, %lt3A_7 : vector<80x128xi32>
    %get3A_9 = arith.constant 0 : index
    %get3A_10 = arith.constant 0 : index
    %get3A_11 = vector.load %arg3[%get3A_9, %get3A_10] : memref<80x128xf32, #tpu.memory_space<vmem>>, vector<80x128xf32>
    %broadcast_in_dim3A = vector.shape_cast %slice3A_3 : vector<1xf32> to vector<1x1xf32>
    %mul3A_12 = vector.broadcast %broadcast_in_dim3A : vector<1x1xf32> to vector<80x128xf32>
    %mul3A_13 = arith.mulf %get3A_11, %mul3A_12 : vector<80x128xf32>
    %get3A_14 = arith.constant 0 : index
    %get3A_15 = arith.constant 0 : index
    %get3A_16 = vector.load %arg2[%get3A_14, %get3A_15] : memref<640x128xf32, #tpu.memory_space<vmem>>, vector<80x128xf32>
    %get3A_17 = arith.constant 0 : index
    %get3A_18 = arith.constant 0 : index
    %get3A_19 = vector.load %arg1[%get3A_17, %get3A_18] : memref<640x128xf32, #tpu.memory_space<vmem>>, vector<80x128xf32>
    %broadcast_in_dim3A_20 = vector.shape_cast %slice3A : vector<1xf32> to vector<1x1xf32>
    %mul3A_21 = vector.broadcast %broadcast_in_dim3A_20 : vector<1x1xf32> to vector<80x128xf32>
    %mul3A_22 = arith.mulf %get3A_19, %mul3A_21 : vector<80x128xf32>
    %add3A_23 = arith.addf %get3A_16, %mul3A_22 : vector<80x128xf32>
    %add3A_24 = arith.addf %add3A_23, %mul3A_13 : vector<80x128xf32>
    %jit3A = arith.constant -1.000000e+30 : f32
    %broadcast_in_dim3A_25 = vector.broadcast %jit3A : f32 to vector<80x128xf32>
    %select_n3A = arith.select %lt3A_8, %add3A_24, %broadcast_in_dim3A_25 : vector<80x128xi1>, vector<80x128xf32>
    %get3A_26 = arith.constant 80 : index
    %get3A_27 = arith.constant 0 : index
    %get3A_28 = vector.load %arg2[%get3A_26, %get3A_27] : memref<640x128xf32, #tpu.memory_space<vmem>>, vector<80x128xf32>
    %get3A_29 = arith.constant 80 : index
    %get3A_30 = arith.constant 0 : index
    %get3A_31 = vector.load %arg1[%get3A_29, %get3A_30] : memref<640x128xf32, #tpu.memory_space<vmem>>, vector<80x128xf32>
    %broadcast_in_dim3A_32 = vector.shape_cast %slice3A : vector<1xf32> to vector<1x1xf32>
    %mul3A_33 = vector.broadcast %broadcast_in_dim3A_32 : vector<1x1xf32> to vector<80x128xf32>
    %mul3A_34 = arith.mulf %get3A_31, %mul3A_33 : vector<80x128xf32>
    %add3A_35 = arith.addf %get3A_28, %mul3A_34 : vector<80x128xf32>
    %add3A_36 = arith.addf %add3A_35, %mul3A_13 : vector<80x128xf32>
    %jit3A_37 = arith.constant -1.000000e+30 : f32
    %broadcast_in_dim3A_38 = vector.broadcast %jit3A_37 : f32 to vector<80x128xf32>
    %select_n3A_39 = arith.select %lt3A_8, %add3A_36, %broadcast_in_dim3A_38 : vector<80x128xi1>, vector<80x128xf32>
    %get3A_40 = arith.constant 160 : index
    %get3A_41 = arith.constant 0 : index
    %get3A_42 = vector.load %arg2[%get3A_40, %get3A_41] : memref<640x128xf32, #tpu.memory_space<vmem>>, vector<80x128xf32>
    %get3A_43 = arith.constant 160 : index
    %get3A_44 = arith.constant 0 : index
    %get3A_45 = vector.load %arg1[%get3A_43, %get3A_44] : memref<640x128xf32, #tpu.memory_space<vmem>>, vector<80x128xf32>
    %broadcast_in_dim3A_46 = vector.shape_cast %slice3A : vector<1xf32> to vector<1x1xf32>
    %mul3A_47 = vector.broadcast %broadcast_in_dim3A_46 : vector<1x1xf32> to vector<80x128xf32>
    %mul3A_48 = arith.mulf %get3A_45, %mul3A_47 : vector<80x128xf32>
    %add3A_49 = arith.addf %get3A_42, %mul3A_48 : vector<80x128xf32>
    %add3A_50 = arith.addf %add3A_49, %mul3A_13 : vector<80x128xf32>
    %jit3A_51 = arith.constant -1.000000e+30 : f32
    %broadcast_in_dim3A_52 = vector.broadcast %jit3A_51 : f32 to vector<80x128xf32>
    %select_n3A_53 = arith.select %lt3A_8, %add3A_50, %broadcast_in_dim3A_52 : vector<80x128xi1>, vector<80x128xf32>
    %get3A_54 = arith.constant 240 : index
    %get3A_55 = arith.constant 0 : index
    %get3A_56 = vector.load %arg2[%get3A_54, %get3A_55] : memref<640x128xf32, #tpu.memory_space<vmem>>, vector<80x128xf32>
    %get3A_57 = arith.constant 240 : index
    %get3A_58 = arith.constant 0 : index
    %get3A_59 = vector.load %arg1[%get3A_57, %get3A_58] : memref<640x128xf32, #tpu.memory_space<vmem>>, vector<80x128xf32>
    %broadcast_in_dim3A_60 = vector.shape_cast %slice3A : vector<1xf32> to vector<1x1xf32>
    %mul3A_61 = vector.broadcast %broadcast_in_dim3A_60 : vector<1x1xf32> to vector<80x128xf32>
    %mul3A_62 = arith.mulf %get3A_59, %mul3A_61 : vector<80x128xf32>
    %add3A_63 = arith.addf %get3A_56, %mul3A_62 : vector<80x128xf32>
    %add3A_64 = arith.addf %add3A_63, %mul3A_13 : vector<80x128xf32>
    %jit3A_65 = arith.constant -1.000000e+30 : f32
    %broadcast_in_dim3A_66 = vector.broadcast %jit3A_65 : f32 to vector<80x128xf32>
    %select_n3A_67 = arith.select %lt3A_8, %add3A_64, %broadcast_in_dim3A_66 : vector<80x128xi1>, vector<80x128xf32>
    %get3A_68 = arith.constant 320 : index
    %get3A_69 = arith.constant 0 : index
    %get3A_70 = vector.load %arg2[%get3A_68, %get3A_69] : memref<640x128xf32, #tpu.memory_space<vmem>>, vector<80x128xf32>
    %get3A_71 = arith.constant 320 : index
    %get3A_72 = arith.constant 0 : index
    %get3A_73 = vector.load %arg1[%get3A_71, %get3A_72] : memref<640x128xf32, #tpu.memory_space<vmem>>, vector<80x128xf32>
    %broadcast_in_dim3A_74 = vector.shape_cast %slice3A : vector<1xf32> to vector<1x1xf32>
    %mul3A_75 = vector.broadcast %broadcast_in_dim3A_74 : vector<1x1xf32> to vector<80x128xf32>
    %mul3A_76 = arith.mulf %get3A_73, %mul3A_75 : vector<80x128xf32>
    %add3A_77 = arith.addf %get3A_70, %mul3A_76 : vector<80x128xf32>
    %add3A_78 = arith.addf %add3A_77, %mul3A_13 : vector<80x128xf32>
    %jit3A_79 = arith.constant -1.000000e+30 : f32
    %broadcast_in_dim3A_80 = vector.broadcast %jit3A_79 : f32 to vector<80x128xf32>
    %select_n3A_81 = arith.select %lt3A_8, %add3A_78, %broadcast_in_dim3A_80 : vector<80x128xi1>, vector<80x128xf32>
    %get3A_82 = arith.constant 400 : index
    %get3A_83 = arith.constant 0 : index
    %get3A_84 = vector.load %arg2[%get3A_82, %get3A_83] : memref<640x128xf32, #tpu.memory_space<vmem>>, vector<80x128xf32>
    %get3A_85 = arith.constant 400 : index
    %get3A_86 = arith.constant 0 : index
    %get3A_87 = vector.load %arg1[%get3A_85, %get3A_86] : memref<640x128xf32, #tpu.memory_space<vmem>>, vector<80x128xf32>
    %broadcast_in_dim3A_88 = vector.shape_cast %slice3A : vector<1xf32> to vector<1x1xf32>
    %mul3A_89 = vector.broadcast %broadcast_in_dim3A_88 : vector<1x1xf32> to vector<80x128xf32>
    %mul3A_90 = arith.mulf %get3A_87, %mul3A_89 : vector<80x128xf32>
    %add3A_91 = arith.addf %get3A_84, %mul3A_90 : vector<80x128xf32>
    %add3A_92 = arith.addf %add3A_91, %mul3A_13 : vector<80x128xf32>
    %jit3A_93 = arith.constant -1.000000e+30 : f32
    %broadcast_in_dim3A_94 = vector.broadcast %jit3A_93 : f32 to vector<80x128xf32>
    %select_n3A_95 = arith.select %lt3A_8, %add3A_92, %broadcast_in_dim3A_94 : vector<80x128xi1>, vector<80x128xf32>
    %get3A_96 = arith.constant 480 : index
    %get3A_97 = arith.constant 0 : index
    %get3A_98 = vector.load %arg2[%get3A_96, %get3A_97] : memref<640x128xf32, #tpu.memory_space<vmem>>, vector<80x128xf32>
    %get3A_99 = arith.constant 480 : index
    %get3A_100 = arith.constant 0 : index
    %get3A_101 = vector.load %arg1[%get3A_99, %get3A_100] : memref<640x128xf32, #tpu.memory_space<vmem>>, vector<80x128xf32>
    %broadcast_in_dim3A_102 = vector.shape_cast %slice3A : vector<1xf32> to vector<1x1xf32>
    %mul3A_103 = vector.broadcast %broadcast_in_dim3A_102 : vector<1x1xf32> to vector<80x128xf32>
    %mul3A_104 = arith.mulf %get3A_101, %mul3A_103 : vector<80x128xf32>
    %add3A_105 = arith.addf %get3A_98, %mul3A_104 : vector<80x128xf32>
    %add3A_106 = arith.addf %add3A_105, %mul3A_13 : vector<80x128xf32>
    %jit3A_107 = arith.constant -1.000000e+30 : f32
    %broadcast_in_dim3A_108 = vector.broadcast %jit3A_107 : f32 to vector<80x128xf32>
    %select_n3A_109 = arith.select %lt3A_8, %add3A_106, %broadcast_in_dim3A_108 : vector<80x128xi1>, vector<80x128xf32>
    %get3A_110 = arith.constant 560 : index
    %get3A_111 = arith.constant 0 : index
    %get3A_112 = vector.load %arg2[%get3A_110, %get3A_111] : memref<640x128xf32, #tpu.memory_space<vmem>>, vector<80x128xf32>
    %get3A_113 = arith.constant 560 : index
    %get3A_114 = arith.constant 0 : index
    %get3A_115 = vector.load %arg1[%get3A_113, %get3A_114] : memref<640x128xf32, #tpu.memory_space<vmem>>, vector<80x128xf32>
    %broadcast_in_dim3A_116 = vector.shape_cast %slice3A : vector<1xf32> to vector<1x1xf32>
    %mul3A_117 = vector.broadcast %broadcast_in_dim3A_116 : vector<1x1xf32> to vector<80x128xf32>
    %mul3A_118 = arith.mulf %get3A_115, %mul3A_117 : vector<80x128xf32>
    %add3A_119 = arith.addf %get3A_112, %mul3A_118 : vector<80x128xf32>
    %add3A_120 = arith.addf %add3A_119, %mul3A_13 : vector<80x128xf32>
    %jit3A_121 = arith.constant -1.000000e+30 : f32
    %broadcast_in_dim3A_122 = vector.broadcast %jit3A_121 : f32 to vector<80x128xf32>
    %select_n3A_123 = arith.select %lt3A_8, %add3A_120, %broadcast_in_dim3A_122 : vector<80x128xi1>, vector<80x128xf32>
    %reduce_max3A = vector.shape_cast %select_n3A : vector<80x128xf32> to vector<1x80x128xf32>
    %reduce_max3A_124 = arith.constant dense<0xFF800000> : vector<1xf32>
    %reduce_max3A_125 = vector.multi_reduction <maximumf>, %reduce_max3A, %reduce_max3A_124 [1, 2] : vector<1x80x128xf32> to vector<1xf32>
    %reduce_max3A_126 = vector.shape_cast %reduce_max3A_125 : vector<1xf32> to vector<1x1x1xf32>
    %reduce_max3A_127 = vector.extract %reduce_max3A_126[0, 0, 0] : f32 from vector<1x1x1xf32>
    %reduce_max3A_128 = vector.shape_cast %select_n3A_39 : vector<80x128xf32> to vector<1x80x128xf32>
    %reduce_max3A_129 = arith.constant dense<0xFF800000> : vector<1xf32>
    %reduce_max3A_130 = vector.multi_reduction <maximumf>, %reduce_max3A_128, %reduce_max3A_129 [1, 2] : vector<1x80x128xf32> to vector<1xf32>
    %reduce_max3A_131 = vector.shape_cast %reduce_max3A_130 : vector<1xf32> to vector<1x1x1xf32>
    %reduce_max3A_132 = vector.extract %reduce_max3A_131[0, 0, 0] : f32 from vector<1x1x1xf32>
    %reduce_max3A_133 = vector.shape_cast %select_n3A_53 : vector<80x128xf32> to vector<1x80x128xf32>
    %reduce_max3A_134 = arith.constant dense<0xFF800000> : vector<1xf32>
    %reduce_max3A_135 = vector.multi_reduction <maximumf>, %reduce_max3A_133, %reduce_max3A_134 [1, 2] : vector<1x80x128xf32> to vector<1xf32>
    %reduce_max3A_136 = vector.shape_cast %reduce_max3A_135 : vector<1xf32> to vector<1x1x1xf32>
    %reduce_max3A_137 = vector.extract %reduce_max3A_136[0, 0, 0] : f32 from vector<1x1x1xf32>
    %reduce_max3A_138 = vector.shape_cast %select_n3A_67 : vector<80x128xf32> to vector<1x80x128xf32>
    %reduce_max3A_139 = arith.constant dense<0xFF800000> : vector<1xf32>
    %reduce_max3A_140 = vector.multi_reduction <maximumf>, %reduce_max3A_138, %reduce_max3A_139 [1, 2] : vector<1x80x128xf32> to vector<1xf32>
    %reduce_max3A_141 = vector.shape_cast %reduce_max3A_140 : vector<1xf32> to vector<1x1x1xf32>
    %reduce_max3A_142 = vector.extract %reduce_max3A_141[0, 0, 0] : f32 from vector<1x1x1xf32>
    %reduce_max3A_143 = vector.shape_cast %select_n3A_81 : vector<80x128xf32> to vector<1x80x128xf32>
    %reduce_max3A_144 = arith.constant dense<0xFF800000> : vector<1xf32>
    %reduce_max3A_145 = vector.multi_reduction <maximumf>, %reduce_max3A_143, %reduce_max3A_144 [1, 2] : vector<1x80x128xf32> to vector<1xf32>
    %reduce_max3A_146 = vector.shape_cast %reduce_max3A_145 : vector<1xf32> to vector<1x1x1xf32>
    %reduce_max3A_147 = vector.extract %reduce_max3A_146[0, 0, 0] : f32 from vector<1x1x1xf32>
    %reduce_max3A_148 = vector.shape_cast %select_n3A_95 : vector<80x128xf32> to vector<1x80x128xf32>
    %reduce_max3A_149 = arith.constant dense<0xFF800000> : vector<1xf32>
    %reduce_max3A_150 = vector.multi_reduction <maximumf>, %reduce_max3A_148, %reduce_max3A_149 [1, 2] : vector<1x80x128xf32> to vector<1xf32>
    %reduce_max3A_151 = vector.shape_cast %reduce_max3A_150 : vector<1xf32> to vector<1x1x1xf32>
    %reduce_max3A_152 = vector.extract %reduce_max3A_151[0, 0, 0] : f32 from vector<1x1x1xf32>
    %reduce_max3A_153 = vector.shape_cast %select_n3A_109 : vector<80x128xf32> to vector<1x80x128xf32>
    %reduce_max3A_154 = arith.constant dense<0xFF800000> : vector<1xf32>
    %reduce_max3A_155 = vector.multi_reduction <maximumf>, %reduce_max3A_153, %reduce_max3A_154 [1, 2] : vector<1x80x128xf32> to vector<1xf32>
    %reduce_max3A_156 = vector.shape_cast %reduce_max3A_155 : vector<1xf32> to vector<1x1x1xf32>
    %reduce_max3A_157 = vector.extract %reduce_max3A_156[0, 0, 0] : f32 from vector<1x1x1xf32>
    %reduce_max3A_158 = vector.shape_cast %select_n3A_123 : vector<80x128xf32> to vector<1x80x128xf32>
    %reduce_max3A_159 = arith.constant dense<0xFF800000> : vector<1xf32>
    %reduce_max3A_160 = vector.multi_reduction <maximumf>, %reduce_max3A_158, %reduce_max3A_159 [1, 2] : vector<1x80x128xf32> to vector<1xf32>
    %reduce_max3A_161 = vector.shape_cast %reduce_max3A_160 : vector<1xf32> to vector<1x1x1xf32>
    %reduce_max3A_162 = vector.extract %reduce_max3A_161[0, 0, 0] : f32 from vector<1x1x1xf32>
    %sub3A = vector.broadcast %reduce_max3A_127 : f32 to vector<80x128xf32>
    %sub3A_163 = arith.subf %select_n3A, %sub3A : vector<80x128xf32>
    %exp3A = math.exp %sub3A_163 : vector<80x128xf32>
    %sub3A_164 = vector.broadcast %reduce_max3A_132 : f32 to vector<80x128xf32>
    %sub3A_165 = arith.subf %select_n3A_39, %sub3A_164 : vector<80x128xf32>
    %exp3A_166 = math.exp %sub3A_165 : vector<80x128xf32>
    %sub3A_167 = vector.broadcast %reduce_max3A_137 : f32 to vector<80x128xf32>
    %sub3A_168 = arith.subf %select_n3A_53, %sub3A_167 : vector<80x128xf32>
    %exp3A_169 = math.exp %sub3A_168 : vector<80x128xf32>
    %sub3A_170 = vector.broadcast %reduce_max3A_142 : f32 to vector<80x128xf32>
    %sub3A_171 = arith.subf %select_n3A_67, %sub3A_170 : vector<80x128xf32>
    %exp3A_172 = math.exp %sub3A_171 : vector<80x128xf32>
    %sub3A_173 = vector.broadcast %reduce_max3A_147 : f32 to vector<80x128xf32>
    %sub3A_174 = arith.subf %select_n3A_81, %sub3A_173 : vector<80x128xf32>
    %exp3A_175 = math.exp %sub3A_174 : vector<80x128xf32>
    %sub3A_176 = vector.broadcast %reduce_max3A_152 : f32 to vector<80x128xf32>
    %sub3A_177 = arith.subf %select_n3A_95, %sub3A_176 : vector<80x128xf32>
    %exp3A_178 = math.exp %sub3A_177 : vector<80x128xf32>
    %sub3A_179 = vector.broadcast %reduce_max3A_157 : f32 to vector<80x128xf32>
    %sub3A_180 = arith.subf %select_n3A_109, %sub3A_179 : vector<80x128xf32>
    %exp3A_181 = math.exp %sub3A_180 : vector<80x128xf32>
    %sub3A_182 = vector.broadcast %reduce_max3A_162 : f32 to vector<80x128xf32>
    %sub3A_183 = arith.subf %select_n3A_123, %sub3A_182 : vector<80x128xf32>
    %exp3A_184 = math.exp %sub3A_183 : vector<80x128xf32>
    %reduce_sum3A = vector.shape_cast %exp3A : vector<80x128xf32> to vector<1x80x128xf32>
    %reduce_sum3A_185 = arith.constant dense<0.000000e+00> : vector<1xf32>
    %reduce_sum3A_186 = vector.multi_reduction <add>, %reduce_sum3A, %reduce_sum3A_185 [1, 2] : vector<1x80x128xf32> to vector<1xf32>
    %reduce_sum3A_187 = vector.shape_cast %reduce_sum3A_186 : vector<1xf32> to vector<1x1x1xf32>
    %reduce_sum3A_188 = vector.extract %reduce_sum3A_187[0, 0, 0] : f32 from vector<1x1x1xf32>
    %log3A = math.log %reduce_sum3A_188 : f32
    %add3A_189 = arith.addf %reduce_max3A_127, %log3A : f32
    %reduce_sum3A_190 = vector.shape_cast %exp3A_166 : vector<80x128xf32> to vector<1x80x128xf32>
    %reduce_sum3A_191 = arith.constant dense<0.000000e+00> : vector<1xf32>
    %reduce_sum3A_192 = vector.multi_reduction <add>, %reduce_sum3A_190, %reduce_sum3A_191 [1, 2] : vector<1x80x128xf32> to vector<1xf32>
    %reduce_sum3A_193 = vector.shape_cast %reduce_sum3A_192 : vector<1xf32> to vector<1x1x1xf32>
    %reduce_sum3A_194 = vector.extract %reduce_sum3A_193[0, 0, 0] : f32 from vector<1x1x1xf32>
    %log3A_195 = math.log %reduce_sum3A_194 : f32
    %add3A_196 = arith.addf %reduce_max3A_132, %log3A_195 : f32
    %reduce_sum3A_197 = vector.shape_cast %exp3A_169 : vector<80x128xf32> to vector<1x80x128xf32>
    %reduce_sum3A_198 = arith.constant dense<0.000000e+00> : vector<1xf32>
    %reduce_sum3A_199 = vector.multi_reduction <add>, %reduce_sum3A_197, %reduce_sum3A_198 [1, 2] : vector<1x80x128xf32> to vector<1xf32>
    %reduce_sum3A_200 = vector.shape_cast %reduce_sum3A_199 : vector<1xf32> to vector<1x1x1xf32>
    %reduce_sum3A_201 = vector.extract %reduce_sum3A_200[0, 0, 0] : f32 from vector<1x1x1xf32>
    %log3A_202 = math.log %reduce_sum3A_201 : f32
    %add3A_203 = arith.addf %reduce_max3A_137, %log3A_202 : f32
    %reduce_sum3A_204 = vector.shape_cast %exp3A_172 : vector<80x128xf32> to vector<1x80x128xf32>
    %reduce_sum3A_205 = arith.constant dense<0.000000e+00> : vector<1xf32>
    %reduce_sum3A_206 = vector.multi_reduction <add>, %reduce_sum3A_204, %reduce_sum3A_205 [1, 2] : vector<1x80x128xf32> to vector<1xf32>
    %reduce_sum3A_207 = vector.shape_cast %reduce_sum3A_206 : vector<1xf32> to vector<1x1x1xf32>
    %reduce_sum3A_208 = vector.extract %reduce_sum3A_207[0, 0, 0] : f32 from vector<1x1x1xf32>
    %log3A_209 = math.log %reduce_sum3A_208 : f32
    %add3A_210 = arith.addf %reduce_max3A_142, %log3A_209 : f32
    %reduce_sum3A_211 = vector.shape_cast %exp3A_175 : vector<80x128xf32> to vector<1x80x128xf32>
    %reduce_sum3A_212 = arith.constant dense<0.000000e+00> : vector<1xf32>
    %reduce_sum3A_213 = vector.multi_reduction <add>, %reduce_sum3A_211, %reduce_sum3A_212 [1, 2] : vector<1x80x128xf32> to vector<1xf32>
    %reduce_sum3A_214 = vector.shape_cast %reduce_sum3A_213 : vector<1xf32> to vector<1x1x1xf32>
    %reduce_sum3A_215 = vector.extract %reduce_sum3A_214[0, 0, 0] : f32 from vector<1x1x1xf32>
    %log3A_216 = math.log %reduce_sum3A_215 : f32
    %add3A_217 = arith.addf %reduce_max3A_147, %log3A_216 : f32
    %reduce_sum3A_218 = vector.shape_cast %exp3A_178 : vector<80x128xf32> to vector<1x80x128xf32>
    %reduce_sum3A_219 = arith.constant dense<0.000000e+00> : vector<1xf32>
    %reduce_sum3A_220 = vector.multi_reduction <add>, %reduce_sum3A_218, %reduce_sum3A_219 [1, 2] : vector<1x80x128xf32> to vector<1xf32>
    %reduce_sum3A_221 = vector.shape_cast %reduce_sum3A_220 : vector<1xf32> to vector<1x1x1xf32>
    %reduce_sum3A_222 = vector.extract %reduce_sum3A_221[0, 0, 0] : f32 from vector<1x1x1xf32>
    %log3A_223 = math.log %reduce_sum3A_222 : f32
    %add3A_224 = arith.addf %reduce_max3A_152, %log3A_223 : f32
    %reduce_sum3A_225 = vector.shape_cast %exp3A_181 : vector<80x128xf32> to vector<1x80x128xf32>
    %reduce_sum3A_226 = arith.constant dense<0.000000e+00> : vector<1xf32>
    %reduce_sum3A_227 = vector.multi_reduction <add>, %reduce_sum3A_225, %reduce_sum3A_226 [1, 2] : vector<1x80x128xf32> to vector<1xf32>
    %reduce_sum3A_228 = vector.shape_cast %reduce_sum3A_227 : vector<1xf32> to vector<1x1x1xf32>
    %reduce_sum3A_229 = vector.extract %reduce_sum3A_228[0, 0, 0] : f32 from vector<1x1x1xf32>
    %log3A_230 = math.log %reduce_sum3A_229 : f32
    %add3A_231 = arith.addf %reduce_max3A_157, %log3A_230 : f32
    %reduce_sum3A_232 = vector.shape_cast %exp3A_184 : vector<80x128xf32> to vector<1x80x128xf32>
    %reduce_sum3A_233 = arith.constant dense<0.000000e+00> : vector<1xf32>
    %reduce_sum3A_234 = vector.multi_reduction <add>, %reduce_sum3A_232, %reduce_sum3A_233 [1, 2] : vector<1x80x128xf32> to vector<1xf32>
    %reduce_sum3A_235 = vector.shape_cast %reduce_sum3A_234 : vector<1xf32> to vector<1x1x1xf32>
    %reduce_sum3A_236 = vector.extract %reduce_sum3A_235[0, 0, 0] : f32 from vector<1x1x1xf32>
    %log3A_237 = math.log %reduce_sum3A_236 : f32
    %add3A_238 = arith.addf %reduce_max3A_162, %log3A_237 : f32
    %sub3A_239 = vector.broadcast %add3A_189 : f32 to vector<80x128xf32>
    %sub3A_240 = arith.subf %select_n3A, %sub3A_239 : vector<80x128xf32>
    %swap3A = arith.constant 0 : index
    %swap3A_241 = arith.constant 0 : index
    %swap3A_242 = vector.load %arg5[%swap3A, %swap3A_241] : memref<640x128xf32, #tpu.memory_space<vmem>>, vector<80x128xf32>
    tpu.vector_store %arg5[%swap3A, %swap3A_241], %sub3A_240 {strides = array<i32>} : memref<640x128xf32, #tpu.memory_space<vmem>>, vector<80x128xf32>,
    %sub3A_243 = vector.broadcast %add3A_196 : f32 to vector<80x128xf32>
    %sub3A_244 = arith.subf %select_n3A_39, %sub3A_243 : vector<80x128xf32>
    %swap3A_245 = arith.constant 80 : index
    %swap3A_246 = arith.constant 0 : index
    %swap3A_247 = vector.load %arg5[%swap3A_245, %swap3A_246] : memref<640x128xf32, #tpu.memory_space<vmem>>, vector<80x128xf32>
    tpu.vector_store %arg5[%swap3A_245, %swap3A_246], %sub3A_244 {strides = array<i32>} : memref<640x128xf32, #tpu.memory_space<vmem>>, vector<80x128xf32>,
    %sub3A_248 = vector.broadcast %add3A_203 : f32 to vector<80x128xf32>
    %sub3A_249 = arith.subf %select_n3A_53, %sub3A_248 : vector<80x128xf32>
    %swap3A_250 = arith.constant 160 : index
    %swap3A_251 = arith.constant 0 : index
    %swap3A_252 = vector.load %arg5[%swap3A_250, %swap3A_251] : memref<640x128xf32, #tpu.memory_space<vmem>>, vector<80x128xf32>
    tpu.vector_store %arg5[%swap3A_250, %swap3A_251], %sub3A_249 {strides = array<i32>} : memref<640x128xf32, #tpu.memory_space<vmem>>, vector<80x128xf32>,
    %sub3A_253 = vector.broadcast %add3A_210 : f32 to vector<80x128xf32>
    %sub3A_254 = arith.subf %select_n3A_67, %sub3A_253 : vector<80x128xf32>
    %swap3A_255 = arith.constant 240 : index
    %swap3A_256 = arith.constant 0 : index
    %swap3A_257 = vector.load %arg5[%swap3A_255, %swap3A_256] : memref<640x128xf32, #tpu.memory_space<vmem>>, vector<80x128xf32>
    tpu.vector_store %arg5[%swap3A_255, %swap3A_256], %sub3A_254 {strides = array<i32>} : memref<640x128xf32, #tpu.memory_space<vmem>>, vector<80x128xf32>,
    %sub3A_258 = vector.broadcast %add3A_217 : f32 to vector<80x128xf32>
    %sub3A_259 = arith.subf %select_n3A_81, %sub3A_258 : vector<80x128xf32>
    %swap3A_260 = arith.constant 320 : index
    %swap3A_261 = arith.constant 0 : index
    %swap3A_262 = vector.load %arg5[%swap3A_260, %swap3A_261] : memref<640x128xf32, #tpu.memory_space<vmem>>, vector<80x128xf32>
    tpu.vector_store %arg5[%swap3A_260, %swap3A_261], %sub3A_259 {strides = array<i32>} : memref<640x128xf32, #tpu.memory_space<vmem>>, vector<80x128xf32>,
    %sub3A_263 = vector.broadcast %add3A_224 : f32 to vector<80x128xf32>
    %sub3A_264 = arith.subf %select_n3A_95, %sub3A_263 : vector<80x128xf32>
    %swap3A_265 = arith.constant 400 : index
    %swap3A_266 = arith.constant 0 : index
    %swap3A_267 = vector.load %arg5[%swap3A_265, %swap3A_266] : memref<640x128xf32, #tpu.memory_space<vmem>>, vector<80x128xf32>
    tpu.vector_store %arg5[%swap3A_265, %swap3A_266], %sub3A_264 {strides = array<i32>} : memref<640x128xf32, #tpu.memory_space<vmem>>, vector<80x128xf32>,
    %sub3A_268 = vector.broadcast %add3A_231 : f32 to vector<80x128xf32>
    %sub3A_269 = arith.subf %select_n3A_109, %sub3A_268 : vector<80x128xf32>
    %swap3A_270 = arith.constant 480 : index
    %swap3A_271 = arith.constant 0 : index
    %swap3A_272 = vector.load %arg5[%swap3A_270, %swap3A_271] : memref<640x128xf32, #tpu.memory_space<vmem>>, vector<80x128xf32>
    tpu.vector_store %arg5[%swap3A_270, %swap3A_271], %sub3A_269 {strides = array<i32>} : memref<640x128xf32, #tpu.memory_space<vmem>>, vector<80x128xf32>,
    %sub3A_273 = vector.broadcast %add3A_238 : f32 to vector<80x128xf32>
    %sub3A_274 = arith.subf %select_n3A_123, %sub3A_273 : vector<80x128xf32>
    %swap3A_275 = arith.constant 560 : index
    %swap3A_276 = arith.constant 0 : index
    %swap3A_277 = vector.load %arg5[%swap3A_275, %swap3A_276] : memref<640x128xf32, #tpu.memory_space<vmem>>, vector<80x128xf32>
    tpu.vector_store %arg5[%swap3A_275, %swap3A_276], %sub3A_274 {strides = array<i32>} : memref<640x128xf32, #tpu.memory_space<vmem>>, vector<80x128xf32>,
    return
  }
  func.func @transform_0(%arg0: i32) -> (i32, i32) {
    %c0_i32 = arith.constant 0 : i32
    %c0_i32_0 = arith.constant 0 : i32
    return %arg0, %c0_i32 : i32, i32
  }
  func.func @transform_1(%arg0: i32) -> (i32, i32) {
    %c0_i32 = arith.constant 0 : i32
    %c0_i32_0 = arith.constant 0 : i32
    return %arg0, %c0_i32 : i32, i32
  }
  func.func @transform_2(%arg0: i32) -> (i32, i32) {
    %c0_i32 = arith.constant 0 : i32
    %c0_i32_0 = arith.constant 0 : i32
    %c0_i32_1 = arith.constant 0 : i32
    return %c0_i32, %c0_i32_0 : i32, i32
  }
  func.func @transform_3(%arg0: i32) -> (i32, i32) {
    %c0_i32 = arith.constant 0 : i32
    %c0_i32_0 = arith.constant 0 : i32
    %c0_i32_1 = arith.constant 0 : i32
    return %c0_i32, %c0_i32_0 : i32, i32
  }
  func.func @transform_4(%arg0: i32) -> (i32, i32) {
    %c0_i32 = arith.constant 0 : i32
    %c0_i32_0 = arith.constant 0 : i32
    return %arg0, %c0_i32 : i32, i32
  }
}

</mosaic_0001>

<sc_bundles>
// kernel: kernel.5.cloned.1.call-start
scs
__scs_entry_jumppad:
0x0: {  	(pc) =	sbr.rel $0x88, $3  }
0x1: {  	(tag) =	ssettag $0x0;
	lr =	simm.s32 $0x1  }
0x2: {  	[smem:$0x3F94] =	sst lr;
	_ =	strace $0xD0000000  }
0x3: {  	_ = 	snop  }
0x4: {  	_ = 	snop  }
0x5: {  	_ = 	snop  }
0x6: {  	_ = 	snop  }
0x7: {  	_ = 	snop  }
__scs_overlays_trampoline_lowered:
0x8: {  	[smem:$0x3FA3] =	sst s0  }
0x9: {  	[smem:$0x3FA4] =	sst s1  }
0xa: {  	[smem:$0x3FA5] =	sst s2  }
0xb: {  	[smem:$0x3FA6] =	sst s3  }
0xc: {  	[smem:$0x3FA7] =	sst s4  }
0xd: {  	[smem:$0x3FA8] =	sst s5  }
0xe: {  	[smem:$0x3FA9] =	sst s6  }
0xf: {  	[smem:$0x3FAA] =	sst s7  }
0x10: {  	[smem:$0x3FAB] =	sst s8  }
0x11: {  	[smem:$0x3FAC] =	sst s9;
	s0 =	simm.s32 @!p0 $0x0  }
0x12: {  	s1 =	sld [smem:$0x3F92];
	s0 =	simm.s32 @p0 $0x1  }
0x13: {  	[smem:$0x3FAD] =	sst s0;
	s0 =	simm.s32 @!p1 $0x0  }
0x14: {  	s2 =	sld [smem:$0x3F91];
	s0 =	simm.s32 @p1 $0x1  }
0x15: {  	[smem:$0x3FAE] =	sst s0;
	s0 =	simm.s32 @!p2 $0x0  }
0x16: {  	s3 =	sld [smem:$0x3FDB];
	s0 =	simm.s32 @p2 $0x1  }
0x17: {  	s4 =	simm.s32 $0x1BF5;
	[smem:$0x3FB0] =	sst s0  }
0x18: {  	s0 =	sld [smem:$0x3F93];
	_ =	swait.ge [sflag:s4], $0x0  }
0x19: {  	s7 =	sld [smem:$0x3F94]  }
0x1a: {  	s8 =	sadd.s32 $0xFFFFE003, lr  }
0x1b: {  	s9 =	sadd.s32 $0xFFFFFEF7, lr;
	s5 =	simm.s32 $0xFFFFFFFF;
	p2 =	slt.u32 s8, $0xFFFFF086  }
0x1c: {  	p1 =	slt.u32 s9, $0xF7A;
	s5 =	simm.s32 @!p2 $0x0  }
0x1d: {  	s5 =	simm.s32 @p1 $0x1;
	p0 =	seq.s32 s7, s2  }
0x1e: {  	s7 =	smul.u32 @!p0 $0xF7A, s2;
	p2 =	seq.s32 @!p0 s5, $0x0  }
0x1f: {  	s9 =	smul.u32 $0xF7A, s1;
	s8 =	simm.s32 @!p0 $0x1BF5;
	p2 =	por !p2, p0  }
0x20: {  	[sflag:s8] =	ssyncset.s32 @!p0 $0xFFFFF086;
	s6 =	sadd.s32 @!p0 s3, s7;
	s7 =	simm.s32 @!p0 $0x108  }
0x21: {  	s3 =	sadd.s32 s3, s9;
	s6 =	sadd.s32 @!p0 $0x88, s6;
	s7 =	simm.s32 @p2 $0x1082  }
0x22: {  	[simem:s7], [sflag:s8] =	dma.local @!p0 [hbm:s6], $0xF7A  }
0x23: {  	s9 =	sor.u32 $0xD0000000, s2;
	s6 =	simm.s32 $0x108;
	_ =	swait.ge @!p0 [sflag:s8], $0x0  }
0x24: {  	s3 =	sadd.s32 $0x88, s3;
	s6 =	simm.s32 @!p1 $0x1082;
	[sflag:s4] =	ssyncset.s32 $0xFFFFF086  }
0x25: {  	[simem:s6], [sflag:s4] =	dma.local [hbm:s3], $0xF7A  }
0x26: {  	[smem:$0x3F94] =	sst s1;
	(tag) =	ssettag s2;
	_ =	strace s9  }
0x27: {  	s1 =	sld [smem:$0x3FA4]  }
0x28: {  	s2 =	sld [smem:$0x3FA5]  }
0x29: {  	s4 =	sld [smem:$0x3FA7]  }
0x2a: {  	p0 =	seq.s32 s5, $0x0;
	s5 =	sld [smem:$0x3FA8]  }
0x2b: {  	s6 =	sld [smem:$0x3FA9]  }
0x2c: {  	s7 =	sld [smem:$0x3FAA]  }
0x2d: {  	s3 =	simm.s32 $0x108;
	s8 =	sld [smem:$0x3FAB]  }
0x2e: {  	s3 =	simm.s32 @!p0 $0x1082;
	s9 =	sld [smem:$0x3FAC]  }
0x2f: {  	lr =	sadd.s32 s0, s3;
	s0 =	sld [smem:$0x3FA3]  }
0x30: {  	s3 =	sld [smem:$0x3FA6]  }
0x31: {  	[smem:$0x3FAF] =	sst s10  }
0x32: {  	s10 =	sld [smem:$0x3FAD];
	_ =	sdelay $0x3  }
0x33: {  	p0 =	seq.s32 s10, $0x1;
	s10 =	sld [smem:$0x3FAF];
	_ =	sdelay $0x3  }
0x34: {  	[smem:$0x3FAF] =	sst s10  }
0x35: {  	s10 =	sld [smem:$0x3FAE];
	_ =	sdelay $0x3  }
0x36: {  	p1 =	seq.s32 s10, $0x1;
	s10 =	sld [smem:$0x3FAF];
	_ =	sdelay $0x3  }
0x37: {  	[smem:$0x3FAF] =	sst s10  }
0x38: {  	s10 =	sld [smem:$0x3FB0]  }
0x39: {  	_ = 	snop;
	(pc) =	sbr.ind lr, $3  }
0x3a: {  	_ = 	snop  }
0x3b: {  	_ = 	snop  }
0x3c: {  	p2 =	seq.s32 s10, $0x1;
	s10 =	sld [smem:$0x3FAF]  }
0x3d: {  	_ =	shalt  }
0x3e: {  	_ =	shalt  }
0x3f: {  	_ =	shalt  }
0x40: {  	_ =	shalt  }
0x41: {  	_ =	shalt  }
0x42: {  	_ =	shalt  }
0x43: {  	_ =	shalt  }
0x44: {  	_ =	shalt  }
0x45: {  	_ =	shalt  }
0x46: {  	_ =	shalt  }
0x47: {  	_ =	shalt  }
0x48: {  	_ =	shalt  }
0x49: {  	_ =	shalt  }
0x4a: {  	_ =	shalt  }
0x4b: {  	_ =	shalt  }
0x4c: {  	_ =	shalt  }
0x4d: {  	_ =	shalt  }
0x4e: {  	_ =	shalt  }
0x4f: {  	_ =	shalt  }
0x50: {  	_ =	shalt  }
0x51: {  	_ =	shalt  }
0x52: {  	_ =	shalt  }
0x53: {  	_ =	shalt  }
0x54: {  	_ =	shalt  }
0x55: {  	_ =	shalt  }
0x56: {  	_ =	shalt  }
0x57: {  	_ =	shalt  }
0x58: {  	_ =	shalt  }
0x59: {  	_ =	shalt  }
0x5a: {  	_ =	shalt  }
0x5b: {  	_ =	shalt  }
0x5c: {  	_ =	shalt  }
0x5d: {  	_ =	shalt  }
0x5e: {  	_ =	shalt  }
0x5f: {  	_ =	shalt  }
0x60: {  	_ =	shalt  }
0x61: {  	_ =	shalt  }
0x62: {  	_ =	shalt  }
0x63: {  	_ =	shalt  }
0x64: {  	_ =	shalt  }
0x65: {  	_ =	shalt  }
0x66: {  	_ =	shalt  }
0x67: {  	_ =	shalt  }
0x68: {  	_ =	shalt  }
0x69: {  	_ =	shalt  }
0x6a: {  	_ =	shalt  }
0x6b: {  	_ =	shalt  }
0x6c: {  	_ =	shalt  }
0x6d: {  	_ =	shalt  }
0x6e: {  	_ =	shalt  }
0x6f: {  	_ =	shalt  }
0x70: {  	_ =	shalt  }
0x71: {  	_ =	shalt  }
0x72: {  	_ =	shalt  }
0x73: {  	_ =	shalt  }
0x74: {  	_ =	shalt  }
0x75: {  	_ =	shalt  }
0x76: {  	_ =	shalt  }
0x77: {  	_ =	shalt  }
0x78: {  	_ =	shalt  }
0x79: {  	_ =	shalt  }
0x7a: {  	_ =	shalt  }
0x7b: {  	_ =	shalt  }
0x7c: {  	_ =	shalt  }
0x7d: {  	_ =	shalt  }
0x7e: {  	_ =	shalt  }
0x7f: {  	_ =	shalt  }
0x80: {  	_ =	shalt  }
0x81: {  	_ =	shalt  }
0x82: {  	_ =	shalt  }
0x83: {  	_ =	shalt  }
0x84: {  	_ =	shalt  }
0x85: {  	_ =	shalt  }
0x86: {  	_ =	shalt  }
0x87: {  	_ =	shalt  }
.Lfunc_end0:
.L_simem_size_0:
called_computation_lowered:
.L_overlay_start_0:
0x88: {  	s2 =	sld [smem:$0x3FD9]  }
0x89: {  	s3 =	sld [smem:$0x3FFE];
	_ =	sdelay $0x1  }
0x8a: {  	s1 =	srdreg.scid  }
0x8b: {  	s0 =	sand.u32 $0x1, s1  }
0x8c: {  	s17 =	sshll.u32 s0, $0xA;
	s2 =	sadd.s32 s3, s2  }
0x8d: {  	s2 =	sadd.s32 s2, s17  }
0x8e: {  	[smem:$0x3FBB] =	sst s2  }
0x8f: {  	_ = 	snop  }
0x90: {  	s2 =	sld [smem:$0x3FC7]  }
0x91: {  	s18 =	sld [smem:$0x3FC5]  }
0x92: {  	s4 =	sld [smem:$0x3FD0];
	(tm) =	ssettm $0x1  }
0x93: {  	s5 =	sld [smem:$0x3FFB];
	_ =	sdelay $0x3  }
0x94: {  	_ =	strace s5  }
0x95: {  	s5 =	sld [smem:$0x3FFC];
	_ =	sdelay $0x3  }
0x96: {  	_ =	strace s5  }
0x97: {  	s5 =	sld [smem:$0x3FFD];
	_ =	sdelay $0x3  }
0x98: {  	_ =	strace s5  }
0x99: {  	_ =	strace $0x8FFFFFFF  }
0x9a: {  	s19 =	sld [smem:$0x3FDB];
	_ =	sdelay $0x1  }
0x9b: {  	s6 =	simm.s32 $_scs_section_size  }
0x9c: {  	s7 =	simm.s32 $_size__tile_overlayer_lowered;
	s8 =	simm.s32 $_tile_overlayer_lowered  }
0x9d: {  	s22 =	simm.s32 $0x1BFF;
	s21 =	sshll.u32 s8, $0x1;
	s5 =	sadd.s32 s6, s19  }
0x9e: {  	s9 =	simm.s32 $0x0;
	s20 =	sshll.u32 s7, $0x1;
	s7 =	sadd.s32 s21, s5  }
0x9f: {  	[timem:s9], [sflag:s22] =	dma.local [hbm:s7], s20  }
0xa0: {  	_ =	swait.ge [sflag:s22], s20  }
0xa1: {  	s6 =	ssub.s32 $0x0, s20;
	[sflag:s22] =	ssyncset.done $0x0  }
0xa2: {  	[sflag:s22] =	ssyncadd.s32 s6;
	_ =	sdelay $0x1  }
0xa3: {  	s23 =	simm.s32 $0x1B8B  }
0xa4: {  	_ =	swait.ge [sflag:s23], $0x1  }
0xa5: {  	[sflag:s23] =	ssyncset.done $0x0  }
0xa6: {  	s25 =	simm.s32 $0x1B8E;
	s24 =	sld [smem:$0x3FFE];
	[sflag:s23] =	ssyncadd.s32 $0xFFFFFFFF  }
0xa7: {  	s26 =	simm.s32 $execute0_lowered;
	[smem:$0x3FD2] =	sst s25  }
0xa8: {  	s7 =	sshll.u32 s26, $0x1;
	_ =	strace $0x80000046;
	[dreg:$0x1] =	wrdreg $0xFFFFFFFF  }
0xa9: {  	s28 =	simm.s32 $_size_execute0_lowered;
	s5 =	sadd.s32 s5, s7;
	[dreg:$0x0] =	wrdreg $0x0  }
0xaa: {  	s7 =	sshll.u32 s28, $0x1;
	[dreg:$0x2] =	wrdreg s5  }
0xab: {  	[dreg:$0x3] =	wrdreg s7  }
0xac: {  	[dreg:$0x4] =	wrdreg $0xC0  }
0xad: {  	_ =	task [dreg:s9], $0x5FFFF  }
0xae: {  	[dreg:$0x1] =	wrdreg $0xFFFFFFFF  }
0xaf: {  	[dreg:$0x0] =	wrdreg $0x60  }
0xb0: {  	[dreg:$0x2] =	wrdreg s24  }
0xb1: {  	[dreg:$0x3] =	wrdreg s4  }
0xb2: {  	[dreg:$0x4] =	wrdreg s2  }
0xb3: {  	[dreg:$0x5] =	wrdreg s18  }
0xb4: {  	[dreg:$0x6] =	wrdreg $0x9  }
0xb5: {  	_ =	task.clear_ibuf [dreg:s9], $0x7FFFF;
	_ =	strace $0x90000046  }
0xb6: {  	s29 =	simm.s32 $0x9;
	_ =	strace $0x80000048  }
0xb7: {  	_ =	swait.ge [sflag:s29], $0x1  }
0xb8: {  	[sflag:s29] =	ssyncadd.s32 $0xFFFFFFFF  }
0xb9: {  	_ =	strace $0x90000048  }
0xba: {  	_ =	sfence  }
0xbb: {  	s30 =	sld [smem:$0x0];
	_ =	sdelay $0x2  }
0xbc: {  	s31 =	sshll.u32 s1, $0xD;
	s1 =	sshrl.u32 s1, $0x2  }
0xbd: {  	s3 =	sand.u32 $0x4000, s31;
	s1 =	sadd.s32 s1, s30  }
0xbe: {  	s0 =	sor.u32 s3, s0;
	s1 =	sshll.u32 s1, $0x11  }
0xbf: {  	s0 =	sor.u32 s1, s0  }
0xc0: {  	s0 =	sadd.s32 $0x8F2B, s0  }
0xc1: {  	[sflag:s0] =	ssyncadd.remote.s32 $0x1  }
0xc2: {  	_ =	sfence.sel $0xFFFF  }
0xc3: {  	[dreg:$0x0] =	wrdreg $0xFFFFFFFF;
	(pc) =	sbr.abs _section_cstart, $3  }
0xc4: {  	[dreg:$0x1] =	wrdreg $0xFFFFFFFF  }
0xc5: {  	_ =	task.clear_ibuf [dreg:s9], $0x2FFFF;
	_ =	strace $0x9FFFFFFF  }
0xc6: {  	(tm) =	ssettm $0x7FFFFFFF  }
0xc7: {  	_ =	shalt  }
tec
execute0_lowered:
.L_overlay_start_1:
0x0: {  	(tag) =	ssettag $0x1  }
0x1: {  	s0 =	srdreg.scid  }
0x2: {  	s1 =	stileid.u32;
	s2 =	rddreg [dreg:$0x0]  }
0x3: {  	s8 =	rddreg [dreg:$0x2];
	s16 =	simm.s32 $0x3;
	s17 =	simm.s32 $0x9E90  }
0x4: {  	v0 =	vlaneseq.u32;
	v7 =	vimm.f32 $0.0e+00;
	s18 =	simm.s32 $0x9ED0;
	s19 =	simm.s32 $0x9F50;
	s20 =	simm.s32 $0x40  }
0x5: {  	v8 =	vimm.s32 $0x0;
	v10 =	vimm.s32 $0x0;
	vm8 =	vcmask $0x1310;
	s28 =	simm.s32 $0x1C0;
	s29 =	simm.s32 $0x28D0;
	s30 =	simm.s32 $0x4FE0  }
0x6: {  	vm9 =	vcmask $0x1714;
	v12 =	vimm.s32 $0x3C3B3A39;
	v13 =	vimm.s32 $0x3F3F3E3D;
	s31 =	simm.s32 $0x76F0;
	s0 =	sand.u32 $0x1, s0;
	s1 =	sshll.u32 s1, $0x1  }
0x7: {  	v11 =	vimm.f32 $1.000000000e+00;
	vm10 =	vcmask $0x1B18;
	v14 =	vimm.s32 $0x34333231;
	s12 =	sadd.s32 $0x2000, s2;
	s9 =	sadd.s32 $0x16600, s2;
	s23 =	sadd.s32 $0x2200, s2  }
0x8: {  	vm11 =	vcmask $0x1F1C;
	v15 =	vimm.s32 $0x38373635;
	vm12 =	vcmask $0x2320;
	s24 =	sadd.s32 $0x2400, s2;
	s3 =	sor.u32 s0, s1;
	s0 =	ssub.s32 $0x2, s0  }
0x9: {  	vm13 =	vcmask $0x2724;
	vm14 =	vcmask $0x2B28;
	vm15 =	vcmask $0x2F2C;
	s4 =	sshll.u32 s3, $0x1;
	s1 =	sshll.u32 s3, $0x2;
	s7 =	sshllo.u32 s3, $0x1  }
0xa: {  	vm1 =	vcmask $0x3330;
	vm2 =	vcmask $0x3734;
	vm3 =	vcmask $0x3B38;
	s11 =	smul.u32 $0x5000, s3;
	s10 =	sshrl.u32 s0, $0x1;
	s3 =	sshll.u32 s3, $0x4  }
0xb: {  	v9 =	vor.u32 $0x20, v0;
	v12 =	vunpack.c.0.s8.s32 v12;
	v13 =	vunpack.c.0.s8.s32 v13;
	s5 =	sadd.s32 $0xFFFFFFFE, s1;
	s6 =	sshll.u32 s7, $0x1;
	s1 =	rddreg [dreg:$0x1]  }
0xc: {  	v14 =	vunpack.c.0.s8.s32 v14;
	v15 =	vunpack.c.0.s8.s32 v15;
	s22 =	smul.u32 $0x2800, s7;
	s0 =	ssub.s32 s0, s10;
	s10 =	sadd.s32 s12, s3;
	v3 =	vadd.s32 s5, v0  }
0xd: {  	v2 =	vmov s4;
	v4 =	vmov s7;
	s26 =	sshll.u32 s7, $0x3;
	s3 =	simm.s32 $0x2;
	s21 =	sadd.s32 $0xFFFFFFFE, s6;
	vm0 =	vgt.s32 v3, $0x0  }
0xe: {  	v1 =	vmov s11;
	s5 =	simm.s32 $0x0;
	s6 =	sadd.s32 $0x2600, s2;
	s2 =	sadd.s32 $0x16800, s2;
	v5 =	vadd.s32 s21, v0;
	v3 =	vnsel vm0, $0x0, v3  }
0xf: {  	v2 =	vbroadcast v2, $0x0;
	s25 =	sshrl.u32 s11, $0x3;
	s12 =	sadd.s32 s12, s26;
	s14 =	smax.u32 s0, $0x1;
	vm0 =	vgt.s32 v5, $0x0;
	v3 =	vmin.u32 v3, $0x7F  }
0x10: {  	s26 =	simm.s32 $0x1;
	s0 =	simm.s32 $0x0;
	[smem:$0x7FF] =	sst s5;
	v6 =	vnsel vm0, $0x0, v5;
	v5 =	vmov s22;
	vm0 =	vmmov $0x1  }
0x11: {  	s11 =	sadd.s32 s2, s25;
	_ =	strace $0x80000047;
	[dreg:$0x5] =	wrdreg s9;
	v6 =	vmin.u32 v6, $0x7F;
	v8 =	vsel vm0, $0xFFFFFFFF, v8;
	vm0 =	vmmov $0x3  }
0x12: {  	s4 =	sshrl.u32 s22, $0x3;
	s21 =	simm.s32 $0xC0;
	[dreg:$0x6] =	wrdreg s23;
	[tilespmem:$0x1FFE0] =	vst v8;
	v8 =	vor.u32 $0x10, v0;
	v10 =	vsel vm0, $0xFFFFFFFF, v10;
	vm0 =	vcmask $0x1F10  }
0x13: {  	s25 =	simm.s32 $0x180;
	[dreg:$0x7] =	wrdreg s24;
	s13 =	sadd.s32 s2, s4;
	[tilespmem:$0x1FFF0] =	vst v10;
	v10 =	vadd.s32 $0x1, v0;
	v16 =	vsel vm0, v13, v12;
	v14 =	vsel vm0, v15, v14  }
0x14: {  	s23 =	simm.s32 $0x80;
	s24 =	simm.s32 $0x140;
	s22 =	simm.s32 $0x100;
	v12 =	vadd.s32 $0x11, v0;
	v13 =	vadd.s32 $0x21, v0;
	v14 =	vcombine.low v14, v16  }
.LBB2_1:
0x15: {  	s2 =	rddreg [dreg:$0x5];
	s4 =	simm.s32 $0x9E00  }
0x16: {  	[tilespmem:s4], [sflag:$0x3] =	stream.linear.gather [hbm4b:s2+s5], $0x90, $0x38;
	[tilespmem:$0xA040] =	vst v63  }
0x17: {  	_ =	swait.ge [sflag:s16], $0x90  }
0x18: {  	[sflag:s16] =	ssyncset.done $0x0  }
0x19: {  	[sflag:s16] =	ssyncadd.s32 $0xFFFFFF70  }
0x1a: {  	s7 =	rddreg [dreg:$0x3]  }
0x1b: {  	[tilespmem:s17], [sflag:$0x3] =	stream.linear.gather [hbm4b:s7+s5], $0x40, $0x38;
	[tilespmem:$0xA040] =	vst v63  }
0x1c: {  	_ =	swait.ge [sflag:s16], $0x40  }
0x1d: {  	[sflag:s16] =	ssyncset.done $0x0  }
0x1e: {  	s9 =	rddreg [dreg:$0x6];
	[sflag:s16] =	ssyncadd.s32 $0xFFFFFFC0  }
0x1f: {  	[tilespmem:s18], [sflag:$0x3] =	stream.linear.gather [hbm4b:s9+s5], $0x80, $0x38;
	[tilespmem:$0xA040] =	vst v63  }
0x20: {  	_ =	swait.ge [sflag:s16], $0x80  }
0x21: {  	[sflag:s16] =	ssyncset.done $0x0  }
0x22: {  	s15 =	rddreg [dreg:$0x7];
	[sflag:s16] =	ssyncadd.s32 $0xFFFFFF80  }
0x23: {  	[tilespmem:s19], [sflag:$0x3] =	stream.linear.gather [hbm4b:s15+s5], $0xF0, $0x38;
	[tilespmem:$0xA040] =	vst v63  }
0x24: {  	_ =	swait.ge [sflag:s16], $0xF0  }
0x25: {  	[sflag:s16] =	ssyncset.done $0x0  }
0x26: {  	[sflag:s16] =	ssyncadd.s32 $0xFFFFFF10  }
0x27: {  	v21 =	vld [tilespmem:$0x9E00]  }
0x28: {  	v17 =	vld [tilespmem:$0x9E10]  }
0x29: {  	v18 =	vld [tilespmem:$0x9E20]  }
0x2a: {  	v15 =	vld [tilespmem:$0x9E30]  }
0x2b: {  	v19 =	vld [tilespmem:$0x9E50]  }
0x2c: {  	v20 =	vld [tilespmem:$0x9E60]  }
0x2d: {  	v16 =	vld [tilespmem:$0x9E70];
	[tilespmem:s5], [sflag:$0x3] =	stream.linear.gather [hbm4b:s10+s5], $0x40, $0x38  }
0x2e: {  	_ =	swait.ge [sflag:s16], $0x40  }
0x2f: {  	[sflag:s16] =	ssyncset.done $0x0  }
0x30: {  	[sflag:s16] =	ssyncadd.s32 $0xFFFFFFC0  }
0x31: {  	v22 =	vld [tilespmem:$0x0];
	_ =	sdelay $0x1  }
0x32: {  	v23 =	vld [tilespmem:$0x10];
	_ =	sdelay $0x1  }
0x33: {  	v24 =	vld [tilespmem:$0x20]  }
0x34: {  	v25 =	vadd.s32 v1, v22  }
0x35: {  	v63 =	vld [tilespmem:$0x30];
	v22 =	vadd.s32 $0x2800, v22;
	[tilespmem:$0x40] =	vst v25  }
0x36: {  	[tilespmem:$0x80] =	vst v22;
	v22 =	vadd.s32 v1, v23  }
0x37: {  	[tilespmem:$0x50] =	vst v22;
	v22 =	vadd.s32 $0x2800, v23  }
0x38: {  	[tilespmem:$0x90] =	vst v22;
	v22 =	vadd.s32 v1, v24  }
0x39: {  	[tilespmem:$0x60] =	vst v22;
	v22 =	vadd.s32 $0x2800, v24  }
0x3a: {  	[tilespmem:$0xA0] =	vst v22;
	v22 =	vadd.s32 v1, v63  }
0x3b: {  	[tilespmem:$0x70] =	vst v22;
	v22 =	vadd.s32 $0x2800, v63  }
0x3c: {  	[tilespmem:$0xB0] =	vst v22  }
0x3d: {  	[tilespmem:s21], [sflag:$0x1] =	stream.indirect.gather [hbm4b:s6+s20], $0x1, s20, s20, $0xb8;
	[tilespmem:$0xA040] =	vst v63  }
0x3e: {  	_ = 	snop  }
0x3f: {  	[tilespmem:s22], [sflag:$0x1] =	stream.indirect.gather [hbm4b:s1+s20], $0x1, s5, s20, $0xb8;
	[tilespmem:$0xA040] =	vst v63  }
0x40: {  	_ = 	snop  }
0x41: {  	[tilespmem:s24], [sflag:$0x1] =	stream.indirect.gather [hbm4b:s1+s20], $0x1, s23, s20, $0xb8;
	[tilespmem:$0xA040] =	vst v63  }
0x42: {  	s4 =	simm.s32 $0x0;
	s2 =	simm.s32 $0x640;
	s9 =	smov.u32 s8  }
0x43: {  	[tilespmem:s25], [sflag:$0x1] =	stream.indirect.gather [hbm4b:s8+s20], $0x1, s5, s20, $0xb8;
	[tilespmem:$0xA040] =	vst v63  }
.LBB2_2:
0x44: {  	p0 =	sne.s32 s2, $0x9600;
	[tilespmem:s4+$0x2A50] =	vst v7  }
0x45: {  	[tilespmem:s4+$0x1C0] =	vst v7  }
0x46: {  	[tilespmem:s4+$0x28D0] =	vst v7  }
0x47: {  	[tilespmem:s4+$0x1D0] =	vst v7  }
0x48: {  	[tilespmem:s4+$0x28E0] =	vst v7  }
0x49: {  	[tilespmem:s4+$0x1E0] =	vst v7  }
0x4a: {  	[tilespmem:s4+$0x28F0] =	vst v7  }
0x4b: {  	[tilespmem:s4+$0x1F0] =	vst v7  }
0x4c: {  	[tilespmem:s4+$0x2900] =	vst v7  }
0x4d: {  	[tilespmem:s4+$0x200] =	vst v7  }
0x4e: {  	[tilespmem:s4+$0x2910] =	vst v7  }
0x4f: {  	[tilespmem:s4+$0x210] =	vst v7  }
0x50: {  	[tilespmem:s4+$0x2920] =	vst v7  }
0x51: {  	[tilespmem:s4+$0x220] =	vst v7  }
0x52: {  	[tilespmem:s4+$0x2930] =	vst v7  }
0x53: {  	[tilespmem:s4+$0x230] =	vst v7  }
0x54: {  	[tilespmem:s4+$0x2940] =	vst v7  }
0x55: {  	[tilespmem:s4+$0x240] =	vst v7  }
0x56: {  	[tilespmem:s4+$0x2950] =	vst v7  }
0x57: {  	[tilespmem:s4+$0x250] =	vst v7  }
0x58: {  	[tilespmem:s4+$0x2960] =	vst v7  }
0x59: {  	[tilespmem:s4+$0x260] =	vst v7  }
0x5a: {  	[tilespmem:s4+$0x2970] =	vst v7  }
0x5b: {  	[tilespmem:s4+$0x270] =	vst v7  }
0x5c: {  	[tilespmem:s4+$0x2980] =	vst v7  }
0x5d: {  	[tilespmem:s4+$0x280] =	vst v7  }
0x5e: {  	[tilespmem:s4+$0x2990] =	vst v7  }
0x5f: {  	[tilespmem:s4+$0x290] =	vst v7  }
0x60: {  	[tilespmem:s4+$0x29A0] =	vst v7  }
0x61: {  	[tilespmem:s4+$0x2A0] =	vst v7  }
0x62: {  	[tilespmem:s4+$0x29B0] =	vst v7  }
0x63: {  	[tilespmem:s4+$0x2B0] =	vst v7  }
0x64: {  	[tilespmem:s4+$0x29C0] =	vst v7  }
0x65: {  	[tilespmem:s4+$0x2C0] =	vst v7  }
0x66: {  	[tilespmem:s4+$0x29D0] =	vst v7  }
0x67: {  	[tilespmem:s4+$0x2D0] =	vst v7  }
0x68: {  	[tilespmem:s4+$0x29E0] =	vst v7  }
0x69: {  	[tilespmem:s4+$0x2E0] =	vst v7  }
0x6a: {  	[tilespmem:s4+$0x29F0] =	vst v7  }
0x6b: {  	[tilespmem:s4+$0x2F0] =	vst v7  }
0x6c: {  	[tilespmem:s4+$0x2A00] =	vst v7  }
0x6d: {  	[tilespmem:s4+$0x300] =	vst v7  }
0x6e: {  	[tilespmem:s4+$0x2A10] =	vst v7  }
0x6f: {  	[tilespmem:s4+$0x310] =	vst v7  }
0x70: {  	[tilespmem:s4+$0x2A20] =	vst v7  }
.Ltmp0:
0x71: {  	[tilespmem:s4+$0x320] =	vst v7;
	(pc) =	sbr.rel @p0 .LBB2_2-.Ltmp0, $4  }
0x72: {  	[tilespmem:s4+$0x2A30] =	vst v7  }
0x73: {  	[tilespmem:s4+$0x330] =	vst v7  }
0x74: {  	[tilespmem:s4+$0x2A40] =	vst v7  }
0x75: {  	[tilespmem:s4+$0x340] =	vst v7;
	s4 =	sshra.s32 s2, $0x2;
	s2 =	sadd.s32 $0x640, s2  }
0x76: {  	[tilespmem:s4+$0x2A50] =	vst v7  }
0x77: {  	[tilespmem:s4+$0x1C0] =	vst v7  }
0x78: {  	[tilespmem:s4+$0x28D0] =	vst v7  }
0x79: {  	[tilespmem:s4+$0x1D0] =	vst v7  }
0x7a: {  	[tilespmem:s4+$0x28E0] =	vst v7  }
0x7b: {  	[tilespmem:s4+$0x1E0] =	vst v7  }
0x7c: {  	[tilespmem:s4+$0x28F0] =	vst v7  }
0x7d: {  	[tilespmem:s4+$0x1F0] =	vst v7  }
0x7e: {  	[tilespmem:s4+$0x2900] =	vst v7  }
0x7f: {  	[tilespmem:s4+$0x200] =	vst v7  }
0x80: {  	[tilespmem:s4+$0x2910] =	vst v7  }
0x81: {  	[tilespmem:s4+$0x210] =	vst v7  }
0x82: {  	[tilespmem:s4+$0x2920] =	vst v7  }
0x83: {  	[tilespmem:s4+$0x220] =	vst v7  }
0x84: {  	[tilespmem:s4+$0x2930] =	vst v7;
	v22 =	vld [tilespmem:$0x1FFE0]  }
0x85: {  	[tilespmem:s4+$0x230] =	vst v7  }
0x86: {  	[tilespmem:s4+$0x2940] =	vst v7  }
0x87: {  	[tilespmem:s4+$0x240] =	vst v7  }
0x88: {  	[tilespmem:s4+$0x2950] =	vst v7  }
0x89: {  	[tilespmem:s4+$0x250] =	vst v7;
	vm0 =	vnez.u8 v22  }
0x8a: {  	[tilespmem:s4+$0x2960] =	vst v7;
	v22 =	vnsel vm0, $0x0, v21;
	vm0 =	vcmask $0x308  }
0x8b: {  	[tilespmem:s4+$0x260] =	vst v7;
	(xrf2) =	vadd.scan.msk.f32 $0xffff, v22;
	v22 =	vsel vm0, $0x0, v21;
	vm0 =	vcmask $0x70C  }
0x8c: {  	[tilespmem:s4+$0x2970] =	vst v7;
	(xrf2) =	vadd.scan.msk.f32 $0xffff, v22;
	v21 =	vsel vm0, $0x0, v21  }
0x8d: {  	[tilespmem:s4+$0x270] =	vst v7;
	(xrf2) =	vadd.scan.msk.f32 $0xffff, v21  }
0x8e: {  	[tilespmem:s4+$0x2980] =	vst v7  }
0x8f: {  	[tilespmem:s4+$0x280] =	vst v7  }
0x90: {  	[tilespmem:s4+$0x2990] =	vst v7  }
0x91: {  	[tilespmem:s4+$0x290] =	vst v7  }
0x92: {  	[tilespmem:s4+$0x29A0] =	vst v7  }
0x93: {  	[tilespmem:s4+$0x2A0] =	vst v7  }
0x94: {  	[tilespmem:s4+$0x29B0] =	vst v7  }
0x95: {  	[tilespmem:s4+$0x2B0] =	vst v7;
	v21, _, _ =	vpop (xrf2)  }
0x96: {  	[tilespmem:s4+$0x29C0] =	vst v7;
	v22, _, _ =	vpop (xrf2)  }
0x97: {  	[tilespmem:s4+$0x2C0] =	vst v7;
	v23, _, _ =	vpop (xrf2)  }
0x98: {  	[tilespmem:s4+$0x29D0] =	vst v7;
	(v2sf) =	vpush v23, $0xF  }
0x99: {  	[tilespmem:s4+$0x2D0] =	vst v7  }
0x9a: {  	[tilespmem:s4+$0x29E0] =	vst v7  }
0x9b: {  	[tilespmem:s4+$0x2E0] =	vst v7  }
0x9c: {  	[tilespmem:s4+$0x29F0] =	vst v7  }
0x9d: {  	[tilespmem:s4+$0x2F0] =	vst v7  }
0x9e: {  	[tilespmem:s4+$0x2A00] =	vst v7  }
0x9f: {  	[tilespmem:s4+$0x300] =	vst v7  }
0xa0: {  	[tilespmem:s4+$0x2A10] =	vst v7  }
0xa1: {  	[tilespmem:s4+$0x310] =	vst v7  }
0xa2: {  	[tilespmem:s4+$0x2A20] =	vst v7  }
0xa3: {  	[tilespmem:s4+$0x320] =	vst v7  }
0xa4: {  	[tilespmem:s4+$0x2A30] =	vst v7  }
0xa5: {  	[tilespmem:s4+$0x330] =	vst v7  }
0xa6: {  	[tilespmem:s4+$0x2A40] =	vst v7  }
0xa7: {  	[tilespmem:s4+$0x340] =	vst v7;
	s4 =	spop (v2sf)  }
0xa8: {  	_ =	swait.ge [sflag:s26], $0x40  }
0xa9: {  	[sflag:s26] =	ssyncset.done $0x0  }
0xaa: {  	[sflag:s26] =	ssyncadd.s32 $0xFFFFFFC0  }
0xab: {  	_ =	swait.ge [sflag:s26], $0x40  }
0xac: {  	[sflag:s26] =	ssyncset.done $0x0  }
0xad: {  	[sflag:s26] =	ssyncadd.s32 $0xFFFFFFC0  }
0xae: {  	_ =	swait.ge [sflag:s26], $0x40  }
0xaf: {  	[sflag:s26] =	ssyncset.done $0x0  }
0xb0: {  	[sflag:s26] =	ssyncadd.s32 $0xFFFFFFC0  }
0xb1: {  	_ =	swait.ge [sflag:s26], $0x40  }
0xb2: {  	[sflag:s26] =	ssyncset.done $0x0  }
0xb3: {  	[sflag:s26] =	ssyncadd.s32 $0xFFFFFFC0  }
0xb4: {  	v23 =	vld.idx.msk [tilespmem:v2+s17+$0x0], $0xffff  }
0xb5: {  	v29 =	vld [tilespmem:$0x100]  }
0xb6: {  	v28 =	vld [tilespmem:$0x140]  }
0xb7: {  	v27 =	vld [tilespmem:$0x110]  }
0xb8: {  	v26 =	vld [tilespmem:$0x150]  }
0xb9: {  	v25 =	vld [tilespmem:$0x120]  }
0xba: {  	v32 =	vld [tilespmem:$0xC0];
	v23 =	vmul.u32 $0x22, v23  }
0xbb: {  	s2 =	simm.s32 $0x0;
	v33 =	vld [tilespmem:$0x180]  }
0xbc: {  	v35 =	vld.idx.msk [tilespmem:v10+s2+$0x0], $0xffff;
	v31 =	vadd.s32 v0, v23;
	v24 =	vadd.s32 v9, v23  }
0xbd: {  	v30 =	vld [tilespmem:$0x160];
	v34 =	vadd.s32 v8, v23;
	vm0 =	vlt.s32 v24, $0xED  }
0xbe: {  	v21 =	vbroadcast v21, $0xF;
	v22 =	vbroadcast v22, $0xF;
	v57 =	vld.idx.msk [tilespmem:v3+s18+$0x0], $0xffff;
	v36 =	vnsel vm0, $0xED, v24  }
0xbf: {  	v23 =	vld [tilespmem:$0x130]  }
0xc0: {  	v37 =	vmul.f32 v32, v21;
	v38 =	vmul.f32 v33, v22;
	v24 =	vld [tilespmem:$0x170];
	vm0 =	vcmask $0x704  }
0xc1: {  	v31 =	vld.idx.msk [tilespmem:v31+s19+$0x0], $0xffff  }
0xc2: {  	vm4 =	vcmask $0xB08;
	v56 =	vadd.f32 v38, v37;
	v54 =	vld.idx.msk [tilespmem:v34+s19+$0x0], $0xffff  }
0xc3: {  	v55 =	vld.idx.msk [tilespmem:v36+s19+$0x0], $0xffff  }
0xc4: {  	vm5 =	vcmask $0xF0C;
	[tilespmem:v35+s28+$0x0] =	vst.idx.add.f32.msk $0x1, v56  }
0xc5: {  	[tilespmem:v35+s29+$0x0] =	vst.idx.add.f32.msk $0x1, v11  }
0xc6: {  	[tilespmem:v35+s28+$0x0] =	vst.idx.add.f32.msk vm0, v56  }
0xc7: {  	[tilespmem:v35+s29+$0x0] =	vst.idx.add.f32.msk vm0, v11  }
0xc8: {  	[tilespmem:v35+s28+$0x0] =	vst.idx.add.f32.msk vm4, v56  }
0xc9: {  	[tilespmem:v35+s29+$0x0] =	vst.idx.add.f32.msk vm4, v11  }
0xca: {  	[tilespmem:v35+s28+$0x0] =	vst.idx.add.f32.msk vm5, v56  }
0xcb: {  	[tilespmem:v35+s29+$0x0] =	vst.idx.add.f32.msk vm5, v11  }
0xcc: {  	[tilespmem:v35+s28+$0x0] =	vst.idx.add.f32.msk vm8, v56  }
0xcd: {  	[tilespmem:v35+s29+$0x0] =	vst.idx.add.f32.msk vm8, v11  }
0xce: {  	[tilespmem:v35+s28+$0x0] =	vst.idx.add.f32.msk vm9, v56  }
0xcf: {  	[tilespmem:v35+s29+$0x0] =	vst.idx.add.f32.msk vm9, v11  }
0xd0: {  	[tilespmem:v35+s28+$0x0] =	vst.idx.add.f32.msk vm10, v56  }
0xd1: {  	[tilespmem:v35+s29+$0x0] =	vst.idx.add.f32.msk vm10, v11  }
0xd2: {  	[tilespmem:v35+s28+$0x0] =	vst.idx.add.f32.msk vm11, v56  }
0xd3: {  	[tilespmem:v35+s29+$0x0] =	vst.idx.add.f32.msk vm11, v11  }
0xd4: {  	[tilespmem:v35+s28+$0x0] =	vst.idx.add.f32.msk vm12, v56  }
0xd5: {  	[tilespmem:v35+s29+$0x0] =	vst.idx.add.f32.msk vm12, v11  }
0xd6: {  	[tilespmem:v35+s28+$0x0] =	vst.idx.add.f32.msk vm13, v56  }
0xd7: {  	[tilespmem:v35+s29+$0x0] =	vst.idx.add.f32.msk vm13, v11  }
0xd8: {  	[tilespmem:v35+s28+$0x0] =	vst.idx.add.f32.msk vm14, v56  }
0xd9: {  	[tilespmem:v35+s29+$0x0] =	vst.idx.add.f32.msk vm14, v11  }
0xda: {  	[tilespmem:v35+s28+$0x0] =	vst.idx.add.f32.msk vm15, v56  }
0xdb: {  	[tilespmem:v35+s29+$0x0] =	vst.idx.add.f32.msk vm15, v11  }
0xdc: {  	vm6 =	vcmask $0x3F3C;
	[tilespmem:v35+s28+$0x0] =	vst.idx.add.f32.msk vm1, v56  }
0xdd: {  	[tilespmem:v35+s29+$0x0] =	vst.idx.add.f32.msk vm1, v11  }
0xde: {  	[tilespmem:v35+s28+$0x0] =	vst.idx.add.f32.msk vm2, v56  }
0xdf: {  	[tilespmem:v35+s29+$0x0] =	vst.idx.add.f32.msk vm2, v11  }
0xe0: {  	[tilespmem:v35+s28+$0x0] =	vst.idx.add.f32.msk vm3, v56  }
0xe1: {  	[tilespmem:v35+s29+$0x0] =	vst.idx.add.f32.msk vm3, v11  }
0xe2: {  	[tilespmem:v35+s28+$0x0] =	vst.idx.add.f32.msk vm6, v56  }
0xe3: {  	[tilespmem:v35+s29+$0x0] =	vst.idx.add.f32.msk vm6, v11  }
0xe4: {  	v34 =	vld [tilespmem:$0xD0]  }
0xe5: {  	v35 =	vld [tilespmem:$0x190]  }
0xe6: {  	v58 =	vld.idx.msk [tilespmem:v12+s2+$0x0], $0xffff;
	_ =	sdelay $0x3  }
0xe7: {  	v34 =	vmul.f32 v34, v21;
	v35 =	vmul.f32 v35, v22;
	_ =	sdelay $0x1  }
0xe8: {  	v34 =	vadd.f32 v35, v34;
	_ =	sdelay $0x1  }
0xe9: {  	[tilespmem:v58+s28+$0x0] =	vst.idx.add.f32.msk $0x1, v34  }
0xea: {  	[tilespmem:v58+s29+$0x0] =	vst.idx.add.f32.msk $0x1, v11  }
0xeb: {  	[tilespmem:v58+s28+$0x0] =	vst.idx.add.f32.msk vm0, v34  }
0xec: {  	[tilespmem:v58+s29+$0x0] =	vst.idx.add.f32.msk vm0, v11  }
0xed: {  	[tilespmem:v58+s28+$0x0] =	vst.idx.add.f32.msk vm4, v34  }
0xee: {  	[tilespmem:v58+s29+$0x0] =	vst.idx.add.f32.msk vm4, v11  }
0xef: {  	[tilespmem:v58+s28+$0x0] =	vst.idx.add.f32.msk vm5, v34  }
0xf0: {  	[tilespmem:v58+s29+$0x0] =	vst.idx.add.f32.msk vm5, v11  }
0xf1: {  	[tilespmem:v58+s28+$0x0] =	vst.idx.add.f32.msk vm8, v34  }
0xf2: {  	[tilespmem:v58+s29+$0x0] =	vst.idx.add.f32.msk vm8, v11  }
0xf3: {  	[tilespmem:v58+s28+$0x0] =	vst.idx.add.f32.msk vm9, v34  }
0xf4: {  	[tilespmem:v58+s29+$0x0] =	vst.idx.add.f32.msk vm9, v11  }
0xf5: {  	[tilespmem:v58+s28+$0x0] =	vst.idx.add.f32.msk vm10, v34  }
0xf6: {  	[tilespmem:v58+s29+$0x0] =	vst.idx.add.f32.msk vm10, v11  }
0xf7: {  	[tilespmem:v58+s28+$0x0] =	vst.idx.add.f32.msk vm11, v34  }
0xf8: {  	[tilespmem:v58+s29+$0x0] =	vst.idx.add.f32.msk vm11, v11  }
0xf9: {  	[tilespmem:v58+s28+$0x0] =	vst.idx.add.f32.msk vm12, v34  }
0xfa: {  	[tilespmem:v58+s29+$0x0] =	vst.idx.add.f32.msk vm12, v11  }
0xfb: {  	[tilespmem:v58+s28+$0x0] =	vst.idx.add.f32.msk vm13, v34  }
0xfc: {  	[tilespmem:v58+s29+$0x0] =	vst.idx.add.f32.msk vm13, v11  }
0xfd: {  	[tilespmem:v58+s28+$0x0] =	vst.idx.add.f32.msk vm14, v34  }
0xfe: {  	[tilespmem:v58+s29+$0x0] =	vst.idx.add.f32.msk vm14, v11  }
0xff: {  	[tilespmem:v58+s28+$0x0] =	vst.idx.add.f32.msk vm15, v34  }
0x100: {  	[tilespmem:v58+s29+$0x0] =	vst.idx.add.f32.msk vm15, v11  }
0x101: {  	[tilespmem:v58+s28+$0x0] =	vst.idx.add.f32.msk vm1, v34  }
0x102: {  	[tilespmem:v58+s29+$0x0] =	vst.idx.add.f32.msk vm1, v11  }
0x103: {  	[tilespmem:v58+s28+$0x0] =	vst.idx.add.f32.msk vm2, v34  }
0x104: {  	[tilespmem:v58+s29+$0x0] =	vst.idx.add.f32.msk vm2, v11  }
0x105: {  	[tilespmem:v58+s28+$0x0] =	vst.idx.add.f32.msk vm3, v34  }
0x106: {  	[tilespmem:v58+s29+$0x0] =	vst.idx.add.f32.msk vm3, v11  }
0x107: {  	[tilespmem:v58+s28+$0x0] =	vst.idx.add.f32.msk vm6, v34  }
0x108: {  	[tilespmem:v58+s29+$0x0] =	vst.idx.add.f32.msk vm6, v11  }
0x109: {  	v34 =	vld [tilespmem:$0xE0]  }
0x10a: {  	v59 =	vld [tilespmem:$0x1A0]  }
0x10b: {  	v37 =	vld.idx.msk [tilespmem:v13+s2+$0x0], $0xffff;
	_ =	sdelay $0x3  }
0x10c: {  	v34 =	vmul.f32 v34, v21;
	v35 =	vmul.f32 v59, v22;
	_ =	sdelay $0x1  }
0x10d: {  	v34 =	vadd.f32 v35, v34;
	_ =	sdelay $0x1  }
0x10e: {  	[tilespmem:v37+s28+$0x0] =	vst.idx.add.f32.msk $0x1, v34  }
0x10f: {  	[tilespmem:v37+s29+$0x0] =	vst.idx.add.f32.msk $0x1, v11  }
0x110: {  	[tilespmem:v37+s28+$0x0] =	vst.idx.add.f32.msk vm0, v34  }
0x111: {  	[tilespmem:v37+s29+$0x0] =	vst.idx.add.f32.msk vm0, v11  }
0x112: {  	[tilespmem:v37+s28+$0x0] =	vst.idx.add.f32.msk vm4, v34  }
0x113: {  	[tilespmem:v37+s29+$0x0] =	vst.idx.add.f32.msk vm4, v11  }
0x114: {  	[tilespmem:v37+s28+$0x0] =	vst.idx.add.f32.msk vm5, v34  }
0x115: {  	[tilespmem:v37+s29+$0x0] =	vst.idx.add.f32.msk vm5, v11  }
0x116: {  	[tilespmem:v37+s28+$0x0] =	vst.idx.add.f32.msk vm8, v34  }
0x117: {  	[tilespmem:v37+s29+$0x0] =	vst.idx.add.f32.msk vm8, v11  }
0x118: {  	[tilespmem:v37+s28+$0x0] =	vst.idx.add.f32.msk vm9, v34  }
0x119: {  	[tilespmem:v37+s29+$0x0] =	vst.idx.add.f32.msk vm9, v11  }
0x11a: {  	[tilespmem:v37+s28+$0x0] =	vst.idx.add.f32.msk vm10, v34  }
0x11b: {  	[tilespmem:v37+s29+$0x0] =	vst.idx.add.f32.msk vm10, v11  }
0x11c: {  	[tilespmem:v37+s28+$0x0] =	vst.idx.add.f32.msk vm11, v34  }
0x11d: {  	[tilespmem:v37+s29+$0x0] =	vst.idx.add.f32.msk vm11, v11  }
0x11e: {  	[tilespmem:v37+s28+$0x0] =	vst.idx.add.f32.msk vm12, v34  }
0x11f: {  	[tilespmem:v37+s29+$0x0] =	vst.idx.add.f32.msk vm12, v11  }
0x120: {  	[tilespmem:v37+s28+$0x0] =	vst.idx.add.f32.msk vm13, v34  }
0x121: {  	[tilespmem:v37+s29+$0x0] =	vst.idx.add.f32.msk vm13, v11  }
0x122: {  	[tilespmem:v37+s28+$0x0] =	vst.idx.add.f32.msk vm14, v34  }
0x123: {  	[tilespmem:v37+s29+$0x0] =	vst.idx.add.f32.msk vm14, v11  }
0x124: {  	[tilespmem:v37+s28+$0x0] =	vst.idx.add.f32.msk vm15, v34  }
0x125: {  	[tilespmem:v37+s29+$0x0] =	vst.idx.add.f32.msk vm15, v11  }
0x126: {  	[tilespmem:v37+s28+$0x0] =	vst.idx.add.f32.msk vm1, v34  }
0x127: {  	[tilespmem:v37+s29+$0x0] =	vst.idx.add.f32.msk vm1, v11  }
0x128: {  	[tilespmem:v37+s28+$0x0] =	vst.idx.add.f32.msk vm2, v34  }
0x129: {  	[tilespmem:v37+s29+$0x0] =	vst.idx.add.f32.msk vm2, v11  }
0x12a: {  	[tilespmem:v37+s28+$0x0] =	vst.idx.add.f32.msk vm3, v34  }
0x12b: {  	[tilespmem:v37+s29+$0x0] =	vst.idx.add.f32.msk vm3, v11  }
0x12c: {  	[tilespmem:v37+s28+$0x0] =	vst.idx.add.f32.msk vm6, v34  }
0x12d: {  	[tilespmem:v37+s29+$0x0] =	vst.idx.add.f32.msk vm6, v11  }
0x12e: {  	v34 =	vld [tilespmem:$0xF0]  }
0x12f: {  	v60 =	vld [tilespmem:$0x1B0]  }
0x130: {  	v37 =	vld.idx.msk [tilespmem:v14+s2+$0x0], $0xffff;
	_ =	sdelay $0x3  }
0x131: {  	v34 =	vmul.f32 v34, v21;
	v35 =	vmul.f32 v60, v22  }
0x132: {  	v28 =	vadd.f32 $0.0e+00, v28  }
0x133: {  	v34 =	vadd.f32 v35, v34  }
0x134: {  	v26 =	vadd.f32 v26, v28;
	v28 =	vld [tilespmem:$0x1FFF0]  }
0x135: {  	[tilespmem:v37+s28+$0x0] =	vst.idx.add.f32.msk $0x1, v34  }
0x136: {  	[tilespmem:v37+s29+$0x0] =	vst.idx.add.f32.msk $0x1, v11  }
0x137: {  	[tilespmem:v37+s28+$0x0] =	vst.idx.add.f32.msk vm0, v34  }
0x138: {  	v29 =	vadd.f32 $0.0e+00, v29;
	[tilespmem:v37+s29+$0x0] =	vst.idx.add.f32.msk vm0, v11  }
0x139: {  	[tilespmem:v37+s28+$0x0] =	vst.idx.add.f32.msk vm4, v34  }
0x13a: {  	v27 =	vadd.f32 v27, v29;
	[tilespmem:v37+s29+$0x0] =	vst.idx.add.f32.msk vm4, v11  }
0x13b: {  	[tilespmem:v37+s28+$0x0] =	vst.idx.add.f32.msk vm5, v34  }
0x13c: {  	v25 =	vadd.f32 v25, v27;
	v26 =	vadd.f32 v30, v26;
	[tilespmem:v37+s29+$0x0] =	vst.idx.add.f32.msk vm5, v11  }
0x13d: {  	v29 =	vmul.f32 v54, v18;
	v30 =	vmul.f32 v31, v19;
	vm0 =	vcmask $0xF08;
	[tilespmem:v37+s28+$0x0] =	vst.idx.add.f32.msk vm8, v34  }
0x13e: {  	v27 =	vnsel vm0, $0x0, v57;
	vm0 =	vnez.u8 v28;
	v28 =	vmul.f32 v31, v17;
	[tilespmem:v37+s29+$0x0] =	vst.idx.add.f32.msk vm8, v11  }
0x13f: {  	v31 =	vmul.f32 v54, v20;
	v27 =	vsel vm0, v55, v27;
	[tilespmem:v37+s28+$0x0] =	vst.idx.add.f32.msk vm9, v34  }
0x140: {  	v28 =	vadd.f32 v29, v28;
	v29 =	vmul.f32 v27, v15;
	[tilespmem:v37+s29+$0x0] =	vst.idx.add.f32.msk vm9, v11  }
0x141: {  	v30 =	vadd.f32 v31, v30;
	v27 =	vmul.f32 v27, v16;
	[tilespmem:v37+s28+$0x0] =	vst.idx.add.f32.msk vm10, v34  }
0x142: {  	v23 =	vadd.f32 v23, v25;
	v25 =	vadd.f32 v29, v28;
	[tilespmem:v37+s29+$0x0] =	vst.idx.add.f32.msk vm10, v11  }
0x143: {  	v24 =	vadd.f32 v24, v26;
	v26 =	vadd.f32 v27, v30;
	[tilespmem:v37+s28+$0x0] =	vst.idx.add.f32.msk vm11, v34  }
0x144: {  	v23 =	vadd.f32 v25, v23;
	[tilespmem:v37+s29+$0x0] =	vst.idx.add.f32.msk vm11, v11  }
0x145: {  	v24 =	vadd.f32 v26, v24;
	[tilespmem:v37+s28+$0x0] =	vst.idx.add.f32.msk vm12, v34  }
0x146: {  	(xrf2) =	vadd.scan.msk.f32 $0xffff, v23;
	[tilespmem:v37+s29+$0x0] =	vst.idx.add.f32.msk vm12, v11  }
0x147: {  	(xrf2) =	vadd.scan.msk.f32 $0xffff, v24;
	[tilespmem:v37+s28+$0x0] =	vst.idx.add.f32.msk vm13, v34  }
0x148: {  	[tilespmem:v37+s29+$0x0] =	vst.idx.add.f32.msk vm13, v11  }
0x149: {  	[tilespmem:v37+s28+$0x0] =	vst.idx.add.f32.msk vm14, v34  }
0x14a: {  	[tilespmem:v37+s29+$0x0] =	vst.idx.add.f32.msk vm14, v11  }
0x14b: {  	[tilespmem:v37+s28+$0x0] =	vst.idx.add.f32.msk vm15, v34  }
0x14c: {  	[tilespmem:v37+s29+$0x0] =	vst.idx.add.f32.msk vm15, v11  }
0x14d: {  	vm0 =	vmxor vm0, vm0;
	[tilespmem:v37+s28+$0x0] =	vst.idx.add.f32.msk vm1, v34  }
0x14e: {  	[tilespmem:v37+s29+$0x0] =	vst.idx.add.f32.msk vm1, v11  }
0x14f: {  	[tilespmem:v37+s28+$0x0] =	vst.idx.add.f32.msk vm2, v34  }
0x150: {  	v23, _, _ =	vpop (xrf2);
	[tilespmem:v37+s29+$0x0] =	vst.idx.add.f32.msk vm2, v11  }
0x151: {  	v24, _, _ =	vpop (xrf2);
	[tilespmem:v37+s28+$0x0] =	vst.idx.add.f32.msk vm3, v34  }
0x152: {  	(v2sf) =	vpush v24, $0xF;
	[tilespmem:v37+s29+$0x0] =	vst.idx.add.f32.msk vm3, v11  }
0x153: {  	[tilespmem:v37+s28+$0x0] =	vst.idx.add.f32.msk vm0, v34  }
0x154: {  	s2 =	simm.s32 $0x0;
	[tilespmem:v37+s29+$0x0] =	vst.idx.add.f32.msk vm0, v11  }
0x155: {  	v30 =	vld [tilespmem:s2+$0x28D0]  }
0x156: {  	v31 =	vld [tilespmem:s2+$0x28E0]  }
0x157: {  	v34 =	vld [tilespmem:s2+$0x28F0];
	_ =	sdelay $0x1  }
0x158: {  	v61 =	vld [tilespmem:s2+$0x2900]  }
0x159: {  	v62 =	vld [tilespmem:s2+$0x2910];
	v24 =	vmax.f32 v30, $1.000000000e+00  }
0x15a: {  	s15 =	simm.s32 $0x50;
	v26 =	vmax.f32 v31, $1.000000000e+00;
	(erf) = vrcp.f32 v24  }
0x15b: {  	v25 =	vld [tilespmem:s15+$0x28D0];
	v24 =	vmax.f32 v34, $1.000000000e+00;
	(erf) = vrcp.f32 v26  }
0x15c: {  	v27 =	vld [tilespmem:s15+$0x28F0];
	(erf) = vrcp.f32 v24  }
0x15d: {  	v28 =	vld [tilespmem:s15+$0x2900];
	v29 =	vmax.f32 v61, $1.000000000e+00  }
0x15e: {  	v63 =	vmax.f32 v62, $1.000000000e+00;
	v26 =	vld [tilespmem:s15+$0x28E0];
	(erf) = vrcp.f32 v29  }
0x15f: {  	v29 =	vld [tilespmem:s15+$0x2910];
	(erf) = vrcp.f32 v63  }
0x160: {  	v32 =	vld [tilespmem:s2+$0x1C0];
	vm4 =	vge.f32 v30, $5.000000000e-01;
	vm6 =	vge.f32 v31, $5.000000000e-01;
	s7 =	spop (v2sf)  }
0x161: {  	v33 =	vld [tilespmem:s2+$0x1D0];
	vm0 =	vge.f32 v34, $5.000000000e-01;
	v38 =	vmax.f32 v25, $1.000000000e+00;
	s7 =	sadd.f32 s7, s4;
	v24 =	vbroadcast v23, $0xF  }
0x162: {  	vm5 =	vge.f32 v61, $5.000000000e-01;
	v35 =	vmax.f32 v27, $1.000000000e+00;
	v30 =	vmax.f32 v28, $1.000000000e+00;
	v34 =	vld [tilespmem:s2+$0x1E0]  }
0x163: {  	v36 =	vld [tilespmem:s2+$0x1F0];
	v23 =	vmov s7;
	v41 =	vnsel vm4, $0x0, v24;
	v40 =	vnsel vm6, $0x0, v24;
	v42 =	vpop (erf)  }
0x164: {  	v37 =	vld [tilespmem:s2+$0x200];
	vm4 =	vge.f32 v62, $5.000000000e-01;
	s7 =	simm.s32 $0x280;
	v39 =	vmax.f32 v26, $1.000000000e+00;
	v31 =	vmax.f32 v29, $1.000000000e+00;
	v43 =	vpop (erf)  }
.LBB2_4:
0x165: {  	p0 =	sne.s32 s7, $0x9B00;
	v48 =	vmul.f32 v42, v32;
	v42 =	vnsel vm0, $0x0, v24;
	v44 =	vnsel vm5, $0x0, v24;
	v45 =	vpop (erf)  }
0x166: {  	s8 =	sshra.s32 s7, $0x2;
	v46 =	vmovc v29;
	(erf) = vrcp.f32 v38;
	v33 =	vmul.f32 v43, v33;
	v38 =	vnsel vm4, $0x0, v24;
	v43 =	vmovc v28  }
0x167: {  	v47 =	vld [tilespmem:s8+$0x28D0];
	(erf) = vrcp.f32 v39;
	v28 =	vadd.f32 v48, v41;
	v29 =	vmul.f32 v45, v34;
	v32 =	vpop (erf)  }
0x168: {  	v34 =	vld [tilespmem:s8+$0x28E0];
	(erf) = vrcp.f32 v35;
	v33 =	vadd.f32 v33, v40;
	v32 =	vmul.f32 v32, v36;
	v35 =	vpop (erf)  }
0x169: {  	v36 =	vld [tilespmem:s8+$0x28F0];
	v39 =	vadd.f32 v28, v23;
	v40 =	vadd.f32 v29, v42;
	v35 =	vmul.f32 v35, v37  }
0x16a: {  	v28 =	vld [tilespmem:s8+$0x2900];
	(erf) = vrcp.f32 v30;
	v30 =	vadd.f32 v33, v23;
	v33 =	vadd.f32 v32, v44  }
0x16b: {  	v29 =	vld [tilespmem:s8+$0x2910];
	(erf) = vrcp.f32 v31;
	[tilespmem:s2+$0x1C0] =	vst v39;
	v31 =	vadd.f32 v40, v23;
	v35 =	vadd.f32 v35, v38  }
.Ltmp1:
0x16c: {  	vm6 =	vge.f32 v25, $5.000000000e-01;
	v32 =	vld [tilespmem:s15+$0x1C0];
	[tilespmem:s2+$0x1D0] =	vst v30;
	v30 =	vadd.f32 v33, v23;
	v25 =	vmov v47;
	(pc) =	sbr.rel @p0 .LBB2_4-.Ltmp1, $4  }
0x16d: {  	vm7 =	vge.f32 v26, $5.000000000e-01;
	vm0 =	vge.f32 v27, $5.000000000e-01;
	v33 =	vld [tilespmem:s15+$0x1D0];
	[tilespmem:s2+$0x1E0] =	vst v31;
	v31 =	vadd.f32 v35, v23;
	v26 =	vmovc v34  }
0x16e: {  	vm4 =	vge.f32 v46, $5.000000000e-01;
	vm5 =	vge.f32 v43, $5.000000000e-01;
	v38 =	vmax.f32 v25, $1.000000000e+00;
	v34 =	vld [tilespmem:s15+$0x1E0];
	[tilespmem:s2+$0x1F0] =	vst v30;
	v27 =	vmovc v36  }
0x16f: {  	v39 =	vmax.f32 v26, $1.000000000e+00;
	v35 =	vmax.f32 v27, $1.000000000e+00;
	v30 =	vmax.f32 v28, $1.000000000e+00;
	v36 =	vld [tilespmem:s15+$0x1F0];
	v42 =	vpop (erf);
	[tilespmem:s2+$0x200] =	vst v31;
	s2 =	smov.u32 s15;
	s15 =	smov.u32 s8  }
0x170: {  	s7 =	sadd.s32 $0x140, s7;
	v41 =	vnsel vm6, $0x0, v24;
	v40 =	vnsel vm7, $0x0, v24;
	v31 =	vmax.f32 v29, $1.000000000e+00;
	v37 =	vld [tilespmem:s2+$0x200];
	v43 =	vpop (erf)  }
0x171: {  	v32 =	vmul.f32 v42, v32  }
0x172: {  	v59 =	vpop (erf);
	(erf) = vrcp.f32 v38;
	v60 =	vnsel vm0, $0x0, v24  }
0x173: {  	v33 =	vmul.f32 v43, v33;
	(erf) = vrcp.f32 v39;
	v32 =	vadd.f32 v32, v41  }
0x174: {  	v62 =	vnsel vm5, $0x0, v24;
	v34 =	vmul.f32 v59, v34;
	v61 =	vpop (erf);
	(erf) = vrcp.f32 v35  }
0x175: {  	v33 =	vadd.f32 v33, v40;
	v36 =	vmul.f32 v61, v36;
	v63 =	vpop (erf);
	v32 =	vadd.f32 v32, v23  }
0x176: {  	v41 =	vnsel vm4, $0x0, v24;
	v34 =	vadd.f32 v34, v60;
	v35 =	vmul.f32 v63, v37  }
0x177: {  	(erf) = vrcp.f32 v30;
	v33 =	vadd.f32 v33, v23;
	[tilespmem:s2+$0x1C0] =	vst v32;
	v32 =	vadd.f32 v36, v62  }
0x178: {  	(erf) = vrcp.f32 v31;
	v34 =	vadd.f32 v34, v23;
	v43 =	vadd.f32 v35, v41  }
0x179: {  	v40 =	vld [tilespmem:s15+$0x1C0];
	[tilespmem:s2+$0x1D0] =	vst v33;
	v32 =	vadd.f32 v32, v23  }
0x17a: {  	v42 =	vld [tilespmem:s15+$0x1D0];
	[tilespmem:s2+$0x1E0] =	vst v34;
	v31 =	vadd.f32 v43, v23  }
0x17b: {  	v44 =	vld [tilespmem:s15+$0x1E0];
	[tilespmem:s2+$0x1F0] =	vst v32  }
0x17c: {  	v32 =	vld [tilespmem:s15+$0x1F0];
	[tilespmem:s2+$0x200] =	vst v31  }
0x17d: {  	vm0 =	vge.f32 v25, $5.000000000e-01;
	vm5 =	vge.f32 v27, $5.000000000e-01;
	vm6 =	vge.f32 v28, $5.000000000e-01;
	v45 =	vpop (erf);
	v46 =	vld [tilespmem:s15+$0x200]  }
0x17e: {  	vm7 =	vge.f32 v29, $5.000000000e-01;
	v48 =	vnsel vm0, $0x0, v24;
	v47 =	vpop (erf);
	v25 =	vmul.f32 v45, v40  }
0x17f: {  	v51 =	vnsel vm5, $0x0, v24;
	vm4 =	vge.f32 v26, $5.000000000e-01;
	v50 =	vpop (erf);
	v27 =	vmul.f32 v47, v42  }
0x180: {  	v49 =	vnsel vm4, $0x0, v24;
	v53 =	vpop (erf);
	v25 =	vadd.f32 v25, v48;
	v52 =	vmul.f32 v50, v44  }
0x181: {  	v54 =	vnsel vm6, $0x0, v24;
	v56 =	vpop (erf);
	v27 =	vadd.f32 v27, v49;
	v55 =	vmul.f32 v53, v32  }
0x182: {  	v25 =	vadd.f32 v25, v23;
	v28 =	vadd.f32 v52, v51;
	v26 =	vmul.f32 v56, v46  }
0x183: {  	v57 =	vnsel vm7, $0x0, v24;
	v27 =	vadd.f32 v27, v23;
	v29 =	vadd.f32 v55, v54  }
0x184: {  	[tilespmem:s15+$0x1C0] =	vst v25;
	v58 =	vadd.f32 v28, v23;
	v24 =	vadd.f32 v26, v57  }
0x185: {  	[tilespmem:s15+$0x1D0] =	vst v27;
	v59 =	vadd.f32 v29, v23  }
0x186: {  	[tilespmem:s15+$0x1E0] =	vst v58;
	v23 =	vadd.f32 v24, v23  }
0x187: {  	[tilespmem:s15+$0x1F0] =	vst v59  }
0x188: {  	[tilespmem:s15+$0x200] =	vst v23;
	s15 =	simm.s32 $0x0  }
0x189: {  	[hbm4b:s11+s15] =	stream.linear.scatter [tilespmem:s28], [sflag:$0x2], $0x2710, $0x38;
	[tilespmem:$0xA040] =	vst v63  }
0x18a: {  	_ = 	snop  }
0x18b: {  	[tilespmem:s15], [sflag:$0x3] =	stream.linear.gather [hbm4b:s12+s15], $0x40, $0x38;
	[tilespmem:$0xA040] =	vst v63  }
0x18c: {  	_ =	swait.ge [sflag:s16], $0x40  }
0x18d: {  	[sflag:s16] =	ssyncset.done $0x0  }
0x18e: {  	[sflag:s16] =	ssyncadd.s32 $0xFFFFFFC0  }
0x18f: {  	v23 =	vld [tilespmem:$0x0];
	_ =	sdelay $0x1  }
0x190: {  	v60 =	vld [tilespmem:$0x10];
	_ =	sdelay $0x1  }
0x191: {  	v61 =	vld [tilespmem:$0x20]  }
0x192: {  	v62 =	vadd.s32 v5, v23  }
0x193: {  	v63 =	vld [tilespmem:$0x30];
	v23 =	vadd.s32 $0x2800, v23;
	[tilespmem:$0x40] =	vst v62  }
0x194: {  	[tilespmem:$0x80] =	vst v23;
	v23 =	vadd.s32 v5, v60  }
0x195: {  	[tilespmem:$0x50] =	vst v23;
	v23 =	vadd.s32 $0x2800, v60  }
0x196: {  	[tilespmem:$0x90] =	vst v23;
	v23 =	vadd.s32 v5, v61  }
0x197: {  	[tilespmem:$0x60] =	vst v23;
	v23 =	vadd.s32 $0x2800, v61  }
0x198: {  	[tilespmem:$0xA0] =	vst v23;
	v23 =	vadd.s32 v5, v63  }
0x199: {  	[tilespmem:$0x70] =	vst v23;
	v23 =	vadd.s32 $0x2800, v63  }
0x19a: {  	[tilespmem:$0xB0] =	vst v23  }
0x19b: {  	[tilespmem:s21], [sflag:$0x1] =	stream.indirect.gather [hbm4b:s6+s20], $0x1, s20, s20, $0xb8;
	[tilespmem:$0xA040] =	vst v63  }
0x19c: {  	_ = 	snop  }
0x19d: {  	[tilespmem:s22], [sflag:$0x1] =	stream.indirect.gather [hbm4b:s1+s20], $0x1, s15, s20, $0xb8;
	[tilespmem:$0xA040] =	vst v63  }
0x19e: {  	_ = 	snop  }
0x19f: {  	[tilespmem:s24], [sflag:$0x1] =	stream.indirect.gather [hbm4b:s1+s20], $0x1, s23, s20, $0xb8;
	[tilespmem:$0xA040] =	vst v63  }
0x1a0: {  	_ = 	snop  }
0x1a1: {  	[tilespmem:s25], [sflag:$0x1] =	stream.indirect.gather [hbm4b:s9+s20], $0x1, s15, s20, $0xb8;
	[tilespmem:$0xA040] =	vst v63  }
0x1a2: {  	s8 =	smov.u32 s9;
	s2 =	simm.s32 $0x0;
	s15 =	simm.s32 $0x640  }
.LBB2_6:
0x1a3: {  	p0 =	sne.s32 s15, $0x9600;
	[tilespmem:s2+$0x7870] =	vst v7  }
0x1a4: {  	[tilespmem:s2+$0x4FE0] =	vst v7  }
0x1a5: {  	[tilespmem:s2+$0x76F0] =	vst v7  }
0x1a6: {  	[tilespmem:s2+$0x4FF0] =	vst v7  }
0x1a7: {  	[tilespmem:s2+$0x7700] =	vst v7  }
0x1a8: {  	[tilespmem:s2+$0x5000] =	vst v7  }
0x1a9: {  	[tilespmem:s2+$0x7710] =	vst v7  }
0x1aa: {  	[tilespmem:s2+$0x5010] =	vst v7  }
0x1ab: {  	[tilespmem:s2+$0x7720] =	vst v7  }
0x1ac: {  	[tilespmem:s2+$0x5020] =	vst v7  }
0x1ad: {  	[tilespmem:s2+$0x7730] =	vst v7  }
0x1ae: {  	[tilespmem:s2+$0x5030] =	vst v7  }
0x1af: {  	[tilespmem:s2+$0x7740] =	vst v7  }
0x1b0: {  	[tilespmem:s2+$0x5040] =	vst v7  }
0x1b1: {  	[tilespmem:s2+$0x7750] =	vst v7  }
0x1b2: {  	[tilespmem:s2+$0x5050] =	vst v7  }
0x1b3: {  	[tilespmem:s2+$0x7760] =	vst v7  }
0x1b4: {  	[tilespmem:s2+$0x5060] =	vst v7  }
0x1b5: {  	[tilespmem:s2+$0x7770] =	vst v7  }
0x1b6: {  	[tilespmem:s2+$0x5070] =	vst v7  }
0x1b7: {  	[tilespmem:s2+$0x7780] =	vst v7  }
0x1b8: {  	[tilespmem:s2+$0x5080] =	vst v7  }
0x1b9: {  	[tilespmem:s2+$0x7790] =	vst v7  }
0x1ba: {  	[tilespmem:s2+$0x5090] =	vst v7  }
0x1bb: {  	[tilespmem:s2+$0x77A0] =	vst v7  }
0x1bc: {  	[tilespmem:s2+$0x50A0] =	vst v7  }
0x1bd: {  	[tilespmem:s2+$0x77B0] =	vst v7  }
0x1be: {  	[tilespmem:s2+$0x50B0] =	vst v7  }
0x1bf: {  	[tilespmem:s2+$0x77C0] =	vst v7  }
0x1c0: {  	[tilespmem:s2+$0x50C0] =	vst v7  }
0x1c1: {  	[tilespmem:s2+$0x77D0] =	vst v7  }
0x1c2: {  	[tilespmem:s2+$0x50D0] =	vst v7  }
0x1c3: {  	[tilespmem:s2+$0x77E0] =	vst v7  }
0x1c4: {  	[tilespmem:s2+$0x50E0] =	vst v7  }
0x1c5: {  	[tilespmem:s2+$0x77F0] =	vst v7  }
0x1c6: {  	[tilespmem:s2+$0x50F0] =	vst v7  }
0x1c7: {  	[tilespmem:s2+$0x7800] =	vst v7  }
0x1c8: {  	[tilespmem:s2+$0x5100] =	vst v7  }
0x1c9: {  	[tilespmem:s2+$0x7810] =	vst v7  }
0x1ca: {  	[tilespmem:s2+$0x5110] =	vst v7  }
0x1cb: {  	[tilespmem:s2+$0x7820] =	vst v7  }
0x1cc: {  	[tilespmem:s2+$0x5120] =	vst v7  }
0x1cd: {  	[tilespmem:s2+$0x7830] =	vst v7  }
0x1ce: {  	[tilespmem:s2+$0x5130] =	vst v7  }
0x1cf: {  	[tilespmem:s2+$0x7840] =	vst v7  }
.Ltmp2:
0x1d0: {  	[tilespmem:s2+$0x5140] =	vst v7;
	(pc) =	sbr.rel @p0 .LBB2_6-.Ltmp2, $4  }
0x1d1: {  	[tilespmem:s2+$0x7850] =	vst v7  }
0x1d2: {  	[tilespmem:s2+$0x5150] =	vst v7  }
0x1d3: {  	[tilespmem:s2+$0x7860] =	vst v7  }
0x1d4: {  	[tilespmem:s2+$0x5160] =	vst v7;
	s2 =	sshra.s32 s15, $0x2;
	s15 =	sadd.s32 $0x640, s15  }
0x1d5: {  	[tilespmem:s2+$0x7870] =	vst v7  }
0x1d6: {  	[tilespmem:s2+$0x4FE0] =	vst v7  }
0x1d7: {  	[tilespmem:s2+$0x76F0] =	vst v7  }
0x1d8: {  	[tilespmem:s2+$0x4FF0] =	vst v7  }
0x1d9: {  	[tilespmem:s2+$0x7700] =	vst v7  }
0x1da: {  	[tilespmem:s2+$0x5000] =	vst v7  }
0x1db: {  	[tilespmem:s2+$0x7710] =	vst v7  }
0x1dc: {  	[tilespmem:s2+$0x5010] =	vst v7  }
0x1dd: {  	[tilespmem:s2+$0x7720] =	vst v7  }
0x1de: {  	[tilespmem:s2+$0x5020] =	vst v7  }
0x1df: {  	[tilespmem:s2+$0x7730] =	vst v7  }
0x1e0: {  	[tilespmem:s2+$0x5030] =	vst v7  }
0x1e1: {  	[tilespmem:s2+$0x7740] =	vst v7  }
0x1e2: {  	[tilespmem:s2+$0x5040] =	vst v7  }
0x1e3: {  	[tilespmem:s2+$0x7750] =	vst v7  }
0x1e4: {  	[tilespmem:s2+$0x5050] =	vst v7  }
0x1e5: {  	[tilespmem:s2+$0x7760] =	vst v7  }
0x1e6: {  	[tilespmem:s2+$0x5060] =	vst v7  }
0x1e7: {  	[tilespmem:s2+$0x7770] =	vst v7  }
0x1e8: {  	[tilespmem:s2+$0x5070] =	vst v7  }
0x1e9: {  	[tilespmem:s2+$0x7780] =	vst v7  }
0x1ea: {  	[tilespmem:s2+$0x5080] =	vst v7  }
0x1eb: {  	[tilespmem:s2+$0x7790] =	vst v7  }
0x1ec: {  	[tilespmem:s2+$0x5090] =	vst v7  }
0x1ed: {  	[tilespmem:s2+$0x77A0] =	vst v7  }
0x1ee: {  	[tilespmem:s2+$0x50A0] =	vst v7  }
0x1ef: {  	[tilespmem:s2+$0x77B0] =	vst v7  }
0x1f0: {  	[tilespmem:s2+$0x50B0] =	vst v7  }
0x1f1: {  	[tilespmem:s2+$0x77C0] =	vst v7  }
0x1f2: {  	[tilespmem:s2+$0x50C0] =	vst v7  }
0x1f3: {  	[tilespmem:s2+$0x77D0] =	vst v7  }
0x1f4: {  	[tilespmem:s2+$0x50D0] =	vst v7  }
0x1f5: {  	[tilespmem:s2+$0x77E0] =	vst v7  }
0x1f6: {  	[tilespmem:s2+$0x50E0] =	vst v7  }
0x1f7: {  	[tilespmem:s2+$0x77F0] =	vst v7  }
0x1f8: {  	[tilespmem:s2+$0x50F0] =	vst v7  }
0x1f9: {  	[tilespmem:s2+$0x7800] =	vst v7  }
0x1fa: {  	[tilespmem:s2+$0x5100] =	vst v7  }
0x1fb: {  	[tilespmem:s2+$0x7810] =	vst v7  }
0x1fc: {  	[tilespmem:s2+$0x5110] =	vst v7  }
0x1fd: {  	[tilespmem:s2+$0x7820] =	vst v7  }
0x1fe: {  	[tilespmem:s2+$0x5120] =	vst v7  }
0x1ff: {  	[tilespmem:s2+$0x7830] =	vst v7  }
0x200: {  	[tilespmem:s2+$0x5130] =	vst v7  }
0x201: {  	[tilespmem:s2+$0x7840] =	vst v7  }
0x202: {  	[tilespmem:s2+$0x5140] =	vst v7  }
0x203: {  	[tilespmem:s2+$0x7850] =	vst v7  }
0x204: {  	[tilespmem:s2+$0x5150] =	vst v7  }
0x205: {  	[tilespmem:s2+$0x7860] =	vst v7  }
0x206: {  	[tilespmem:s2+$0x5160] =	vst v7  }
0x207: {  	_ =	swait.ge [sflag:s26], $0x40  }
0x208: {  	[sflag:s26] =	ssyncset.done $0x0  }
0x209: {  	[sflag:s26] =	ssyncadd.s32 $0xFFFFFFC0  }
0x20a: {  	_ =	swait.ge [sflag:s26], $0x40  }
0x20b: {  	[sflag:s26] =	ssyncset.done $0x0  }
0x20c: {  	[sflag:s26] =	ssyncadd.s32 $0xFFFFFFC0  }
0x20d: {  	_ =	swait.ge [sflag:s26], $0x40  }
0x20e: {  	[sflag:s26] =	ssyncset.done $0x0  }
0x20f: {  	[sflag:s26] =	ssyncadd.s32 $0xFFFFFFC0  }
0x210: {  	_ =	swait.ge [sflag:s26], $0x40  }
0x211: {  	[sflag:s26] =	ssyncset.done $0x0  }
0x212: {  	[sflag:s26] =	ssyncadd.s32 $0xFFFFFFC0  }
0x213: {  	v23 =	vld.idx.msk [tilespmem:v4+s17+$0x0], $0xffff  }
0x214: {  	v29 =	vld [tilespmem:$0x100]  }
0x215: {  	v28 =	vld [tilespmem:$0x140]  }
0x216: {  	v27 =	vld [tilespmem:$0x110]  }
0x217: {  	v26 =	vld [tilespmem:$0x150]  }
0x218: {  	v25 =	vld [tilespmem:$0x120]  }
0x219: {  	v32 =	vld [tilespmem:$0xC0];
	v23 =	vmul.u32 $0x22, v23  }
0x21a: {  	s15 =	simm.s32 $0x0;
	v33 =	vld [tilespmem:$0x180]  }
0x21b: {  	v35 =	vld.idx.msk [tilespmem:v10+s15+$0x0], $0xffff;
	v30 =	vadd.s32 v0, v23;
	v24 =	vadd.s32 v9, v23  }
0x21c: {  	v31 =	vld [tilespmem:$0x160];
	v34 =	vadd.s32 v8, v23;
	vm0 =	vlt.s32 v24, $0xED  }
0x21d: {  	v60 =	vld.idx.msk [tilespmem:v6+s18+$0x0], $0xffff;
	v36 =	vnsel vm0, $0xED, v24  }
0x21e: {  	v23 =	vld [tilespmem:$0x170]  }
0x21f: {  	v37 =	vmul.f32 v32, v21;
	v38 =	vmul.f32 v33, v22;
	v24 =	vld [tilespmem:$0x130];
	vm0 =	vcmask $0x704  }
0x220: {  	v30 =	vld.idx.msk [tilespmem:v30+s19+$0x0], $0xffff  }
0x221: {  	vm4 =	vcmask $0xB08;
	v59 =	vadd.f32 v38, v37;
	v57 =	vld.idx.msk [tilespmem:v34+s19+$0x0], $0xffff  }
0x222: {  	v58 =	vld.idx.msk [tilespmem:v36+s19+$0x0], $0xffff  }
0x223: {  	vm5 =	vcmask $0xF0C;
	[tilespmem:v35+s30+$0x0] =	vst.idx.add.f32.msk $0x1, v59  }
0x224: {  	[tilespmem:v35+s31+$0x0] =	vst.idx.add.f32.msk $0x1, v11  }
0x225: {  	[tilespmem:v35+s30+$0x0] =	vst.idx.add.f32.msk vm0, v59  }
0x226: {  	[tilespmem:v35+s31+$0x0] =	vst.idx.add.f32.msk vm0, v11  }
0x227: {  	[tilespmem:v35+s30+$0x0] =	vst.idx.add.f32.msk vm4, v59  }
0x228: {  	[tilespmem:v35+s31+$0x0] =	vst.idx.add.f32.msk vm4, v11  }
0x229: {  	[tilespmem:v35+s30+$0x0] =	vst.idx.add.f32.msk vm5, v59  }
0x22a: {  	[tilespmem:v35+s31+$0x0] =	vst.idx.add.f32.msk vm5, v11  }
0x22b: {  	[tilespmem:v35+s30+$0x0] =	vst.idx.add.f32.msk vm8, v59  }
0x22c: {  	[tilespmem:v35+s31+$0x0] =	vst.idx.add.f32.msk vm8, v11  }
0x22d: {  	[tilespmem:v35+s30+$0x0] =	vst.idx.add.f32.msk vm9, v59  }
0x22e: {  	[tilespmem:v35+s31+$0x0] =	vst.idx.add.f32.msk vm9, v11  }
0x22f: {  	[tilespmem:v35+s30+$0x0] =	vst.idx.add.f32.msk vm10, v59  }
0x230: {  	[tilespmem:v35+s31+$0x0] =	vst.idx.add.f32.msk vm10, v11  }
0x231: {  	[tilespmem:v35+s30+$0x0] =	vst.idx.add.f32.msk vm11, v59  }
0x232: {  	[tilespmem:v35+s31+$0x0] =	vst.idx.add.f32.msk vm11, v11  }
0x233: {  	[tilespmem:v35+s30+$0x0] =	vst.idx.add.f32.msk vm12, v59  }
0x234: {  	[tilespmem:v35+s31+$0x0] =	vst.idx.add.f32.msk vm12, v11  }
0x235: {  	[tilespmem:v35+s30+$0x0] =	vst.idx.add.f32.msk vm13, v59  }
0x236: {  	[tilespmem:v35+s31+$0x0] =	vst.idx.add.f32.msk vm13, v11  }
0x237: {  	[tilespmem:v35+s30+$0x0] =	vst.idx.add.f32.msk vm14, v59  }
0x238: {  	[tilespmem:v35+s31+$0x0] =	vst.idx.add.f32.msk vm14, v11  }
0x239: {  	[tilespmem:v35+s30+$0x0] =	vst.idx.add.f32.msk vm15, v59  }
0x23a: {  	[tilespmem:v35+s31+$0x0] =	vst.idx.add.f32.msk vm15, v11  }
0x23b: {  	vm6 =	vcmask $0x3F3C;
	[tilespmem:v35+s30+$0x0] =	vst.idx.add.f32.msk vm1, v59  }
0x23c: {  	[tilespmem:v35+s31+$0x0] =	vst.idx.add.f32.msk vm1, v11  }
0x23d: {  	[tilespmem:v35+s30+$0x0] =	vst.idx.add.f32.msk vm2, v59  }
0x23e: {  	[tilespmem:v35+s31+$0x0] =	vst.idx.add.f32.msk vm2, v11  }
0x23f: {  	[tilespmem:v35+s30+$0x0] =	vst.idx.add.f32.msk vm3, v59  }
0x240: {  	[tilespmem:v35+s31+$0x0] =	vst.idx.add.f32.msk vm3, v11  }
0x241: {  	[tilespmem:v35+s30+$0x0] =	vst.idx.add.f32.msk vm6, v59  }
0x242: {  	[tilespmem:v35+s31+$0x0] =	vst.idx.add.f32.msk vm6, v11  }
0x243: {  	v34 =	vld [tilespmem:$0xD0]  }
0x244: {  	v35 =	vld [tilespmem:$0x190]  }
0x245: {  	v61 =	vld.idx.msk [tilespmem:v12+s15+$0x0], $0xffff;
	_ =	sdelay $0x3  }
0x246: {  	v34 =	vmul.f32 v34, v21;
	v35 =	vmul.f32 v35, v22;
	_ =	sdelay $0x1  }
0x247: {  	v34 =	vadd.f32 v35, v34;
	_ =	sdelay $0x1  }
0x248: {  	[tilespmem:v61+s30+$0x0] =	vst.idx.add.f32.msk $0x1, v34  }
0x249: {  	[tilespmem:v61+s31+$0x0] =	vst.idx.add.f32.msk $0x1, v11  }
0x24a: {  	[tilespmem:v61+s30+$0x0] =	vst.idx.add.f32.msk vm0, v34  }
0x24b: {  	[tilespmem:v61+s31+$0x0] =	vst.idx.add.f32.msk vm0, v11  }
0x24c: {  	[tilespmem:v61+s30+$0x0] =	vst.idx.add.f32.msk vm4, v34  }
0x24d: {  	[tilespmem:v61+s31+$0x0] =	vst.idx.add.f32.msk vm4, v11  }
0x24e: {  	[tilespmem:v61+s30+$0x0] =	vst.idx.add.f32.msk vm5, v34  }
0x24f: {  	[tilespmem:v61+s31+$0x0] =	vst.idx.add.f32.msk vm5, v11  }
0x250: {  	[tilespmem:v61+s30+$0x0] =	vst.idx.add.f32.msk vm8, v34  }
0x251: {  	[tilespmem:v61+s31+$0x0] =	vst.idx.add.f32.msk vm8, v11  }
0x252: {  	[tilespmem:v61+s30+$0x0] =	vst.idx.add.f32.msk vm9, v34  }
0x253: {  	[tilespmem:v61+s31+$0x0] =	vst.idx.add.f32.msk vm9, v11  }
0x254: {  	[tilespmem:v61+s30+$0x0] =	vst.idx.add.f32.msk vm10, v34  }
0x255: {  	[tilespmem:v61+s31+$0x0] =	vst.idx.add.f32.msk vm10, v11  }
0x256: {  	[tilespmem:v61+s30+$0x0] =	vst.idx.add.f32.msk vm11, v34  }
0x257: {  	[tilespmem:v61+s31+$0x0] =	vst.idx.add.f32.msk vm11, v11  }
0x258: {  	[tilespmem:v61+s30+$0x0] =	vst.idx.add.f32.msk vm12, v34  }
0x259: {  	[tilespmem:v61+s31+$0x0] =	vst.idx.add.f32.msk vm12, v11  }
0x25a: {  	[tilespmem:v61+s30+$0x0] =	vst.idx.add.f32.msk vm13, v34  }
0x25b: {  	[tilespmem:v61+s31+$0x0] =	vst.idx.add.f32.msk vm13, v11  }
0x25c: {  	[tilespmem:v61+s30+$0x0] =	vst.idx.add.f32.msk vm14, v34  }
0x25d: {  	[tilespmem:v61+s31+$0x0] =	vst.idx.add.f32.msk vm14, v11  }
0x25e: {  	[tilespmem:v61+s30+$0x0] =	vst.idx.add.f32.msk vm15, v34  }
0x25f: {  	[tilespmem:v61+s31+$0x0] =	vst.idx.add.f32.msk vm15, v11  }
0x260: {  	[tilespmem:v61+s30+$0x0] =	vst.idx.add.f32.msk vm1, v34  }
0x261: {  	[tilespmem:v61+s31+$0x0] =	vst.idx.add.f32.msk vm1, v11  }
0x262: {  	[tilespmem:v61+s30+$0x0] =	vst.idx.add.f32.msk vm2, v34  }
0x263: {  	[tilespmem:v61+s31+$0x0] =	vst.idx.add.f32.msk vm2, v11  }
0x264: {  	[tilespmem:v61+s30+$0x0] =	vst.idx.add.f32.msk vm3, v34  }
0x265: {  	[tilespmem:v61+s31+$0x0] =	vst.idx.add.f32.msk vm3, v11  }
0x266: {  	[tilespmem:v61+s30+$0x0] =	vst.idx.add.f32.msk vm6, v34  }
0x267: {  	[tilespmem:v61+s31+$0x0] =	vst.idx.add.f32.msk vm6, v11  }
0x268: {  	v34 =	vld [tilespmem:$0xE0]  }
0x269: {  	v62 =	vld [tilespmem:$0x1A0]  }
0x26a: {  	v37 =	vld.idx.msk [tilespmem:v13+s15+$0x0], $0xffff;
	_ =	sdelay $0x3  }
0x26b: {  	v34 =	vmul.f32 v34, v21;
	v35 =	vmul.f32 v62, v22;
	_ =	sdelay $0x1  }
0x26c: {  	v34 =	vadd.f32 v35, v34;
	_ =	sdelay $0x1  }
0x26d: {  	[tilespmem:v37+s30+$0x0] =	vst.idx.add.f32.msk $0x1, v34  }
0x26e: {  	[tilespmem:v37+s31+$0x0] =	vst.idx.add.f32.msk $0x1, v11  }
0x26f: {  	[tilespmem:v37+s30+$0x0] =	vst.idx.add.f32.msk vm0, v34  }
0x270: {  	[tilespmem:v37+s31+$0x0] =	vst.idx.add.f32.msk vm0, v11  }
0x271: {  	[tilespmem:v37+s30+$0x0] =	vst.idx.add.f32.msk vm4, v34  }
0x272: {  	[tilespmem:v37+s31+$0x0] =	vst.idx.add.f32.msk vm4, v11  }
0x273: {  	[tilespmem:v37+s30+$0x0] =	vst.idx.add.f32.msk vm5, v34  }
0x274: {  	[tilespmem:v37+s31+$0x0] =	vst.idx.add.f32.msk vm5, v11  }
0x275: {  	[tilespmem:v37+s30+$0x0] =	vst.idx.add.f32.msk vm8, v34  }
0x276: {  	[tilespmem:v37+s31+$0x0] =	vst.idx.add.f32.msk vm8, v11  }
0x277: {  	[tilespmem:v37+s30+$0x0] =	vst.idx.add.f32.msk vm9, v34  }
0x278: {  	[tilespmem:v37+s31+$0x0] =	vst.idx.add.f32.msk vm9, v11  }
0x279: {  	[tilespmem:v37+s30+$0x0] =	vst.idx.add.f32.msk vm10, v34  }
0x27a: {  	[tilespmem:v37+s31+$0x0] =	vst.idx.add.f32.msk vm10, v11  }
0x27b: {  	[tilespmem:v37+s30+$0x0] =	vst.idx.add.f32.msk vm11, v34  }
0x27c: {  	[tilespmem:v37+s31+$0x0] =	vst.idx.add.f32.msk vm11, v11  }
0x27d: {  	[tilespmem:v37+s30+$0x0] =	vst.idx.add.f32.msk vm12, v34  }
0x27e: {  	[tilespmem:v37+s31+$0x0] =	vst.idx.add.f32.msk vm12, v11  }
0x27f: {  	[tilespmem:v37+s30+$0x0] =	vst.idx.add.f32.msk vm13, v34  }
0x280: {  	[tilespmem:v37+s31+$0x0] =	vst.idx.add.f32.msk vm13, v11  }
0x281: {  	[tilespmem:v37+s30+$0x0] =	vst.idx.add.f32.msk vm14, v34  }
0x282: {  	[tilespmem:v37+s31+$0x0] =	vst.idx.add.f32.msk vm14, v11  }
0x283: {  	[tilespmem:v37+s30+$0x0] =	vst.idx.add.f32.msk vm15, v34  }
0x284: {  	[tilespmem:v37+s31+$0x0] =	vst.idx.add.f32.msk vm15, v11  }
0x285: {  	[tilespmem:v37+s30+$0x0] =	vst.idx.add.f32.msk vm1, v34  }
0x286: {  	[tilespmem:v37+s31+$0x0] =	vst.idx.add.f32.msk vm1, v11  }
0x287: {  	[tilespmem:v37+s30+$0x0] =	vst.idx.add.f32.msk vm2, v34  }
0x288: {  	[tilespmem:v37+s31+$0x0] =	vst.idx.add.f32.msk vm2, v11  }
0x289: {  	[tilespmem:v37+s30+$0x0] =	vst.idx.add.f32.msk vm3, v34  }
0x28a: {  	[tilespmem:v37+s31+$0x0] =	vst.idx.add.f32.msk vm3, v11  }
0x28b: {  	[tilespmem:v37+s30+$0x0] =	vst.idx.add.f32.msk vm6, v34  }
0x28c: {  	[tilespmem:v37+s31+$0x0] =	vst.idx.add.f32.msk vm6, v11  }
0x28d: {  	v34 =	vld [tilespmem:$0xF0]  }
0x28e: {  	v63 =	vld [tilespmem:$0x1B0]  }
0x28f: {  	v37 =	vld.idx.msk [tilespmem:v14+s15+$0x0], $0xffff;
	_ =	sdelay $0x3  }
0x290: {  	v21 =	vmul.f32 v34, v21;
	v22 =	vmul.f32 v63, v22;
	_ =	sdelay $0x1  }
0x291: {  	v21 =	vadd.f32 v22, v21  }
0x292: {  	v22 =	vadd.f32 $0.0e+00, v29  }
0x293: {  	[tilespmem:v37+s30+$0x0] =	vst.idx.add.f32.msk $0x1, v21  }
0x294: {  	v22 =	vadd.f32 v27, v22;
	v27 =	vld [tilespmem:$0x1FFF0]  }
0x295: {  	[tilespmem:v37+s31+$0x0] =	vst.idx.add.f32.msk $0x1, v11  }
0x296: {  	[tilespmem:v37+s30+$0x0] =	vst.idx.add.f32.msk vm0, v21  }
0x297: {  	[tilespmem:v37+s31+$0x0] =	vst.idx.add.f32.msk vm0, v11  }
0x298: {  	v28 =	vadd.f32 $0.0e+00, v28;
	[tilespmem:v37+s30+$0x0] =	vst.idx.add.f32.msk vm4, v21  }
0x299: {  	[tilespmem:v37+s31+$0x0] =	vst.idx.add.f32.msk vm4, v11  }
0x29a: {  	v26 =	vadd.f32 v26, v28;
	[tilespmem:v37+s30+$0x0] =	vst.idx.add.f32.msk vm5, v21  }
0x29b: {  	[tilespmem:v37+s31+$0x0] =	vst.idx.add.f32.msk vm5, v11  }
0x29c: {  	v26 =	vadd.f32 v31, v26;
	v17 =	vmul.f32 v30, v17;
	[tilespmem:v37+s30+$0x0] =	vst.idx.add.f32.msk vm8, v21  }
0x29d: {  	v18 =	vmul.f32 v57, v18;
	v19 =	vmul.f32 v30, v19;
	vm0 =	vcmask $0xF08;
	[tilespmem:v37+s31+$0x0] =	vst.idx.add.f32.msk vm8, v11  }
0x29e: {  	v22 =	vadd.f32 v25, v22;
	v25 =	vnsel vm0, $0x0, v60;
	vm0 =	vnez.u8 v27;
	[tilespmem:v37+s30+$0x0] =	vst.idx.add.f32.msk vm9, v21  }
0x29f: {  	v20 =	vmul.f32 v57, v20;
	v25 =	vsel vm0, v58, v25;
	[tilespmem:v37+s31+$0x0] =	vst.idx.add.f32.msk vm9, v11  }
0x2a0: {  	v17 =	vadd.f32 v18, v17;
	v15 =	vmul.f32 v25, v15;
	[tilespmem:v37+s30+$0x0] =	vst.idx.add.f32.msk vm10, v21  }
0x2a1: {  	v18 =	vadd.f32 v20, v19;
	v16 =	vmul.f32 v25, v16;
	[tilespmem:v37+s31+$0x0] =	vst.idx.add.f32.msk vm10, v11  }
0x2a2: {  	v19 =	vadd.f32 v24, v22;
	v15 =	vadd.f32 v15, v17;
	[tilespmem:v37+s30+$0x0] =	vst.idx.add.f32.msk vm11, v21  }
0x2a3: {  	v17 =	vadd.f32 v23, v26;
	v16 =	vadd.f32 v16, v18;
	[tilespmem:v37+s31+$0x0] =	vst.idx.add.f32.msk vm11, v11  }
0x2a4: {  	v15 =	vadd.f32 v15, v19;
	[tilespmem:v37+s30+$0x0] =	vst.idx.add.f32.msk vm12, v21  }
0x2a5: {  	v16 =	vadd.f32 v16, v17;
	[tilespmem:v37+s31+$0x0] =	vst.idx.add.f32.msk vm12, v11  }
0x2a6: {  	(xrf2) =	vadd.scan.msk.f32 $0xffff, v15;
	[tilespmem:v37+s30+$0x0] =	vst.idx.add.f32.msk vm13, v21  }
0x2a7: {  	(xrf2) =	vadd.scan.msk.f32 $0xffff, v16;
	[tilespmem:v37+s31+$0x0] =	vst.idx.add.f32.msk vm13, v11  }
0x2a8: {  	[tilespmem:v37+s30+$0x0] =	vst.idx.add.f32.msk vm14, v21  }
0x2a9: {  	[tilespmem:v37+s31+$0x0] =	vst.idx.add.f32.msk vm14, v11  }
0x2aa: {  	[tilespmem:v37+s30+$0x0] =	vst.idx.add.f32.msk vm15, v21  }
0x2ab: {  	[tilespmem:v37+s31+$0x0] =	vst.idx.add.f32.msk vm15, v11  }
0x2ac: {  	vm0 =	vmxor vm0, vm0;
	[tilespmem:v37+s30+$0x0] =	vst.idx.add.f32.msk vm1, v21  }
0x2ad: {  	[tilespmem:v37+s31+$0x0] =	vst.idx.add.f32.msk vm1, v11  }
0x2ae: {  	[tilespmem:v37+s30+$0x0] =	vst.idx.add.f32.msk vm2, v21  }
0x2af: {  	[tilespmem:v37+s31+$0x0] =	vst.idx.add.f32.msk vm2, v11  }
0x2b0: {  	v15, _, _ =	vpop (xrf2);
	[tilespmem:v37+s30+$0x0] =	vst.idx.add.f32.msk vm3, v21  }
0x2b1: {  	v16, _, _ =	vpop (xrf2);
	[tilespmem:v37+s31+$0x0] =	vst.idx.add.f32.msk vm3, v11  }
0x2b2: {  	(v2sf) =	vpush v16, $0xF;
	[tilespmem:v37+s30+$0x0] =	vst.idx.add.f32.msk vm0, v21  }
0x2b3: {  	s2 =	simm.s32 $0x0;
	[tilespmem:v37+s31+$0x0] =	vst.idx.add.f32.msk vm0, v11  }
0x2b4: {  	v22 =	vld [tilespmem:s2+$0x76F0]  }
0x2b5: {  	v23 =	vld [tilespmem:s2+$0x7700]  }
0x2b6: {  	v26 =	vld [tilespmem:s2+$0x7710];
	_ =	sdelay $0x1  }
0x2b7: {  	v27 =	vld [tilespmem:s2+$0x7720]  }
0x2b8: {  	v28 =	vld [tilespmem:s2+$0x7730];
	v16 =	vmax.f32 v22, $1.000000000e+00  }
0x2b9: {  	s15 =	simm.s32 $0x50;
	v18 =	vmax.f32 v23, $1.000000000e+00;
	(erf) = vrcp.f32 v16  }
0x2ba: {  	v17 =	vld [tilespmem:s15+$0x76F0];
	v16 =	vmax.f32 v26, $1.000000000e+00;
	(erf) = vrcp.f32 v18  }
0x2bb: {  	v19 =	vld [tilespmem:s15+$0x7710];
	(erf) = vrcp.f32 v16  }
0x2bc: {  	v20 =	vld [tilespmem:s15+$0x7720];
	v21 =	vmax.f32 v27, $1.000000000e+00  }
0x2bd: {  	v24 =	vmax.f32 v28, $1.000000000e+00;
	v18 =	vld [tilespmem:s15+$0x7700];
	(erf) = vrcp.f32 v21  }
0x2be: {  	v21 =	vld [tilespmem:s15+$0x7730];
	(erf) = vrcp.f32 v24  }
0x2bf: {  	vm4 =	vge.f32 v22, $5.000000000e-01;
	vm6 =	vge.f32 v23, $5.000000000e-01;
	v24 =	vld [tilespmem:s2+$0x4FE0]  }
0x2c0: {  	v25 =	vld [tilespmem:s2+$0x4FF0];
	vm0 =	vge.f32 v26, $5.000000000e-01;
	v30 =	vmax.f32 v17, $1.000000000e+00;
	s7 =	spop (v2sf);
	v16 =	vbroadcast v15, $0xF  }
0x2c1: {  	vm5 =	vge.f32 v27, $5.000000000e-01;
	v27 =	vmax.f32 v19, $1.000000000e+00;
	v22 =	vmax.f32 v20, $1.000000000e+00;
	v26 =	vld [tilespmem:s2+$0x5000];
	s4 =	sadd.f32 s7, s4  }
0x2c2: {  	v33 =	vnsel vm4, $0x0, v16;
	v32 =	vnsel vm6, $0x0, v16;
	vm4 =	vge.f32 v28, $5.000000000e-01;
	v28 =	vld [tilespmem:s2+$0x5010];
	v34 =	vpop (erf)  }
0x2c3: {  	v29 =	vld [tilespmem:s2+$0x5020];
	v15 =	vmov s4;
	s4 =	simm.s32 $0x280;
	v31 =	vmax.f32 v18, $1.000000000e+00;
	v23 =	vmax.f32 v21, $1.000000000e+00;
	v35 =	vpop (erf)  }
.LBB2_8:
0x2c4: {  	p0 =	sne.s32 s4, $0x9B00;
	v40 =	vmul.f32 v34, v24;
	v34 =	vnsel vm0, $0x0, v16;
	v36 =	vnsel vm5, $0x0, v16;
	v37 =	vpop (erf)  }
0x2c5: {  	s7 =	sshra.s32 s4, $0x2;
	v38 =	vmovc v21;
	(erf) = vrcp.f32 v30;
	v25 =	vmul.f32 v35, v25;
	v30 =	vnsel vm4, $0x0, v16;
	v35 =	vmovc v20  }
0x2c6: {  	v39 =	vld [tilespmem:s7+$0x76F0];
	(erf) = vrcp.f32 v31;
	v20 =	vadd.f32 v40, v33;
	v21 =	vmul.f32 v37, v26;
	v24 =	vpop (erf)  }
0x2c7: {  	v26 =	vld [tilespmem:s7+$0x7700];
	(erf) = vrcp.f32 v27;
	v25 =	vadd.f32 v25, v32;
	v24 =	vmul.f32 v24, v28;
	v27 =	vpop (erf)  }
0x2c8: {  	v28 =	vld [tilespmem:s7+$0x7710];
	v31 =	vadd.f32 v20, v15;
	v32 =	vadd.f32 v21, v34;
	v27 =	vmul.f32 v27, v29  }
0x2c9: {  	v20 =	vld [tilespmem:s7+$0x7720];
	(erf) = vrcp.f32 v22;
	v22 =	vadd.f32 v25, v15;
	v25 =	vadd.f32 v24, v36  }
0x2ca: {  	v21 =	vld [tilespmem:s7+$0x7730];
	(erf) = vrcp.f32 v23;
	[tilespmem:s2+$0x4FE0] =	vst v31;
	v23 =	vadd.f32 v32, v15;
	v27 =	vadd.f32 v27, v30  }
.Ltmp3:
0x2cb: {  	vm6 =	vge.f32 v17, $5.000000000e-01;
	v24 =	vld [tilespmem:s15+$0x4FE0];
	[tilespmem:s2+$0x4FF0] =	vst v22;
	v22 =	vadd.f32 v25, v15;
	v17 =	vmov v39;
	(pc) =	sbr.rel @p0 .LBB2_8-.Ltmp3, $4  }
0x2cc: {  	vm7 =	vge.f32 v18, $5.000000000e-01;
	vm0 =	vge.f32 v19, $5.000000000e-01;
	v25 =	vld [tilespmem:s15+$0x4FF0];
	[tilespmem:s2+$0x5000] =	vst v23;
	v23 =	vadd.f32 v27, v15;
	v18 =	vmovc v26  }
0x2cd: {  	vm4 =	vge.f32 v38, $5.000000000e-01;
	vm5 =	vge.f32 v35, $5.000000000e-01;
	v30 =	vmax.f32 v17, $1.000000000e+00;
	v26 =	vld [tilespmem:s15+$0x5000];
	[tilespmem:s2+$0x5010] =	vst v22;
	v19 =	vmovc v28  }
0x2ce: {  	v31 =	vmax.f32 v18, $1.000000000e+00;
	v27 =	vmax.f32 v19, $1.000000000e+00;
	v22 =	vmax.f32 v20, $1.000000000e+00;
	v28 =	vld [tilespmem:s15+$0x5010];
	v34 =	vpop (erf);
	[tilespmem:s2+$0x5020] =	vst v23;
	s2 =	smov.u32 s15;
	s15 =	smov.u32 s7  }
0x2cf: {  	s4 =	sadd.s32 $0x140, s4;
	v33 =	vnsel vm6, $0x0, v16;
	v32 =	vnsel vm7, $0x0, v16;
	v23 =	vmax.f32 v21, $1.000000000e+00;
	v29 =	vld [tilespmem:s2+$0x5020];
	v35 =	vpop (erf)  }
0x2d0: {  	v24 =	vmul.f32 v34, v24  }
0x2d1: {  	v39 =	vpop (erf);
	(erf) = vrcp.f32 v30;
	v40 =	vnsel vm0, $0x0, v16  }
0x2d2: {  	v42 =	vnsel vm5, $0x0, v16;
	v25 =	vmul.f32 v35, v25;
	v24 =	vadd.f32 v24, v33  }
0x2d3: {  	v45 =	vnsel vm4, $0x0, v16;
	(erf) = vrcp.f32 v31;
	v26 =	vmul.f32 v39, v26;
	v41 =	vpop (erf)  }
0x2d4: {  	v25 =	vadd.f32 v25, v32;
	v28 =	vmul.f32 v41, v28;
	v43 =	vpop (erf);
	v24 =	vadd.f32 v24, v15  }
0x2d5: {  	(erf) = vrcp.f32 v27;
	v26 =	vadd.f32 v26, v40;
	v27 =	vmul.f32 v43, v29  }
0x2d6: {  	(erf) = vrcp.f32 v22;
	v25 =	vadd.f32 v25, v15;
	[tilespmem:s2+$0x4FE0] =	vst v24;
	v24 =	vadd.f32 v28, v42  }
0x2d7: {  	(erf) = vrcp.f32 v23;
	v26 =	vadd.f32 v26, v15;
	v47 =	vadd.f32 v27, v45  }
0x2d8: {  	v44 =	vld [tilespmem:s15+$0x4FE0];
	[tilespmem:s2+$0x4FF0] =	vst v25;
	v24 =	vadd.f32 v24, v15  }
0x2d9: {  	v46 =	vld [tilespmem:s15+$0x4FF0];
	[tilespmem:s2+$0x5000] =	vst v26;
	v23 =	vadd.f32 v47, v15  }
0x2da: {  	v48 =	vld [tilespmem:s15+$0x5000];
	[tilespmem:s2+$0x5010] =	vst v24  }
0x2db: {  	v24 =	vld [tilespmem:s15+$0x5010];
	[tilespmem:s2+$0x5020] =	vst v23  }
0x2dc: {  	vm0 =	vge.f32 v17, $5.000000000e-01;
	vm4 =	vge.f32 v18, $5.000000000e-01;
	vm5 =	vge.f32 v19, $5.000000000e-01;
	v49 =	vpop (erf);
	v50 =	vld [tilespmem:s15+$0x5020]  }
0x2dd: {  	vm6 =	vge.f32 v20, $5.000000000e-01;
	vm7 =	vge.f32 v21, $5.000000000e-01;
	v51 =	vpop (erf);
	v17 =	vmul.f32 v49, v44  }
0x2de: {  	v52 =	vnsel vm0, $0x0, v16;
	v53 =	vnsel vm4, $0x0, v16;
	v54 =	vpop (erf);
	v19 =	vmul.f32 v51, v46  }
0x2df: {  	v55 =	vnsel vm5, $0x0, v16;
	v57 =	vpop (erf);
	v17 =	vadd.f32 v17, v52;
	v56 =	vmul.f32 v54, v48  }
0x2e0: {  	v58 =	vnsel vm6, $0x0, v16;
	v60 =	vpop (erf);
	v19 =	vadd.f32 v19, v53;
	v59 =	vmul.f32 v57, v24  }
0x2e1: {  	v17 =	vadd.f32 v17, v15;
	v20 =	vadd.f32 v56, v55;
	v18 =	vmul.f32 v60, v50  }
0x2e2: {  	v61 =	vnsel vm7, $0x0, v16;
	v19 =	vadd.f32 v19, v15;
	v21 =	vadd.f32 v59, v58  }
0x2e3: {  	[tilespmem:s15+$0x4FE0] =	vst v17;
	v62 =	vadd.f32 v20, v15;
	v16 =	vadd.f32 v18, v61  }
0x2e4: {  	[tilespmem:s15+$0x4FF0] =	vst v19;
	v63 =	vadd.f32 v21, v15  }
0x2e5: {  	[tilespmem:s15+$0x5000] =	vst v62;
	v15 =	vadd.f32 v16, v15  }
0x2e6: {  	[tilespmem:s15+$0x5010] =	vst v63  }
0x2e7: {  	s0 =	sadd.s32 $0x1, s0;
	[tilespmem:s15+$0x5020] =	vst v15  }
0x2e8: {  	[hbm4b:s13+s5] =	stream.linear.scatter [tilespmem:s30], [sflag:$0x2], $0x2710, $0x38;
	[tilespmem:$0xA040] =	vst v63  }
0x2e9: {  	p0 =	sne.s32 s0, s14;
	_ =	swait.ge [sflag:s3], $0x2710  }
.Ltmp4:
0x2ea: {  	[sflag:s3] =	ssyncset.done $0x0;
	(pc) =	sbr.rel @p0 .LBB2_1-.Ltmp4, $4  }
0x2eb: {  	[sflag:s3] =	ssyncadd.s32 $0xFFFFD8F0  }
0x2ec: {  	_ =	swait.ge [sflag:s3], $0x2710  }
0x2ed: {  	[sflag:s3] =	ssyncset.done $0x0  }
0x2ee: {  	[sflag:s3] =	ssyncadd.s32 $0xFFFFD8F0  }
0x2ef: {  	_ =	sfence.sel $0x180000  }
0x2f0: {  	[bflag:$0x0] =	sbarrier.arrive $0xFFFF  }
0x2f1: {  	_ =	strace $0x90000047  }
0x2f2: {  	s0 =	stileid.u32;
	[bflag:$0x2] =	sbarrier.arrive $0xFFFF  }
0x2f3: {  	p0 =	sne.s32 s0, $0x0;
	s0 =	rddreg [dreg:$0x4]  }
0x2f4: {  	s0 =	sadd.s32 @!p0 $0x100000, s0  }
0x2f5: {  	[sflag:s0] =	ssyncadd.tile.s32 @!p0 $0x1;
	_ =	shalt  }
.Lfunc_end2:
_tile_overlayer_lowered:
.L_overlay_start_2:
0x2f6: {  	(tag) =	ssettag $0x2  }
0x2f7: {  	s0 =	rddreg [dreg:$0x0];
	s2 =	stileid.u32  }
0x2f8: {  	s1 =	rddreg [dreg:$0x1];
	p0 =	sne.s32 s2, $0x0  }
0x2f9: {  	s3 =	rddreg [dreg:$0x2];
	[bflag:$0x3] =	sbarrier.arrive $0xFFFF;
	s2 =	simm.s32 @!p0 $0x1C03  }
0x2fa: {  	[timem:s3], [sflag:s2] =	dma.local @!p0 [hbm:s0], s1  }
0x2fb: {  	s0 =	simm.s32 @!p0 $0x3  }
0x2fc: {  	_ =	swait.ge @!p0 [sflag:s0], s1  }
0x2fd: {  	s1 =	ssub.s32 @!p0 $0x0, s1;
	[sflag:s0] =	ssyncset.done @!p0 $0x0  }
0x2fe: {  	[sflag:s0] =	ssyncadd.s32 @!p0 s1  }
0x2ff: {  	[bflag:$0x3] =	sbarrier.arrive $0xFFFF  }
0x300: {  	_ =	shalt  }

</sc_bundles>
